<compile_context>
chip_gen: v7x
topology: tpu7x:2x2x1
jax: 0.10.2.dev20260603
libtpu: 0.0.44.dev20260713+nightly
codegen_flags: <defaults>
</compile_context>

<pallas_src>
import jax
import jax.numpy as jnp
from jax import lax
from jax.experimental import pallas as pl
from jax.experimental.pallas import tpu as pltpu
from jax.experimental.pallas import tpu_sc as plsc

N = 10000
E = 320000
NHID = 128
K = 64
TEMP = 1.0

NC, NS, L = 2, 16, 16
NW = NC * NS
RT = 313
RTP = 320
NP = NW * RT
EPW = E // NW
CH = 4000
NCH = E // CH
CAP = 16384

_mesh = plsc.VectorSubcoreMesh(core_axis_name="c", subcore_axis_name="s")
_SC_PARAMS = pltpu.CompilerParams(needs_layout_passes=False)


def _wid():
    return lax.axis_index("s") * NC + lax.axis_index("c")


def _hist_body(cols_hbm, out_hbm, colbuf, hist, sem):
    wid = _wid()
    zero16 = jnp.zeros((L,), jnp.float32)

    def zstep(i, _):
        hist[pl.ds(i * L, L)] = zero16
        return 0

    lax.fori_loop(0, N // L, zstep, 0)
    pltpu.async_copy(cols_hbm.at[pl.ds(wid * EPW, EPW)], colbuf, sem).wait()
    ones = jnp.ones((L,), jnp.float32)

    def step(i, _):
        c16 = colbuf[pl.ds(i * L, L)]
        plsc.addupdate_scatter(hist, [c16], ones)
        return 0

    lax.fori_loop(0, EPW // L, step, 0)
    pltpu.sync_copy(hist, out_hbm.at[wid])


def _hist(cols):
    f = pl.kernel(
        _hist_body,
        out_type=jax.ShapeDtypeStruct((NW, N), jnp.float32),
        mesh=_mesh,
        compiler_params=_SC_PARAMS,
        scratch_types=[
            pltpu.VMEM((EPW,), jnp.int32),
            pltpu.VMEM((N,), jnp.float32),
            pltpu.SemaphoreType.DMA,
        ],
    )
    return f(cols)


def _degnorm_body(parts_ref, o_ref):
    deg = jnp.sum(parts_ref[...], axis=0, keepdims=True) + 1.0
    o_ref[...] = lax.rsqrt(deg)


def _degnorm(parts):
    return pl.pallas_call(
        _degnorm_body,
        grid=(1,),
        in_specs=[pl.BlockSpec((NW, N), lambda i: (0, 0))],
        out_specs=pl.BlockSpec((1, N), lambda i: (0, 0)),
        out_shape=jax.ShapeDtypeStruct((1, N), jnp.float32),
    )(parts)


_HBLK = 2000


def _h_body(x_ref, w_ref, o_ref):
    o_ref[...] = jnp.dot(x_ref[...], w_ref[...], preferred_element_type=jnp.float32)


def _linear(x, W):
    return pl.pallas_call(
        _h_body,
        grid=(N // _HBLK,),
        in_specs=[
            pl.BlockSpec((_HBLK, NHID), lambda i: (i, 0)),
            pl.BlockSpec((NHID, NHID), lambda i: (0, 0)),
        ],
        out_specs=pl.BlockSpec((_HBLK, NHID), lambda i: (i, 0)),
        out_shape=jax.ShapeDtypeStruct((N, NHID), jnp.float32),
    )(x, W)


def _route_body(rows_hbm, cols_hbm, dis_hbm,
                slots_hbm, avals_hbm, rsum_hbm,
                dis_v, er0, ec0, er1, ec1, rbuf, cbuf,
                slots_l, avals_l, cnt_l, rsum_l,
                sem0, sem1, semd):
    wid = _wid()
    lo = wid * RT
    hi = lo + RT
    iota = lax.iota(jnp.int32, L)
    zeros_f = jnp.zeros((L,), jnp.float32)
    zeros_i = jnp.zeros((L,), jnp.int32)

    cp_dis = pltpu.async_copy(dis_hbm, dis_v.at[pl.ds(0, N)], semd)
    dis_v[pl.ds(N, 16)] = zeros_f
    cp_dis.wait()

    @plsc.parallel_loop(0, RTP * K // L, unroll=8)
    def init_slots(i):
        fl = i * L + iota
        rid = jnp.minimum(lo + lax.shift_right_logical(fl, 6), N - 1)
        slots_l[pl.ds(i * L, L)] = rid
        avals_l[pl.ds(i * L, L)] = zeros_f

    @plsc.parallel_loop(0, RTP // L, unroll=4)
    def init_rows(i):
        cnt_l[pl.ds(i * L, L)] = zeros_i
        rsum_l[pl.ds(i * L, L)] = zeros_f

    def start(t, er, ec, sem):
        cr = pltpu.async_copy(rows_hbm.at[pl.ds(t * CH, CH)], er, sem)
        cc = pltpu.async_copy(cols_hbm.at[pl.ds(t * CH, CH)], ec, sem)
        return cr, cc

    start(0, er0, ec0, sem0)
    start(1, er1, ec1, sem1)

    def proc_chunk(er, ec, off_vec):
        @plsc.parallel_loop(0, CH // L, carry=off_vec, unroll=8)
        def final_off(i, off):
            r16 = er[pl.ds(i * L, L)]
            c16 = ec[pl.ds(i * L, L)]
            m = (r16 >= lo) & (r16 < hi)
            mi = m.astype(jnp.int32)
            pos = off + plsc.cumsum(mi) - mi
            mok = m & (pos < CAP)
            plsc.store_scatter(rbuf, [pos], r16 - lo, mask=mok)
            plsc.store_scatter(cbuf, [pos], c16, mask=mok)
            return off + plsc.all_reduce_population_count(m)

        return final_off

    def outer(i, off_vec):
        t = 2 * i
        pltpu.make_async_copy(rows_hbm.at[pl.ds(t * CH, CH)], er0, sem0).wait()
        pltpu.make_async_copy(cols_hbm.at[pl.ds(t * CH, CH)], ec0, sem0).wait()
        off_vec = proc_chunk(er0, ec0, off_vec)

        @pl.when(t + 2 < NCH)
        def _():
            start(t + 2, er0, ec0, sem0)

        pltpu.make_async_copy(rows_hbm.at[pl.ds((t + 1) * CH, CH)], er1, sem1).wait()
        pltpu.make_async_copy(cols_hbm.at[pl.ds((t + 1) * CH, CH)], ec1, sem1).wait()
        off_vec = proc_chunk(er1, ec1, off_vec)

        @pl.when(t + 3 < NCH)
        def _():
            start(t + 3, er1, ec1, sem1)

        return off_vec

    off_vec = lax.fori_loop(0, NCH // 2, outer, zeros_i)
    ne = jnp.minimum(off_vec, CAP)[0]

    ones_i = jnp.ones((L,), jnp.int32)
    nsteps = (ne + L - 1) // L

    def bin_step(i, _):
        sl = pl.ds(i * L, L)
        rv = rbuf[sl]
        cv = cbuf[sl]
        mvalid = (i * L + iota) < ne
        rank, _ = plsc.scan_count(rv, mask=mvalid)
        kbase = plsc.load_gather(cnt_l, [rv], mask=mvalid)
        kv = kbase + rank - 1
        dcv = plsc.load_gather(dis_v, [cv], mask=mvalid)
        pos = rv * K + kv
        mok = mvalid & (kv < K)
        plsc.store_scatter(slots_l, [pos], cv, mask=mok)
        plsc.store_scatter(avals_l, [pos], dcv, mask=mok)
        plsc.addupdate_scatter(cnt_l, [rv], ones_i, mask=mvalid)
        plsc.addupdate_scatter(rsum_l, [rv], dcv, mask=mvalid)
        return 0

    lax.fori_loop(0, nsteps, bin_step, 0)

    def fin_step(j, _):
        rloc = j * L + iota
        rglob = lo + rloc
        valid = (rloc < RT) & (rglob < N)
        k16 = jnp.minimum(cnt_l[pl.ds(j * L, L)], K - 1)
        dn = dis_v[pl.ds(lo + j * L, L)]
        fl = rloc * K + k16
        plsc.store_scatter(slots_l, [fl], jnp.minimum(rglob, N - 1), mask=valid)
        plsc.store_scatter(avals_l, [fl], dn, mask=valid)
        rs16 = rsum_l[pl.ds(j * L, L)]
        rsum_l[pl.ds(j * L, L)] = dn * (rs16 + dn)
        return 0

    lax.fori_loop(0, RTP // L, fin_step, 0)

    @plsc.parallel_loop(0, RT * K // L, unroll=8)
    def scale_step(i):
        fl = i * L + iota
        ridx = lo + lax.shift_right_logical(fl, 6)
        dn = plsc.load_gather(dis_v, [ridx])
        sl = pl.ds(i * L, L)
        avals_l[sl] = avals_l[sl] * dn

    pltpu.sync_copy(slots_l.at[pl.ds(0, RT * K)], slots_hbm.at[pl.ds(wid * RT * K, RT * K)])
    pltpu.sync_copy(avals_l.at[pl.ds(0, RT * K)], avals_hbm.at[pl.ds(wid * RT * K, RT * K)])
    pltpu.sync_copy(rsum_l, rsum_hbm.at[wid])


def _route(rows, cols, dis):
    f = pl.kernel(
        _route_body,
        out_type=(
            jax.ShapeDtypeStruct((NP * K,), jnp.int32),
            jax.ShapeDtypeStruct((NP * K,), jnp.float32),
            jax.ShapeDtypeStruct((NW, RTP), jnp.float32),
        ),
        mesh=_mesh,
        compiler_params=_SC_PARAMS,
        scratch_types=[
            pltpu.VMEM((N + 16,), jnp.float32),
            pltpu.VMEM((CH,), jnp.int32),
            pltpu.VMEM((CH,), jnp.int32),
            pltpu.VMEM((CH,), jnp.int32),
            pltpu.VMEM((CH,), jnp.int32),
            pltpu.VMEM((CAP + L,), jnp.int32),
            pltpu.VMEM((CAP + L,), jnp.int32),
            pltpu.VMEM((RTP * K,), jnp.int32),
            pltpu.VMEM((RTP * K,), jnp.float32),
            pltpu.VMEM((RTP,), jnp.int32),
            pltpu.VMEM((RTP,), jnp.float32),
            pltpu.SemaphoreType.DMA,
            pltpu.SemaphoreType.DMA,
            pltpu.SemaphoreType.DMA,
        ],
    )
    return f(rows, cols, dis)


_GSTEPS = (RT * K) // 128
_GTAIL = RT * K - _GSTEPS * 128


def _gather_body(h_hbm, slots_hbm, out_hbm, idxall,
                 gb0, gb1, gb2, gb3, gs0, gs1, gs2, gs3,
                 ws0, ws1, ws2, ws3, semi):
    wid = _wid()
    base = wid * RT * K
    pltpu.async_copy(slots_hbm.at[pl.ds(base, RT * K)], idxall, semi).wait()
    gbs = (gb0, gb1, gb2, gb3)
    gss = (gs0, gs1, gs2, gs3)
    wss = (ws0, ws1, ws2, ws3)

    def gstart(s, p):
        idxs = idxall.at[pl.ds(s * 128, 128)]
        return pltpu.async_copy(h_hbm.at[idxs], gbs[p], gss[p])

    def gwait(s, p):
        pltpu.make_async_copy(h_hbm.at[idxall.at[pl.ds(s * 128, 128)]],
                              gbs[p], gss[p]).wait()

    def wstart(s, p):
        return pltpu.async_copy(gbs[p], out_hbm.at[pl.ds(base + s * 128, 128)],
                                wss[p])

    def wwait(s, p):
        pltpu.make_async_copy(gbs[p], out_hbm.at[pl.ds(base + s * 128, 128)],
                              wss[p]).wait()

    gstart(0, 0)
    gstart(1, 1)

    def phase(s, p):
        gwait(s, p)
        wstart(s, p)

        @pl.when(s + 2 < _GSTEPS)
        def _():
            pn = (p + 2) % 4

            @pl.when(s >= 2)
            def _():
                wwait(s - 2, pn)

            gstart(s + 2, pn)

    def outer(i, _):
        t = 4 * i
        phase(t, 0)
        phase(t + 1, 1)
        phase(t + 2, 2)
        phase(t + 3, 3)
        return 0

    lax.fori_loop(0, _GSTEPS // 4, outer, 0)
    wwait(_GSTEPS - 4, (_GSTEPS - 4) % 4)
    wwait(_GSTEPS - 3, (_GSTEPS - 3) % 4)
    wwait(_GSTEPS - 2, (_GSTEPS - 2) % 4)
    wwait(_GSTEPS - 1, (_GSTEPS - 1) % 4)
    tb = base + _GSTEPS * 128
    idxs = idxall.at[pl.ds(_GSTEPS * 128, _GTAIL)]
    pltpu.async_copy(h_hbm.at[idxs], gb0.at[pl.ds(0, _GTAIL)], gs0).wait()
    pltpu.sync_copy(gb0.at[pl.ds(0, _GTAIL)], out_hbm.at[pl.ds(tb, _GTAIL)])


def _gather(h, slots):
    f = pl.kernel(
        _gather_body,
        out_type=jax.ShapeDtypeStruct((NP * K, NHID), jnp.float32),
        mesh=_mesh,
        compiler_params=_SC_PARAMS,
        scratch_types=[
            pltpu.VMEM((RT * K,), jnp.int32),
            pltpu.VMEM((128, NHID), jnp.float32),
            pltpu.VMEM((128, NHID), jnp.float32),
            pltpu.VMEM((128, NHID), jnp.float32),
            pltpu.VMEM((128, NHID), jnp.float32),
            pltpu.SemaphoreType.DMA,
            pltpu.SemaphoreType.DMA,
            pltpu.SemaphoreType.DMA,
            pltpu.SemaphoreType.DMA,
            pltpu.SemaphoreType.DMA,
            pltpu.SemaphoreType.DMA,
            pltpu.SemaphoreType.DMA,
            pltpu.SemaphoreType.DMA,
            pltpu.SemaphoreType.DMA,
        ],
    )
    return f(h, slots)


_R = 32


def _medoid_body(hsel_ref, a_ref, rs_ref, bias_ref, o_ref):
    xb = hsel_ref[...]
    PK = 4 * K
    grams = [
        jnp.dot(xb[p * PK:(p + 1) * PK], xb[p * PK:(p + 1) * PK].T,
                preferred_element_type=jnp.float32)
        for p in range(_R // 4)
    ]
    inner = jnp.concatenate(
        [grams[p][q * K:(q + 1) * K, q * K:(q + 1) * K]
         for p in range(_R // 4) for q in range(4)], axis=0)
    sqall = jnp.sum(xb * xb, axis=1)
    a = a_ref[...]
    sqm = jnp.broadcast_to(sqall.reshape(_R, 1, K), (_R, K, K)).reshape(_R * K, K)
    am = jnp.broadcast_to(a.reshape(_R, 1, K), (_R, K, K)).reshape(_R * K, K)
    d2 = sqall[:, None] + sqm - 2.0 * inner
    dist = jnp.sqrt(jnp.maximum(d2, 0.0) + 1e-12)
    c = jnp.sum(dist * am, axis=1).reshape(_R, K)
    valid = a > 0
    cmin = jnp.min(jnp.where(valid, c, 1e30), axis=1, keepdims=True)
    rs = rs_ref[...]
    w = jnp.exp(-(c - cmin) / (TEMP * rs)) * a
    w = w / jnp.maximum(jnp.sum(w, axis=1, keepdims=True), 1e-12)
    ri = lax.broadcasted_iota(jnp.int32, (_R, _R * K), 0)
    ci = lax.broadcasted_iota(jnp.int32, (_R, _R * K), 1)
    wfull = jnp.where(ri == lax.shift_right_logical(ci, 6),
                      jnp.broadcast_to(w.reshape(1, _R * K), (_R, _R * K)), 0.0)
    out = rs * jnp.dot(wfull, xb, preferred_element_type=jnp.float32)
    o_ref[...] = jnp.maximum(out + bias_ref[...], 0.0)


def _medoid(hsel2d, a, rs2d, bias2d):
    return pl.pallas_call(
        _medoid_body,
        grid=(NP // _R,),
        in_specs=[
            pl.BlockSpec((_R * K, NHID), lambda i: (i, 0)),
            pl.BlockSpec((_R, K), lambda i: (i, 0)),
            pl.BlockSpec((_R, 1), lambda i: (i, 0)),
            pl.BlockSpec((1, NHID), lambda i: (0, 0)),
        ],
        out_specs=pl.BlockSpec((_R, NHID), lambda i: (i, 0)),
        out_shape=jax.ShapeDtypeStruct((NP, NHID), jnp.float32),
    )(hsel2d, a, rs2d, bias2d)


_BM = 400


def _gram_body(hi_ref, hj_ref, o_ref):
    o_ref[...] = lax.dot_general(
        hi_ref[...], hj_ref[...],
        dimension_numbers=(((1,), (1,)), ((), ())),
        preferred_element_type=jnp.float32,
    )


def _gram(hout):
    nb = N // _BM
    return pl.pallas_call(
        _gram_body,
        grid=(nb,),
        in_specs=[
            pl.BlockSpec((_BM, NHID), lambda i: (i, 0)),
            pl.BlockSpec((N, NHID), lambda i: (0, 0)),
        ],
        out_specs=pl.BlockSpec((_BM, N), lambda i: (i, 0)),
        out_shape=jax.ShapeDtypeStruct((N, N), jnp.float32),
    )(hout, hout)


def kernel(x, edge_index, W, bias):
    rows = edge_index[0]
    cols = edge_index[1]
    parts = _hist(cols)
    dis = _degnorm(parts).reshape(N)
    h = _linear(x, W)
    slots, avals, rsum = _route(rows, cols, dis)
    hsel = _gather(h, slots)
    a2 = avals.reshape(NP, K)
    rs2 = rsum[:, :RT].reshape(NP, 1)
    hout = _medoid(hsel, a2, rs2, bias.reshape(1, NHID))
    return _gram(hout[:N])

# --- scband reference (transcript-rebuilt; emitter-appended) ---
"""Pipeline reference for scband-structure-decoder-9663676416842 (READ-ONLY COPY).

The authoritative reference and input builder live on the scoring server;
editing this copy changes nothing except your own understanding.
"""

import jax, jax.numpy as jnp
import numpy as np

N = 10000
E = 320000
NHID = 128
K = 64
TEMP = 1.0
BIG = 1e12


def setup_inputs(seed: int = 0) -> dict:
    key = jax.random.key(seed)
    k1, k2, k3 = jax.random.split(key, 3)
    x = jax.random.normal(k1, (N, NHID), dtype=jnp.float32)
    edge_index = jax.random.randint(k2, (2, E), 0, N, dtype=jnp.int32)
    # GCNConv linear weight: glorot uniform, no bias in lin; separate bias init zeros
    limit = float(np.sqrt(6.0 / (NHID + NHID)))
    W = jax.random.uniform(k3, (NHID, NHID), dtype=jnp.float32, minval=-limit, maxval=limit)
    bias = jnp.zeros((NHID,), dtype=jnp.float32)
    return {"x": x, "edge_index": edge_index, "W": W, "bias": bias}


def gcn_norm_dense(edge_index):
    # gcn_norm with add_self_loops=True, edge_weight=1
    loops = jnp.arange(N, dtype=edge_index.dtype)
    row = jnp.concatenate([edge_index[0], loops])
    col = jnp.concatenate([edge_index[1], loops])
    w = jnp.ones(row.shape[0], dtype=jnp.float32)
    deg = jnp.zeros((N,), dtype=jnp.float32).at[col].add(w)
    dis = jnp.where(deg > 0, 1.0 / jnp.sqrt(jnp.maximum(deg, 1e-12)), 0.0)
    norm = dis[row] * w * dis[col]
    # torch.sparse.FloatTensor(edge_index, norm).coalesce() -> duplicate edges summed
    A = jnp.zeros((N, N), dtype=jnp.float32).at[row, col].add(norm)
    return A


def soft_k_medoid(A, x):
    # soft_weighted_medoid_k_neighborhood(A, x, k=64, temperature=1.0, with_weight_correction=True)
    a, idx = jax.lax.top_k(A, K)              # [N, K] top-k neighbor weights per row
    row_sum = A.sum(-1)                        # [N] total neighborhood weight
    x_sel = x[idx]                             # [N, K, D] gather neighbor embeddings
    sq = jnp.sum(x_sel ** 2, axis=-1)          # [N, K]
    inner = jnp.einsum('nkd,nmd->nkm', x_sel, x_sel)
    dist = jnp.sqrt(jnp.maximum(sq[:, :, None] + sq[:, None, :] - 2.0 * inner, 0.0) + 1e-12)
    # weighted sum of distances from each candidate to all (top-k) neighbors
    c = jnp.einsum('nm,nkm->nk', a, dist)
    c = jnp.where(a > 0, c, BIG)
    s = jax.nn.softmax(-c / (TEMP * row_sum[:, None]), axis=-1)
    # weight correction: reweight soft-medoid scores by edge weights and renormalize
    sw = s * a
    sw = sw / jnp.maximum(sw.sum(-1, keepdims=True), 1e-12)
    out = row_sum[:, None] * jnp.einsum('nk,nkd->nd', sw, x_sel)
    return out


def reference(x, edge_index, W, bias):
    A = gcn_norm_dense(edge_index)
    h = x @ W                      # GCNConv lin
    h = soft_k_medoid(A, h) + bias # robust aggregation + bias
    h = jax.nn.relu(h)
    # dropout p=0.0 -> identity
    return h @ h.T                 # dense structure reconstruction [N, N]

if __name__ == "__main__":
    import jax
    _d = setup_inputs()
    print(jax.jit(kernel)(*tuple(_d.values())))

</pallas_src>

<mosaic_0001>
#map = affine_map<(d0, d1) -> (0)>
#map1 = affine_map<(d0, d1) -> (0, 0)>
module attributes {stable_mosaic.version = 14 : i64} {
  func.func @_route_body(%arg0: i32, %arg1: i32, %arg2: memref<320000xi32, #tpu.memory_space<hbm>>, %arg3: memref<320000xi32, #tpu.memory_space<hbm>>, %arg4: memref<10000xf32, #tpu.memory_space<hbm>>, %arg5: memref<641024xi32, #tpu.memory_space<hbm>>, %arg6: memref<641024xf32, #tpu.memory_space<hbm>>, %arg7: memref<32x320xf32, #tpu.memory_space<hbm>>, %arg8: memref<10016xf32, #tpu.memory_space<vmem>>, %arg9: memref<4000xi32, #tpu.memory_space<vmem>>, %arg10: memref<4000xi32, #tpu.memory_space<vmem>>, %arg11: memref<4000xi32, #tpu.memory_space<vmem>>, %arg12: memref<4000xi32, #tpu.memory_space<vmem>>, %arg13: memref<16400xi32, #tpu.memory_space<vmem>>, %arg14: memref<16400xi32, #tpu.memory_space<vmem>>, %arg15: memref<20480xi32, #tpu.memory_space<vmem>>, %arg16: memref<20480xf32, #tpu.memory_space<vmem>>, %arg17: memref<320xi32, #tpu.memory_space<vmem>>, %arg18: memref<320xf32, #tpu.memory_space<vmem>>, %arg19: memref<!tpu.dma_semaphore, #tpu.memory_space<semaphore_mem>>, %arg20: memref<!tpu.dma_semaphore, #tpu.memory_space<semaphore_mem>>, %arg21: memref<!tpu.dma_semaphore, #tpu.memory_space<semaphore_mem>>) attributes {dimension_semantics = [#tpu.dimension_semantics<core_parallel>, #tpu.dimension_semantics<subcore_parallel>], iteration_bounds = array<i64: 2, 16>, scalar_prefetch = 0 : i64, scratch_operands = 14 : i64, tpu.core_type = #tpu.core_type<sc_vector_subcore>, window_params = [{transform_indices = #map}, {transform_indices = #map}, {transform_indices = #map}, {transform_indices = #map}, {transform_indices = #map}, {transform_indices = #map1}]} {
    %mul3A = arith.constant 2 : i32
    %mul3A_0 = arith.muli %arg1, %mul3A : i32
    %add3A = arith.addi %mul3A_0, %arg0 : i32
    %mul3A_1 = arith.constant 313 : i32
    %mul3A_2 = arith.muli %add3A, %mul3A_1 : i32
    %add3A_3 = arith.constant 313 : i32
    %add3A_4 = arith.addi %mul3A_2, %add3A_3 : i32
    %iota3A = tpu.iota {dimensions = array<i32: 0>} : vector<16xi32>
    %broadcast_in_dim3A = arith.constant 0.000000e+00 : f32
    %broadcast_in_dim3A_5 = vector.broadcast %broadcast_in_dim3A : f32 to vector<16xf32>
    %broadcast_in_dim3A_6 = arith.constant 0 : i32
    %broadcast_in_dim3A_7 = vector.broadcast %broadcast_in_dim3A_6 : i32 to vector<16xi32>
    %dma_start3A = arith.constant 0 : i32
    %dma_start3A_8 = tpu.memref_slice %arg8[%dma_start3A] : memref<10016xf32, #tpu.memory_space<vmem>> -> memref<10000xf32, #tpu.memory_space<vmem>>
    %dma_start3A_9 = arith.constant 0 : i32
    %dma_start3A_10 = tpu.memref_slice %arg8[%dma_start3A_9] : memref<10016xf32, #tpu.memory_space<vmem>> -> memref<10000xf32, #tpu.memory_space<vmem>>
    tpu.enqueue_dma source(%arg4 : memref<10000xf32, #tpu.memory_space<hbm>>) target(%dma_start3A_10 : memref<10000xf32, #tpu.memory_space<vmem>>) target_semaphore(%arg21 : memref<!tpu.dma_semaphore, #tpu.memory_space<semaphore_mem>>)
    %swap3A = arith.constant 10000 : index
    %swap3A_11 = tpu.vector_load %arg8[%swap3A] {strides = array<i32>} : memref<10016xf32, #tpu.memory_space<vmem>>, vector<16xf32>,
    tpu.vector_store %arg8[%swap3A], %broadcast_in_dim3A_5 {strides = array<i32>} : memref<10016xf32, #tpu.memory_space<vmem>>, vector<16xf32>,
    %dma_wait3A = arith.constant 0 : i32
    %dma_wait3A_12 = tpu.memref_slice %arg8[%dma_wait3A] : memref<10016xf32, #tpu.memory_space<vmem>> -> memref<10000xf32, #tpu.memory_space<vmem>>
    %dma_wait3A_13 = arith.constant 0 : i32
    %dma_wait3A_14 = tpu.memref_slice %arg8[%dma_wait3A_13] : memref<10016xf32, #tpu.memory_space<vmem>> -> memref<10000xf32, #tpu.memory_space<vmem>>
    tpu.wait_dma2 semaphore(%arg21 : memref<!tpu.dma_semaphore, #tpu.memory_space<semaphore_mem>>) src(%arg4 : memref<10000xf32, #tpu.memory_space<hbm>>) dst(%dma_wait3A_14 : memref<10000xf32, #tpu.memory_space<vmem>>)
    %parallel_loop3A = arith.constant 0 : i32
    %parallel_loop3A_15 = arith.constant 1280 : i32
    %parallel_loop3A_16 = arith.constant 1 : i32
    scf.for %parallel_loop3A_94 = %parallel_loop3A to %parallel_loop3A_15 step %parallel_loop3A_16  : i32 {
      %parallel_loop3A_95 = arith.constant 16 : i32
      %parallel_loop3A_96 = arith.muli %parallel_loop3A_94, %parallel_loop3A_95 : i32
      %parallel_loop3A_97 = vector.broadcast %parallel_loop3A_96 : i32 to vector<16xi32>
      %parallel_loop3A_98 = arith.addi %parallel_loop3A_97, %iota3A : vector<16xi32>
      %parallel_loop3A_99 = arith.constant 6 : i32
      %parallel_loop3A_100 = vector.broadcast %parallel_loop3A_99 : i32 to vector<16xi32>
      %parallel_loop3A_101 = arith.shrui %parallel_loop3A_98, %parallel_loop3A_100 : vector<16xi32>
      %parallel_loop3A_102 = vector.broadcast %mul3A_2 : i32 to vector<16xi32>
      %parallel_loop3A_103 = arith.addi %parallel_loop3A_102, %parallel_loop3A_101 : vector<16xi32>
      %parallel_loop3A_104 = arith.constant 9999 : i32
      %parallel_loop3A_105 = vector.broadcast %parallel_loop3A_104 : i32 to vector<16xi32>
      %parallel_loop3A_106 = arith.minsi %parallel_loop3A_103, %parallel_loop3A_105 : vector<16xi32>
      %parallel_loop3A_107 = arith.constant 16 : i32
      %parallel_loop3A_108 = arith.muli %parallel_loop3A_94, %parallel_loop3A_107 : i32
      %parallel_loop3A_109 = arith.index_cast %parallel_loop3A_108 : i32 to index
      %parallel_loop3A_110 = tpu.vector_load %arg15[%parallel_loop3A_109] {strides = array<i32>} : memref<20480xi32, #tpu.memory_space<vmem>>, vector<16xi32>,
      tpu.vector_store %arg15[%parallel_loop3A_109], %parallel_loop3A_106 {strides = array<i32>} : memref<20480xi32, #tpu.memory_space<vmem>>, vector<16xi32>,
      %parallel_loop3A_111 = arith.constant 16 : i32
      %parallel_loop3A_112 = arith.muli %parallel_loop3A_94, %parallel_loop3A_111 : i32
      %parallel_loop3A_113 = arith.index_cast %parallel_loop3A_112 : i32 to index
      %parallel_loop3A_114 = tpu.vector_load %arg16[%parallel_loop3A_113] {strides = array<i32>} : memref<20480xf32, #tpu.memory_space<vmem>>, vector<16xf32>,
      tpu.vector_store %arg16[%parallel_loop3A_113], %broadcast_in_dim3A_5 {strides = array<i32>} : memref<20480xf32, #tpu.memory_space<vmem>>, vector<16xf32>,
    } {sc.loop_unroll_factor = 8 : i64, sc.parallel_access}
    %parallel_loop3A_17 = arith.constant 0 : i32
    %parallel_loop3A_18 = arith.constant 20 : i32
    %parallel_loop3A_19 = arith.constant 1 : i32
    scf.for %parallel_loop3A_94 = %parallel_loop3A_17 to %parallel_loop3A_18 step %parallel_loop3A_19  : i32 {
      %parallel_loop3A_95 = arith.constant 16 : i32
      %parallel_loop3A_96 = arith.muli %parallel_loop3A_94, %parallel_loop3A_95 : i32
      %parallel_loop3A_97 = arith.index_cast %parallel_loop3A_96 : i32 to index
      %parallel_loop3A_98 = tpu.vector_load %arg17[%parallel_loop3A_97] {strides = array<i32>} : memref<320xi32, #tpu.memory_space<vmem>>, vector<16xi32>,
      tpu.vector_store %arg17[%parallel_loop3A_97], %broadcast_in_dim3A_7 {strides = array<i32>} : memref<320xi32, #tpu.memory_space<vmem>>, vector<16xi32>,
      %parallel_loop3A_99 = arith.constant 16 : i32
      %parallel_loop3A_100 = arith.muli %parallel_loop3A_94, %parallel_loop3A_99 : i32
      %parallel_loop3A_101 = arith.index_cast %parallel_loop3A_100 : i32 to index
      %parallel_loop3A_102 = tpu.vector_load %arg18[%parallel_loop3A_101] {strides = array<i32>} : memref<320xf32, #tpu.memory_space<vmem>>, vector<16xf32>,
      tpu.vector_store %arg18[%parallel_loop3A_101], %broadcast_in_dim3A_5 {strides = array<i32>} : memref<320xf32, #tpu.memory_space<vmem>>, vector<16xf32>,
    } {sc.loop_unroll_factor = 4 : i64, sc.parallel_access}
    %dma_start3A_20 = arith.constant 0 : i32
    %dma_start3A_21 = tpu.memref_slice %arg2[%dma_start3A_20] : memref<320000xi32, #tpu.memory_space<hbm>> -> memref<4000xi32, #tpu.memory_space<hbm>>
    %dma_start3A_22 = arith.constant 0 : i32
    %dma_start3A_23 = tpu.memref_slice %arg2[%dma_start3A_22] : memref<320000xi32, #tpu.memory_space<hbm>> -> memref<4000xi32, #tpu.memory_space<hbm>>
    tpu.enqueue_dma source(%dma_start3A_23 : memref<4000xi32, #tpu.memory_space<hbm>>) target(%arg9 : memref<4000xi32, #tpu.memory_space<vmem>>) target_semaphore(%arg19 : memref<!tpu.dma_semaphore, #tpu.memory_space<semaphore_mem>>)
    %dma_start3A_24 = arith.constant 0 : i32
    %dma_start3A_25 = tpu.memref_slice %arg3[%dma_start3A_24] : memref<320000xi32, #tpu.memory_space<hbm>> -> memref<4000xi32, #tpu.memory_space<hbm>>
    %dma_start3A_26 = arith.constant 0 : i32
    %dma_start3A_27 = tpu.memref_slice %arg3[%dma_start3A_26] : memref<320000xi32, #tpu.memory_space<hbm>> -> memref<4000xi32, #tpu.memory_space<hbm>>
    tpu.enqueue_dma source(%dma_start3A_27 : memref<4000xi32, #tpu.memory_space<hbm>>) target(%arg10 : memref<4000xi32, #tpu.memory_space<vmem>>) target_semaphore(%arg19 : memref<!tpu.dma_semaphore, #tpu.memory_space<semaphore_mem>>)
    %dma_start3A_28 = arith.constant 4000 : i32
    %dma_start3A_29 = tpu.memref_slice %arg2[%dma_start3A_28] : memref<320000xi32, #tpu.memory_space<hbm>> -> memref<4000xi32, #tpu.memory_space<hbm>>
    %dma_start3A_30 = arith.constant 4000 : i32
    %dma_start3A_31 = tpu.memref_slice %arg2[%dma_start3A_30] : memref<320000xi32, #tpu.memory_space<hbm>> -> memref<4000xi32, #tpu.memory_space<hbm>>
    tpu.enqueue_dma source(%dma_start3A_31 : memref<4000xi32, #tpu.memory_space<hbm>>) target(%arg11 : memref<4000xi32, #tpu.memory_space<vmem>>) target_semaphore(%arg20 : memref<!tpu.dma_semaphore, #tpu.memory_space<semaphore_mem>>)
    %dma_start3A_32 = arith.constant 4000 : i32
    %dma_start3A_33 = tpu.memref_slice %arg3[%dma_start3A_32] : memref<320000xi32, #tpu.memory_space<hbm>> -> memref<4000xi32, #tpu.memory_space<hbm>>
    %dma_start3A_34 = arith.constant 4000 : i32
    %dma_start3A_35 = tpu.memref_slice %arg3[%dma_start3A_34] : memref<320000xi32, #tpu.memory_space<hbm>> -> memref<4000xi32, #tpu.memory_space<hbm>>
    tpu.enqueue_dma source(%dma_start3A_35 : memref<4000xi32, #tpu.memory_space<hbm>>) target(%arg12 : memref<4000xi32, #tpu.memory_space<vmem>>) target_semaphore(%arg20 : memref<!tpu.dma_semaphore, #tpu.memory_space<semaphore_mem>>)
    %scan3A = arith.constant 0 : i32
    %scan3A_36 = arith.constant 40 : i32
    %scan3A_37 = arith.addi %scan3A, %scan3A_36 : i32
    %scan3A_38 = arith.constant 1 : i32
    %scan3A_39 = scf.for %scan3A_94 = %scan3A to %scan3A_37 step %scan3A_38 iter_args(%scan3A_95 = %broadcast_in_dim3A_7) -> (vector<16xi32>)  : i32 {
      %mul3A_96 = arith.constant 2 : i32
      %mul3A_97 = arith.muli %mul3A_96, %scan3A_94 : i32
      %mul3A_98 = arith.constant 4000 : i32
      %mul3A_99 = arith.muli %mul3A_97, %mul3A_98 : i32
      %dma_wait3A_100 = tpu.memref_slice %arg2[%mul3A_99] : memref<320000xi32, #tpu.memory_space<hbm>> -> memref<4000xi32, #tpu.memory_space<hbm>>
      %dma_wait3A_101 = tpu.memref_slice %arg2[%mul3A_99] : memref<320000xi32, #tpu.memory_space<hbm>> -> memref<4000xi32, #tpu.memory_space<hbm>>
      tpu.wait_dma2 semaphore(%arg19 : memref<!tpu.dma_semaphore, #tpu.memory_space<semaphore_mem>>) src(%dma_wait3A_101 : memref<4000xi32, #tpu.memory_space<hbm>>) dst(%arg9 : memref<4000xi32, #tpu.memory_space<vmem>>)
      %mul3A_102 = arith.constant 4000 : i32
      %mul3A_103 = arith.muli %mul3A_97, %mul3A_102 : i32
      %dma_wait3A_104 = tpu.memref_slice %arg3[%mul3A_103] : memref<320000xi32, #tpu.memory_space<hbm>> -> memref<4000xi32, #tpu.memory_space<hbm>>
      %dma_wait3A_105 = tpu.memref_slice %arg3[%mul3A_103] : memref<320000xi32, #tpu.memory_space<hbm>> -> memref<4000xi32, #tpu.memory_space<hbm>>
      tpu.wait_dma2 semaphore(%arg19 : memref<!tpu.dma_semaphore, #tpu.memory_space<semaphore_mem>>) src(%dma_wait3A_105 : memref<4000xi32, #tpu.memory_space<hbm>>) dst(%arg10 : memref<4000xi32, #tpu.memory_space<vmem>>)
      %parallel_loop3A_106 = arith.constant 0 : i32
      %parallel_loop3A_107 = arith.constant 250 : i32
      %parallel_loop3A_108 = arith.constant 1 : i32
      %parallel_loop3A_109 = scf.for %parallel_loop3A_137 = %parallel_loop3A_106 to %parallel_loop3A_107 step %parallel_loop3A_108 iter_args(%parallel_loop3A_138 = %scan3A_95) -> (vector<16xi32>)  : i32 {
        %parallel_loop3A_139 = arith.constant 16 : i32
        %parallel_loop3A_140 = arith.muli %parallel_loop3A_137, %parallel_loop3A_139 : i32
        %parallel_loop3A_141 = arith.index_cast %parallel_loop3A_140 : i32 to index
        %parallel_loop3A_142 = tpu.vector_load %arg9[%parallel_loop3A_141] {strides = array<i32>} : memref<4000xi32, #tpu.memory_space<vmem>>, vector<16xi32>,
        %parallel_loop3A_143 = arith.constant 16 : i32
        %parallel_loop3A_144 = arith.muli %parallel_loop3A_137, %parallel_loop3A_143 : i32
        %parallel_loop3A_145 = arith.index_cast %parallel_loop3A_144 : i32 to index
        %parallel_loop3A_146 = tpu.vector_load %arg10[%parallel_loop3A_145] {strides = array<i32>} : memref<4000xi32, #tpu.memory_space<vmem>>, vector<16xi32>,
        %parallel_loop3A_147 = vector.broadcast %mul3A_2 : i32 to vector<16xi32>
        %parallel_loop3A_148 = arith.cmpi sge, %parallel_loop3A_142, %parallel_loop3A_147 : vector<16xi32>
        %parallel_loop3A_149 = vector.broadcast %add3A_4 : i32 to vector<16xi32>
        %parallel_loop3A_150 = arith.cmpi slt, %parallel_loop3A_142, %parallel_loop3A_149 : vector<16xi32>
        %parallel_loop3A_151 = arith.andi %parallel_loop3A_148, %parallel_loop3A_150 : vector<16xi1>
        %parallel_loop3A_152 = arith.extui %parallel_loop3A_151 : vector<16xi1> to vector<16xi32>
        %parallel_loop3A_153 = arith.constant true
        %parallel_loop3A_154 = vector.broadcast %parallel_loop3A_153 : i1 to vector<16xi1>
        %parallel_loop3A_155 = tpu.scan <sum>, %parallel_loop3A_152 masked %parallel_loop3A_154 : vector<16xi32>, vector<16xi1> -> vector<16xi32>
        %parallel_loop3A_156 = arith.addi %parallel_loop3A_138, %parallel_loop3A_155 : vector<16xi32>
        %parallel_loop3A_157 = arith.subi %parallel_loop3A_156, %parallel_loop3A_152 : vector<16xi32>
        %parallel_loop3A_158 = arith.constant 16384 : i32
        %parallel_loop3A_159 = vector.broadcast %parallel_loop3A_158 : i32 to vector<16xi32>
        %parallel_loop3A_160 = arith.cmpi slt, %parallel_loop3A_157, %parallel_loop3A_159 : vector<16xi32>
        %parallel_loop3A_161 = arith.andi %parallel_loop3A_151, %parallel_loop3A_160 : vector<16xi1>
        %parallel_loop3A_162 = vector.broadcast %mul3A_2 : i32 to vector<16xi32>
        %parallel_loop3A_163 = arith.subi %parallel_loop3A_142, %parallel_loop3A_162 : vector<16xi32>
        tpu.vector_store_idx %arg13[%parallel_loop3A_157], %parallel_loop3A_163 masked %parallel_loop3A_161 : memref<16400xi32, #tpu.memory_space<vmem>>[vector<16xi32>], vector<16xi32>, vector<16xi1>
        tpu.vector_store_idx %arg14[%parallel_loop3A_157], %parallel_loop3A_146 masked %parallel_loop3A_161 : memref<16400xi32, #tpu.memory_space<vmem>>[vector<16xi32>], vector<16xi32>, vector<16xi1>
        %parallel_loop3A_164 = tpu.all_reduce %parallel_loop3A_151 {dim = 0 : i64, kind = #tpu.reduction_kind<sum>} : vector<16xi1> -> vector<16xi32>
        %parallel_loop3A_165 = arith.addi %parallel_loop3A_138, %parallel_loop3A_164 : vector<16xi32>
        scf.yield %parallel_loop3A_165 : vector<16xi32>
      } {sc.loop_unroll_factor = 8 : i64, sc.parallel_access}
      %add3A_110 = arith.constant 2 : i32
      %add3A_111 = arith.addi %mul3A_97, %add3A_110 : i32
      %lt3A = arith.constant 80 : i32
      %lt3A_112 = arith.cmpi slt, %add3A_111, %lt3A : i32
      %convert_element_type3A = arith.extui %lt3A_112 : i1 to i32
      %cond3A = arith.constant 0 : i32
      %cond3A_113 = arith.cmpi ne, %convert_element_type3A, %cond3A : i32
      scf.if %cond3A_113 {
        %add3A_137 = arith.constant 2 : i32
        %add3A_138 = arith.addi %mul3A_97, %add3A_137 : i32
        %mul3A_139 = arith.constant 4000 : i32
        %mul3A_140 = arith.muli %add3A_138, %mul3A_139 : i32
        %dma_start3A_141 = tpu.memref_slice %arg2[%mul3A_140] : memref<320000xi32, #tpu.memory_space<hbm>> -> memref<4000xi32, #tpu.memory_space<hbm>>
        %dma_start3A_142 = tpu.memref_slice %arg2[%mul3A_140] : memref<320000xi32, #tpu.memory_space<hbm>> -> memref<4000xi32, #tpu.memory_space<hbm>>
        tpu.enqueue_dma source(%dma_start3A_142 : memref<4000xi32, #tpu.memory_space<hbm>>) target(%arg9 : memref<4000xi32, #tpu.memory_space<vmem>>) target_semaphore(%arg19 : memref<!tpu.dma_semaphore, #tpu.memory_space<semaphore_mem>>)
        %mul3A_143 = arith.constant 4000 : i32
        %mul3A_144 = arith.muli %add3A_138, %mul3A_143 : i32
        %dma_start3A_145 = tpu.memref_slice %arg3[%mul3A_144] : memref<320000xi32, #tpu.memory_space<hbm>> -> memref<4000xi32, #tpu.memory_space<hbm>>
        %dma_start3A_146 = tpu.memref_slice %arg3[%mul3A_144] : memref<320000xi32, #tpu.memory_space<hbm>> -> memref<4000xi32, #tpu.memory_space<hbm>>
        tpu.enqueue_dma source(%dma_start3A_146 : memref<4000xi32, #tpu.memory_space<hbm>>) target(%arg10 : memref<4000xi32, #tpu.memory_space<vmem>>) target_semaphore(%arg19 : memref<!tpu.dma_semaphore, #tpu.memory_space<semaphore_mem>>)
      } else {
      }
      %add3A_114 = arith.constant 1 : i32
      %add3A_115 = arith.addi %mul3A_97, %add3A_114 : i32
      %mul3A_116 = arith.constant 4000 : i32
      %mul3A_117 = arith.muli %add3A_115, %mul3A_116 : i32
      %dma_wait3A_118 = tpu.memref_slice %arg2[%mul3A_117] : memref<320000xi32, #tpu.memory_space<hbm>> -> memref<4000xi32, #tpu.memory_space<hbm>>
      %dma_wait3A_119 = tpu.memref_slice %arg2[%mul3A_117] : memref<320000xi32, #tpu.memory_space<hbm>> -> memref<4000xi32, #tpu.memory_space<hbm>>
      tpu.wait_dma2 semaphore(%arg20 : memref<!tpu.dma_semaphore, #tpu.memory_space<semaphore_mem>>) src(%dma_wait3A_119 : memref<4000xi32, #tpu.memory_space<hbm>>) dst(%arg11 : memref<4000xi32, #tpu.memory_space<vmem>>)
      %add3A_120 = arith.constant 1 : i32
      %add3A_121 = arith.addi %mul3A_97, %add3A_120 : i32
      %mul3A_122 = arith.constant 4000 : i32
      %mul3A_123 = arith.muli %add3A_121, %mul3A_122 : i32
      %dma_wait3A_124 = tpu.memref_slice %arg3[%mul3A_123] : memref<320000xi32, #tpu.memory_space<hbm>> -> memref<4000xi32, #tpu.memory_space<hbm>>
      %dma_wait3A_125 = tpu.memref_slice %arg3[%mul3A_123] : memref<320000xi32, #tpu.memory_space<hbm>> -> memref<4000xi32, #tpu.memory_space<hbm>>
      tpu.wait_dma2 semaphore(%arg20 : memref<!tpu.dma_semaphore, #tpu.memory_space<semaphore_mem>>) src(%dma_wait3A_125 : memref<4000xi32, #tpu.memory_space<hbm>>) dst(%arg12 : memref<4000xi32, #tpu.memory_space<vmem>>)
      %parallel_loop3A_126 = arith.constant 0 : i32
      %parallel_loop3A_127 = arith.constant 250 : i32
      %parallel_loop3A_128 = arith.constant 1 : i32
      %parallel_loop3A_129 = scf.for %parallel_loop3A_137 = %parallel_loop3A_126 to %parallel_loop3A_127 step %parallel_loop3A_128 iter_args(%parallel_loop3A_138 = %parallel_loop3A_109) -> (vector<16xi32>)  : i32 {
        %parallel_loop3A_139 = arith.constant 16 : i32
        %parallel_loop3A_140 = arith.muli %parallel_loop3A_137, %parallel_loop3A_139 : i32
        %parallel_loop3A_141 = arith.index_cast %parallel_loop3A_140 : i32 to index
        %parallel_loop3A_142 = tpu.vector_load %arg11[%parallel_loop3A_141] {strides = array<i32>} : memref<4000xi32, #tpu.memory_space<vmem>>, vector<16xi32>,
        %parallel_loop3A_143 = arith.constant 16 : i32
        %parallel_loop3A_144 = arith.muli %parallel_loop3A_137, %parallel_loop3A_143 : i32
        %parallel_loop3A_145 = arith.index_cast %parallel_loop3A_144 : i32 to index
        %parallel_loop3A_146 = tpu.vector_load %arg12[%parallel_loop3A_145] {strides = array<i32>} : memref<4000xi32, #tpu.memory_space<vmem>>, vector<16xi32>,
        %parallel_loop3A_147 = vector.broadcast %mul3A_2 : i32 to vector<16xi32>
        %parallel_loop3A_148 = arith.cmpi sge, %parallel_loop3A_142, %parallel_loop3A_147 : vector<16xi32>
        %parallel_loop3A_149 = vector.broadcast %add3A_4 : i32 to vector<16xi32>
        %parallel_loop3A_150 = arith.cmpi slt, %parallel_loop3A_142, %parallel_loop3A_149 : vector<16xi32>
        %parallel_loop3A_151 = arith.andi %parallel_loop3A_148, %parallel_loop3A_150 : vector<16xi1>
        %parallel_loop3A_152 = arith.extui %parallel_loop3A_151 : vector<16xi1> to vector<16xi32>
        %parallel_loop3A_153 = arith.constant true
        %parallel_loop3A_154 = vector.broadcast %parallel_loop3A_153 : i1 to vector<16xi1>
        %parallel_loop3A_155 = tpu.scan <sum>, %parallel_loop3A_152 masked %parallel_loop3A_154 : vector<16xi32>, vector<16xi1> -> vector<16xi32>
        %parallel_loop3A_156 = arith.addi %parallel_loop3A_138, %parallel_loop3A_155 : vector<16xi32>
        %parallel_loop3A_157 = arith.subi %parallel_loop3A_156, %parallel_loop3A_152 : vector<16xi32>
        %parallel_loop3A_158 = arith.constant 16384 : i32
        %parallel_loop3A_159 = vector.broadcast %parallel_loop3A_158 : i32 to vector<16xi32>
        %parallel_loop3A_160 = arith.cmpi slt, %parallel_loop3A_157, %parallel_loop3A_159 : vector<16xi32>
        %parallel_loop3A_161 = arith.andi %parallel_loop3A_151, %parallel_loop3A_160 : vector<16xi1>
        %parallel_loop3A_162 = vector.broadcast %mul3A_2 : i32 to vector<16xi32>
        %parallel_loop3A_163 = arith.subi %parallel_loop3A_142, %parallel_loop3A_162 : vector<16xi32>
        tpu.vector_store_idx %arg13[%parallel_loop3A_157], %parallel_loop3A_163 masked %parallel_loop3A_161 : memref<16400xi32, #tpu.memory_space<vmem>>[vector<16xi32>], vector<16xi32>, vector<16xi1>
        tpu.vector_store_idx %arg14[%parallel_loop3A_157], %parallel_loop3A_146 masked %parallel_loop3A_161 : memref<16400xi32, #tpu.memory_space<vmem>>[vector<16xi32>], vector<16xi32>, vector<16xi1>
        %parallel_loop3A_164 = tpu.all_reduce %parallel_loop3A_151 {dim = 0 : i64, kind = #tpu.reduction_kind<sum>} : vector<16xi1> -> vector<16xi32>
        %parallel_loop3A_165 = arith.addi %parallel_loop3A_138, %parallel_loop3A_164 : vector<16xi32>
        scf.yield %parallel_loop3A_165 : vector<16xi32>
      } {sc.loop_unroll_factor = 8 : i64, sc.parallel_access}
      %add3A_130 = arith.constant 3 : i32
      %add3A_131 = arith.addi %mul3A_97, %add3A_130 : i32
      %lt3A_132 = arith.constant 80 : i32
      %lt3A_133 = arith.cmpi slt, %add3A_131, %lt3A_132 : i32
      %convert_element_type3A_134 = arith.extui %lt3A_133 : i1 to i32
      %cond3A_135 = arith.constant 0 : i32
      %cond3A_136 = arith.cmpi ne, %convert_element_type3A_134, %cond3A_135 : i32
      scf.if %cond3A_136 {
        %add3A_137 = arith.constant 3 : i32
        %add3A_138 = arith.addi %mul3A_97, %add3A_137 : i32
        %mul3A_139 = arith.constant 4000 : i32
        %mul3A_140 = arith.muli %add3A_138, %mul3A_139 : i32
        %dma_start3A_141 = tpu.memref_slice %arg2[%mul3A_140] : memref<320000xi32, #tpu.memory_space<hbm>> -> memref<4000xi32, #tpu.memory_space<hbm>>
        %dma_start3A_142 = tpu.memref_slice %arg2[%mul3A_140] : memref<320000xi32, #tpu.memory_space<hbm>> -> memref<4000xi32, #tpu.memory_space<hbm>>
        tpu.enqueue_dma source(%dma_start3A_142 : memref<4000xi32, #tpu.memory_space<hbm>>) target(%arg11 : memref<4000xi32, #tpu.memory_space<vmem>>) target_semaphore(%arg20 : memref<!tpu.dma_semaphore, #tpu.memory_space<semaphore_mem>>)
        %mul3A_143 = arith.constant 4000 : i32
        %mul3A_144 = arith.muli %add3A_138, %mul3A_143 : i32
        %dma_start3A_145 = tpu.memref_slice %arg3[%mul3A_144] : memref<320000xi32, #tpu.memory_space<hbm>> -> memref<4000xi32, #tpu.memory_space<hbm>>
        %dma_start3A_146 = tpu.memref_slice %arg3[%mul3A_144] : memref<320000xi32, #tpu.memory_space<hbm>> -> memref<4000xi32, #tpu.memory_space<hbm>>
        tpu.enqueue_dma source(%dma_start3A_146 : memref<4000xi32, #tpu.memory_space<hbm>>) target(%arg12 : memref<4000xi32, #tpu.memory_space<vmem>>) target_semaphore(%arg20 : memref<!tpu.dma_semaphore, #tpu.memory_space<semaphore_mem>>)
      } else {
      }
      scf.yield %parallel_loop3A_129 : vector<16xi32>
    }
    %scan3A_40 = arith.constant 40 : i32
    %min3A = arith.constant 16384 : i32
    %min3A_41 = vector.broadcast %min3A : i32 to vector<16xi32>
    %min3A_42 = arith.minsi %scan3A_39, %min3A_41 : vector<16xi32>
    %slice3A = vector.extract_strided_slice %min3A_42 {offsets = [0], sizes = [1], strides = [1]} : vector<16xi32> to vector<1xi32>
    %squeeze3A = vector.extract %slice3A[0] : i32 from vector<1xi32>
    %broadcast_in_dim3A_43 = arith.constant 1 : i32
    %broadcast_in_dim3A_44 = vector.broadcast %broadcast_in_dim3A_43 : i32 to vector<16xi32>
    %add3A_45 = arith.constant 16 : i32
    %add3A_46 = arith.addi %squeeze3A, %add3A_45 : i32
    %sub3A = arith.constant 1 : i32
    %sub3A_47 = arith.subi %add3A_46, %sub3A : i32
    %jit3A = arith.constant 16 : i32
    %div3A = arith.divsi %sub3A_47, %jit3A : i32
    %sign3A = arith.constant 0 : i32
    %sign3A_48 = arith.cmpi sgt, %sub3A_47, %sign3A : i32
    %sign3A_49 = arith.extui %sign3A_48 : i1 to i32
    %sign3A_50 = arith.constant 0 : i32
    %sign3A_51 = arith.cmpi slt, %sub3A_47, %sign3A_50 : i32
    %sign3A_52 = arith.extui %sign3A_51 : i1 to i32
    %sign3A_53 = arith.subi %sign3A_49, %sign3A_52 : i32
    %sign3A_54 = arith.constant 0 : i32
    %sign3A_55 = arith.cmpi sgt, %jit3A, %sign3A_54 : i32
    %sign3A_56 = arith.extui %sign3A_55 : i1 to i32
    %sign3A_57 = arith.constant 0 : i32
    %sign3A_58 = arith.cmpi slt, %jit3A, %sign3A_57 : i32
    %sign3A_59 = arith.extui %sign3A_58 : i1 to i32
    %sign3A_60 = arith.subi %sign3A_56, %sign3A_59 : i32
    %ne3A = arith.cmpi ne, %sign3A_53, %sign3A_60 : i32
    %rem3A = arith.remsi %sub3A_47, %jit3A : i32
    %ne3A_61 = arith.constant 0 : i32
    %ne3A_62 = arith.cmpi ne, %rem3A, %ne3A_61 : i32
    %and3A = arith.andi %ne3A, %ne3A_62 : i1
    %sub3A_63 = arith.constant 1 : i32
    %sub3A_64 = arith.subi %div3A, %sub3A_63 : i32
    %select_n3A = arith.select %and3A, %sub3A_64, %div3A : i32
    %while3A = arith.constant 0 : i32
    %while3A_65 = arith.constant 0 : i32
    %while3A_66 = arith.subi %select_n3A, %while3A : i32
    %while3A_67 = arith.addi %while3A, %while3A_66 : i32
    %while3A_68 = arith.constant 1 : i32
    %while3A_69 = arith.divsi %while3A_66, %while3A_68 : i32
    %while3A_70 = arith.muli %while3A_69, %while3A_68 : i32
    %while3A_71 = arith.addi %while3A, %while3A_70 : i32
    %while3A_72 = arith.constant 1 : i32
    %while3A_73 = scf.for %while3A_94 = %while3A to %while3A_71 step %while3A_72 iter_args(%while3A_95 = %while3A_65) -> (i32)  : i32 {
      %mul3A_96 = arith.constant 16 : i32
      %mul3A_97 = arith.muli %while3A_94, %mul3A_96 : i32
      %get3A = arith.index_cast %mul3A_97 : i32 to index
      %get3A_98 = tpu.vector_load %arg13[%get3A] {strides = array<i32>} : memref<16400xi32, #tpu.memory_space<vmem>>, vector<16xi32>,
      %get3A_99 = arith.index_cast %mul3A_97 : i32 to index
      %get3A_100 = tpu.vector_load %arg14[%get3A_99] {strides = array<i32>} : memref<16400xi32, #tpu.memory_space<vmem>>, vector<16xi32>,
      %mul3A_101 = arith.constant 16 : i32
      %mul3A_102 = arith.muli %while3A_94, %mul3A_101 : i32
      %add3A_103 = vector.broadcast %mul3A_102 : i32 to vector<16xi32>
      %add3A_104 = arith.addi %add3A_103, %iota3A : vector<16xi32>
      %lt3A = vector.broadcast %squeeze3A : i32 to vector<16xi32>
      %lt3A_105 = arith.cmpi slt, %add3A_104, %lt3A : vector<16xi32>
      %unique3A, %unique3A_106 = tpu.scan_count mask(%lt3A_105 : vector<16xi1>) value(%get3A_98 : vector<16xi32>) : vector<16xi1>, vector<16xi32>
      %gather3A = tpu.vector_load_idx %arg17[%get3A_98] masked %lt3A_105 : memref<320xi32, #tpu.memory_space<vmem>>[vector<16xi32>], vector<16xi32>, vector<16xi1>
      %add3A_107 = arith.addi %gather3A, %unique3A_106 : vector<16xi32>
      %sub3A_108 = arith.constant 1 : i32
      %sub3A_109 = vector.broadcast %sub3A_108 : i32 to vector<16xi32>
      %sub3A_110 = arith.subi %add3A_107, %sub3A_109 : vector<16xi32>
      %gather3A_111 = tpu.vector_load_idx %arg8[%get3A_100] masked %lt3A_105 : memref<10016xf32, #tpu.memory_space<vmem>>[vector<16xi32>], vector<16xf32>, vector<16xi1>
      %mul3A_112 = arith.constant 64 : i32
      %mul3A_113 = vector.broadcast %mul3A_112 : i32 to vector<16xi32>
      %mul3A_114 = arith.muli %get3A_98, %mul3A_113 : vector<16xi32>
      %add3A_115 = arith.addi %mul3A_114, %sub3A_110 : vector<16xi32>
      %lt3A_116 = arith.constant 64 : i32
      %lt3A_117 = vector.broadcast %lt3A_116 : i32 to vector<16xi32>
      %lt3A_118 = arith.cmpi slt, %sub3A_110, %lt3A_117 : vector<16xi32>
      %and3A_119 = arith.andi %lt3A_105, %lt3A_118 : vector<16xi1>
      tpu.vector_store_idx %arg15[%add3A_115], %get3A_100 masked %and3A_119 : memref<20480xi32, #tpu.memory_space<vmem>>[vector<16xi32>], vector<16xi32>, vector<16xi1>
      tpu.vector_store_idx %arg16[%add3A_115], %gather3A_111 masked %and3A_119 : memref<20480xf32, #tpu.memory_space<vmem>>[vector<16xi32>], vector<16xf32>, vector<16xi1>
      tpu.vector_store_idx %arg17[%get3A_98], %broadcast_in_dim3A_44 masked %lt3A_105 {add = true} : memref<320xi32, #tpu.memory_space<vmem>>[vector<16xi32>], vector<16xi32>, vector<16xi1>
      tpu.vector_store_idx %arg18[%get3A_98], %gather3A_111 masked %lt3A_105 {add = true} : memref<320xf32, #tpu.memory_space<vmem>>[vector<16xi32>], vector<16xf32>, vector<16xi1>
      %while3A_120 = arith.constant 0 : i32
      scf.yield %while3A_120 : i32
    }
    %while3A_74 = arith.constant 1 : i32
    %while3A_75 = scf.for %while3A_94 = %while3A_71 to %while3A_67 step %while3A_74 iter_args(%while3A_95 = %while3A_73) -> (i32)  : i32 {
      %mul3A_96 = arith.constant 16 : i32
      %mul3A_97 = arith.muli %while3A_94, %mul3A_96 : i32
      %get3A = arith.index_cast %mul3A_97 : i32 to index
      %get3A_98 = tpu.vector_load %arg13[%get3A] {strides = array<i32>} : memref<16400xi32, #tpu.memory_space<vmem>>, vector<16xi32>,
      %get3A_99 = arith.index_cast %mul3A_97 : i32 to index
      %get3A_100 = tpu.vector_load %arg14[%get3A_99] {strides = array<i32>} : memref<16400xi32, #tpu.memory_space<vmem>>, vector<16xi32>,
      %mul3A_101 = arith.constant 16 : i32
      %mul3A_102 = arith.muli %while3A_94, %mul3A_101 : i32
      %add3A_103 = vector.broadcast %mul3A_102 : i32 to vector<16xi32>
      %add3A_104 = arith.addi %add3A_103, %iota3A : vector<16xi32>
      %lt3A = vector.broadcast %squeeze3A : i32 to vector<16xi32>
      %lt3A_105 = arith.cmpi slt, %add3A_104, %lt3A : vector<16xi32>
      %unique3A, %unique3A_106 = tpu.scan_count mask(%lt3A_105 : vector<16xi1>) value(%get3A_98 : vector<16xi32>) : vector<16xi1>, vector<16xi32>
      %gather3A = tpu.vector_load_idx %arg17[%get3A_98] masked %lt3A_105 : memref<320xi32, #tpu.memory_space<vmem>>[vector<16xi32>], vector<16xi32>, vector<16xi1>
      %add3A_107 = arith.addi %gather3A, %unique3A_106 : vector<16xi32>
      %sub3A_108 = arith.constant 1 : i32
      %sub3A_109 = vector.broadcast %sub3A_108 : i32 to vector<16xi32>
      %sub3A_110 = arith.subi %add3A_107, %sub3A_109 : vector<16xi32>
      %gather3A_111 = tpu.vector_load_idx %arg8[%get3A_100] masked %lt3A_105 : memref<10016xf32, #tpu.memory_space<vmem>>[vector<16xi32>], vector<16xf32>, vector<16xi1>
      %mul3A_112 = arith.constant 64 : i32
      %mul3A_113 = vector.broadcast %mul3A_112 : i32 to vector<16xi32>
      %mul3A_114 = arith.muli %get3A_98, %mul3A_113 : vector<16xi32>
      %add3A_115 = arith.addi %mul3A_114, %sub3A_110 : vector<16xi32>
      %lt3A_116 = arith.constant 64 : i32
      %lt3A_117 = vector.broadcast %lt3A_116 : i32 to vector<16xi32>
      %lt3A_118 = arith.cmpi slt, %sub3A_110, %lt3A_117 : vector<16xi32>
      %and3A_119 = arith.andi %lt3A_105, %lt3A_118 : vector<16xi1>
      tpu.vector_store_idx %arg15[%add3A_115], %get3A_100 masked %and3A_119 : memref<20480xi32, #tpu.memory_space<vmem>>[vector<16xi32>], vector<16xi32>, vector<16xi1>
      tpu.vector_store_idx %arg16[%add3A_115], %gather3A_111 masked %and3A_119 : memref<20480xf32, #tpu.memory_space<vmem>>[vector<16xi32>], vector<16xf32>, vector<16xi1>
      tpu.vector_store_idx %arg17[%get3A_98], %broadcast_in_dim3A_44 masked %lt3A_105 {add = true} : memref<320xi32, #tpu.memory_space<vmem>>[vector<16xi32>], vector<16xi32>, vector<16xi1>
      tpu.vector_store_idx %arg18[%get3A_98], %gather3A_111 masked %lt3A_105 {add = true} : memref<320xf32, #tpu.memory_space<vmem>>[vector<16xi32>], vector<16xf32>, vector<16xi1>
      %while3A_120 = arith.constant 0 : i32
      scf.yield %while3A_120 : i32
    }
    %scan3A_76 = arith.constant 0 : i32
    %scan3A_77 = arith.constant 0 : i32
    %scan3A_78 = arith.constant 20 : i32
    %scan3A_79 = arith.addi %scan3A_77, %scan3A_78 : i32
    %scan3A_80 = arith.constant 1 : i32
    %scan3A_81 = scf.for %scan3A_94 = %scan3A_77 to %scan3A_79 step %scan3A_80 iter_args(%scan3A_95 = %scan3A_76) -> (i32)  : i32 {
      %mul3A_96 = arith.constant 16 : i32
      %mul3A_97 = arith.muli %scan3A_94, %mul3A_96 : i32
      %add3A_98 = vector.broadcast %mul3A_97 : i32 to vector<16xi32>
      %add3A_99 = arith.addi %add3A_98, %iota3A : vector<16xi32>
      %add3A_100 = vector.broadcast %mul3A_2 : i32 to vector<16xi32>
      %add3A_101 = arith.addi %add3A_100, %add3A_99 : vector<16xi32>
      %lt3A = arith.constant 313 : i32
      %lt3A_102 = vector.broadcast %lt3A : i32 to vector<16xi32>
      %lt3A_103 = arith.cmpi slt, %add3A_99, %lt3A_102 : vector<16xi32>
      %lt3A_104 = arith.constant 10000 : i32
      %lt3A_105 = vector.broadcast %lt3A_104 : i32 to vector<16xi32>
      %lt3A_106 = arith.cmpi slt, %add3A_101, %lt3A_105 : vector<16xi32>
      %and3A_107 = arith.andi %lt3A_103, %lt3A_106 : vector<16xi1>
      %mul3A_108 = arith.constant 16 : i32
      %mul3A_109 = arith.muli %scan3A_94, %mul3A_108 : i32
      %get3A = arith.index_cast %mul3A_109 : i32 to index
      %get3A_110 = tpu.vector_load %arg17[%get3A] {strides = array<i32>} : memref<320xi32, #tpu.memory_space<vmem>>, vector<16xi32>,
      %min3A_111 = arith.constant 63 : i32
      %min3A_112 = vector.broadcast %min3A_111 : i32 to vector<16xi32>
      %min3A_113 = arith.minsi %get3A_110, %min3A_112 : vector<16xi32>
      %mul3A_114 = arith.constant 16 : i32
      %mul3A_115 = arith.muli %scan3A_94, %mul3A_114 : i32
      %add3A_116 = arith.addi %mul3A_2, %mul3A_115 : i32
      %get3A_117 = arith.index_cast %add3A_116 : i32 to index
      %get3A_118 = tpu.vector_load %arg8[%get3A_117] {strides = array<i32>} : memref<10016xf32, #tpu.memory_space<vmem>>, vector<16xf32>,
      %mul3A_119 = arith.constant 64 : i32
      %mul3A_120 = vector.broadcast %mul3A_119 : i32 to vector<16xi32>
      %mul3A_121 = arith.muli %add3A_99, %mul3A_120 : vector<16xi32>
      %add3A_122 = arith.addi %mul3A_121, %min3A_113 : vector<16xi32>
      %min3A_123 = arith.constant 9999 : i32
      %min3A_124 = vector.broadcast %min3A_123 : i32 to vector<16xi32>
      %min3A_125 = arith.minsi %add3A_101, %min3A_124 : vector<16xi32>
      tpu.vector_store_idx %arg15[%add3A_122], %min3A_125 masked %and3A_107 : memref<20480xi32, #tpu.memory_space<vmem>>[vector<16xi32>], vector<16xi32>, vector<16xi1>
      tpu.vector_store_idx %arg16[%add3A_122], %get3A_118 masked %and3A_107 : memref<20480xf32, #tpu.memory_space<vmem>>[vector<16xi32>], vector<16xf32>, vector<16xi1>
      %mul3A_126 = arith.constant 16 : i32
      %mul3A_127 = arith.muli %scan3A_94, %mul3A_126 : i32
      %get3A_128 = arith.index_cast %mul3A_127 : i32 to index
      %get3A_129 = tpu.vector_load %arg18[%get3A_128] {strides = array<i32>} : memref<320xf32, #tpu.memory_space<vmem>>, vector<16xf32>,
      %add3A_130 = arith.addf %get3A_129, %get3A_118 : vector<16xf32>
      %mul3A_131 = arith.mulf %get3A_118, %add3A_130 : vector<16xf32>
      %mul3A_132 = arith.constant 16 : i32
      %mul3A_133 = arith.muli %scan3A_94, %mul3A_132 : i32
      %swap3A_134 = arith.index_cast %mul3A_133 : i32 to index
      %swap3A_135 = tpu.vector_load %arg18[%swap3A_134] {strides = array<i32>} : memref<320xf32, #tpu.memory_space<vmem>>, vector<16xf32>,
      tpu.vector_store %arg18[%swap3A_134], %mul3A_131 {strides = array<i32>} : memref<320xf32, #tpu.memory_space<vmem>>, vector<16xf32>,
      %scan3A_136 = arith.constant 0 : i32
      scf.yield %scan3A_136 : i32
    }
    %scan3A_82 = arith.constant 20 : i32
    %parallel_loop3A_83 = arith.constant 0 : i32
    %parallel_loop3A_84 = arith.constant 1252 : i32
    %parallel_loop3A_85 = arith.constant 1 : i32
    scf.for %parallel_loop3A_94 = %parallel_loop3A_83 to %parallel_loop3A_84 step %parallel_loop3A_85  : i32 {
      %parallel_loop3A_95 = arith.constant 16 : i32
      %parallel_loop3A_96 = arith.muli %parallel_loop3A_94, %parallel_loop3A_95 : i32
      %parallel_loop3A_97 = vector.broadcast %parallel_loop3A_96 : i32 to vector<16xi32>
      %parallel_loop3A_98 = arith.addi %parallel_loop3A_97, %iota3A : vector<16xi32>
      %parallel_loop3A_99 = arith.constant 6 : i32
      %parallel_loop3A_100 = vector.broadcast %parallel_loop3A_99 : i32 to vector<16xi32>
      %parallel_loop3A_101 = arith.shrui %parallel_loop3A_98, %parallel_loop3A_100 : vector<16xi32>
      %parallel_loop3A_102 = vector.broadcast %mul3A_2 : i32 to vector<16xi32>
      %parallel_loop3A_103 = arith.addi %parallel_loop3A_102, %parallel_loop3A_101 : vector<16xi32>
      %parallel_loop3A_104 = tpu.vector_load_idx %arg8[%parallel_loop3A_103] : memref<10016xf32, #tpu.memory_space<vmem>>[vector<16xi32>], vector<16xf32>,
      %parallel_loop3A_105 = arith.constant 16 : i32
      %parallel_loop3A_106 = arith.muli %parallel_loop3A_94, %parallel_loop3A_105 : i32
      %parallel_loop3A_107 = arith.index_cast %parallel_loop3A_106 : i32 to index
      %parallel_loop3A_108 = tpu.vector_load %arg16[%parallel_loop3A_107] {strides = array<i32>} : memref<20480xf32, #tpu.memory_space<vmem>>, vector<16xf32>,
      %parallel_loop3A_109 = arith.mulf %parallel_loop3A_108, %parallel_loop3A_104 : vector<16xf32>
      %parallel_loop3A_110 = arith.index_cast %parallel_loop3A_106 : i32 to index
      %parallel_loop3A_111 = tpu.vector_load %arg16[%parallel_loop3A_110] {strides = array<i32>} : memref<20480xf32, #tpu.memory_space<vmem>>, vector<16xf32>,
      tpu.vector_store %arg16[%parallel_loop3A_110], %parallel_loop3A_109 {strides = array<i32>} : memref<20480xf32, #tpu.memory_space<vmem>>, vector<16xf32>,
    } {sc.loop_unroll_factor = 8 : i64, sc.parallel_access}
    %mul3A_86 = arith.constant 313 : i32
    %mul3A_87 = arith.muli %add3A, %mul3A_86 : i32
    %mul3A_88 = arith.constant 64 : i32
    %mul3A_89 = arith.muli %mul3A_87, %mul3A_88 : i32
    "tpu.region"() ({
      %run_scoped3A = tpu.sem_alloc : memref<!tpu.dma_semaphore, #tpu.memory_space<semaphore_mem>>
      %dma_start3A_94 = arith.constant 0 : i32
      %dma_start3A_95 = tpu.memref_slice %arg15[%dma_start3A_94] : memref<20480xi32, #tpu.memory_space<vmem>> -> memref<20032xi32, #tpu.memory_space<vmem>>
      %dma_start3A_96 = tpu.memref_slice %arg5[%mul3A_89] : memref<641024xi32, #tpu.memory_space<hbm>> -> memref<20032xi32, #tpu.memory_space<hbm>>
      %dma_start3A_97 = tpu.memref_slice %arg5[%mul3A_89] : memref<641024xi32, #tpu.memory_space<hbm>> -> memref<20032xi32, #tpu.memory_space<hbm>>
      %dma_start3A_98 = arith.constant 0 : i32
      %dma_start3A_99 = tpu.memref_slice %arg15[%dma_start3A_98] : memref<20480xi32, #tpu.memory_space<vmem>> -> memref<20032xi32, #tpu.memory_space<vmem>>
      tpu.enqueue_dma source(%dma_start3A_99 : memref<20032xi32, #tpu.memory_space<vmem>>) target(%dma_start3A_97 : memref<20032xi32, #tpu.memory_space<hbm>>) target_semaphore(%run_scoped3A : memref<!tpu.dma_semaphore, #tpu.memory_space<semaphore_mem>>)
      %dma_wait3A_100 = arith.constant 0 : i32
      %dma_wait3A_101 = tpu.memref_slice %arg15[%dma_wait3A_100] : memref<20480xi32, #tpu.memory_space<vmem>> -> memref<20032xi32, #tpu.memory_space<vmem>>
      %dma_wait3A_102 = tpu.memref_slice %arg5[%mul3A_89] : memref<641024xi32, #tpu.memory_space<hbm>> -> memref<20032xi32, #tpu.memory_space<hbm>>
      %dma_wait3A_103 = tpu.memref_slice %arg5[%mul3A_89] : memref<641024xi32, #tpu.memory_space<hbm>> -> memref<20032xi32, #tpu.memory_space<hbm>>
      %dma_wait3A_104 = arith.constant 0 : i32
      %dma_wait3A_105 = tpu.memref_slice %arg15[%dma_wait3A_104] : memref<20480xi32, #tpu.memory_space<vmem>> -> memref<20032xi32, #tpu.memory_space<vmem>>
      tpu.wait_dma2 semaphore(%run_scoped3A : memref<!tpu.dma_semaphore, #tpu.memory_space<semaphore_mem>>) src(%dma_wait3A_105 : memref<20032xi32, #tpu.memory_space<vmem>>) dst(%dma_wait3A_103 : memref<20032xi32, #tpu.memory_space<hbm>>)
      tpu.yield
    }) : () -> ()
    %mul3A_90 = arith.constant 313 : i32
    %mul3A_91 = arith.muli %add3A, %mul3A_90 : i32
    %mul3A_92 = arith.constant 64 : i32
    %mul3A_93 = arith.muli %mul3A_91, %mul3A_92 : i32
    "tpu.region"() ({
      %run_scoped3A = tpu.sem_alloc : memref<!tpu.dma_semaphore, #tpu.memory_space<semaphore_mem>>
      %dma_start3A_94 = arith.constant 0 : i32
      %dma_start3A_95 = tpu.memref_slice %arg16[%dma_start3A_94] : memref<20480xf32, #tpu.memory_space<vmem>> -> memref<20032xf32, #tpu.memory_space<vmem>>
      %dma_start3A_96 = tpu.memref_slice %arg6[%mul3A_93] : memref<641024xf32, #tpu.memory_space<hbm>> -> memref<20032xf32, #tpu.memory_space<hbm>>
      %dma_start3A_97 = tpu.memref_slice %arg6[%mul3A_93] : memref<641024xf32, #tpu.memory_space<hbm>> -> memref<20032xf32, #tpu.memory_space<hbm>>
      %dma_start3A_98 = arith.constant 0 : i32
      %dma_start3A_99 = tpu.memref_slice %arg16[%dma_start3A_98] : memref<20480xf32, #tpu.memory_space<vmem>> -> memref<20032xf32, #tpu.memory_space<vmem>>
      tpu.enqueue_dma source(%dma_start3A_99 : memref<20032xf32, #tpu.memory_space<vmem>>) target(%dma_start3A_97 : memref<20032xf32, #tpu.memory_space<hbm>>) target_semaphore(%run_scoped3A : memref<!tpu.dma_semaphore, #tpu.memory_space<semaphore_mem>>)
      %dma_wait3A_100 = arith.constant 0 : i32
      %dma_wait3A_101 = tpu.memref_slice %arg16[%dma_wait3A_100] : memref<20480xf32, #tpu.memory_space<vmem>> -> memref<20032xf32, #tpu.memory_space<vmem>>
      %dma_wait3A_102 = tpu.memref_slice %arg6[%mul3A_93] : memref<641024xf32, #tpu.memory_space<hbm>> -> memref<20032xf32, #tpu.memory_space<hbm>>
      %dma_wait3A_103 = tpu.memref_slice %arg6[%mul3A_93] : memref<641024xf32, #tpu.memory_space<hbm>> -> memref<20032xf32, #tpu.memory_space<hbm>>
      %dma_wait3A_104 = arith.constant 0 : i32
      %dma_wait3A_105 = tpu.memref_slice %arg16[%dma_wait3A_104] : memref<20480xf32, #tpu.memory_space<vmem>> -> memref<20032xf32, #tpu.memory_space<vmem>>
      tpu.wait_dma2 semaphore(%run_scoped3A : memref<!tpu.dma_semaphore, #tpu.memory_space<semaphore_mem>>) src(%dma_wait3A_105 : memref<20032xf32, #tpu.memory_space<vmem>>) dst(%dma_wait3A_103 : memref<20032xf32, #tpu.memory_space<hbm>>)
      tpu.yield
    }) : () -> ()
    "tpu.region"() ({
      %run_scoped3A = tpu.sem_alloc : memref<!tpu.dma_semaphore, #tpu.memory_space<semaphore_mem>>
      %dma_start3A_94 = arith.constant 0 : i32
      %dma_start3A_95 = tpu.memref_slice %arg7[%add3A, %dma_start3A_94] : memref<32x320xf32, #tpu.memory_space<hbm>> -> memref<1x320xf32, #tpu.memory_space<hbm>>
      %dma_start3A_96 = tpu.memref_squeeze %dma_start3A_95 : memref<1x320xf32, #tpu.memory_space<hbm>> -> memref<320xf32, #tpu.memory_space<hbm>>
      %dma_start3A_97 = arith.constant 0 : i32
      %dma_start3A_98 = tpu.memref_slice %arg7[%add3A, %dma_start3A_97] : memref<32x320xf32, #tpu.memory_space<hbm>> -> memref<1x320xf32, #tpu.memory_space<hbm>>
      %dma_start3A_99 = tpu.memref_squeeze %dma_start3A_98 : memref<1x320xf32, #tpu.memory_space<hbm>> -> memref<320xf32, #tpu.memory_space<hbm>>
      tpu.enqueue_dma source(%arg18 : memref<320xf32, #tpu.memory_space<vmem>>) target(%dma_start3A_99 : memref<320xf32, #tpu.memory_space<hbm>>) target_semaphore(%run_scoped3A : memref<!tpu.dma_semaphore, #tpu.memory_space<semaphore_mem>>)
      %dma_wait3A_100 = arith.constant 0 : i32
      %dma_wait3A_101 = tpu.memref_slice %arg7[%add3A, %dma_wait3A_100] : memref<32x320xf32, #tpu.memory_space<hbm>> -> memref<1x320xf32, #tpu.memory_space<hbm>>
      %dma_wait3A_102 = tpu.memref_squeeze %dma_wait3A_101 : memref<1x320xf32, #tpu.memory_space<hbm>> -> memref<320xf32, #tpu.memory_space<hbm>>
      %dma_wait3A_103 = arith.constant 0 : i32
      %dma_wait3A_104 = tpu.memref_slice %arg7[%add3A, %dma_wait3A_103] : memref<32x320xf32, #tpu.memory_space<hbm>> -> memref<1x320xf32, #tpu.memory_space<hbm>>
      %dma_wait3A_105 = tpu.memref_squeeze %dma_wait3A_104 : memref<1x320xf32, #tpu.memory_space<hbm>> -> memref<320xf32, #tpu.memory_space<hbm>>
      tpu.wait_dma2 semaphore(%run_scoped3A : memref<!tpu.dma_semaphore, #tpu.memory_space<semaphore_mem>>) src(%arg18 : memref<320xf32, #tpu.memory_space<vmem>>) dst(%dma_wait3A_105 : memref<320xf32, #tpu.memory_space<hbm>>)
      tpu.yield
    }) : () -> ()
    return
  }
}

#map = affine_map<(d0, d1) -> (0)>
#map1 = affine_map<(d0, d1) -> (0, 0)>
module attributes {stable_mosaic.version = 14 : i64} {
  func.func @_hist_body(%arg0: i32, %arg1: i32, %arg2: memref<320000xi32, #tpu.memory_space<hbm>>, %arg3: memref<32x10000xf32, #tpu.memory_space<hbm>>, %arg4: memref<10000xi32, #tpu.memory_space<vmem>>, %arg5: memref<10000xf32, #tpu.memory_space<vmem>>, %arg6: memref<!tpu.dma_semaphore, #tpu.memory_space<semaphore_mem>>) attributes {dimension_semantics = [#tpu.dimension_semantics<core_parallel>, #tpu.dimension_semantics<subcore_parallel>], iteration_bounds = array<i64: 2, 16>, scalar_prefetch = 0 : i64, scratch_operands = 3 : i64, tpu.core_type = #tpu.core_type<sc_vector_subcore>, window_params = [{transform_indices = #map}, {transform_indices = #map1}]} {
    %mul3A = arith.constant 2 : i32
    %mul3A_0 = arith.muli %arg1, %mul3A : i32
    %add3A = arith.addi %mul3A_0, %arg0 : i32
    %broadcast_in_dim3A = arith.constant 0.000000e+00 : f32
    %broadcast_in_dim3A_1 = vector.broadcast %broadcast_in_dim3A : f32 to vector<16xf32>
    %scan3A = arith.constant 0 : i32
    %scan3A_2 = arith.constant 0 : i32
    %scan3A_3 = arith.constant 625 : i32
    %scan3A_4 = arith.addi %scan3A_2, %scan3A_3 : i32
    %scan3A_5 = arith.constant 1 : i32
    %scan3A_6 = scf.for %scan3A_21 = %scan3A_2 to %scan3A_4 step %scan3A_5 iter_args(%scan3A_22 = %scan3A) -> (i32)  : i32 {
      %mul3A_23 = arith.constant 16 : i32
      %mul3A_24 = arith.muli %scan3A_21, %mul3A_23 : i32
      %swap3A = arith.index_cast %mul3A_24 : i32 to index
      %swap3A_25 = tpu.vector_load %arg5[%swap3A] {strides = array<i32>} : memref<10000xf32, #tpu.memory_space<vmem>>, vector<16xf32>,
      tpu.vector_store %arg5[%swap3A], %broadcast_in_dim3A_1 {strides = array<i32>} : memref<10000xf32, #tpu.memory_space<vmem>>, vector<16xf32>,
      %scan3A_26 = arith.constant 0 : i32
      scf.yield %scan3A_26 : i32
    }
    %scan3A_7 = arith.constant 625 : i32
    %mul3A_8 = arith.constant 10000 : i32
    %mul3A_9 = arith.muli %add3A, %mul3A_8 : i32
    %dma_start3A = tpu.memref_slice %arg2[%mul3A_9] : memref<320000xi32, #tpu.memory_space<hbm>> -> memref<10000xi32, #tpu.memory_space<hbm>>
    %dma_start3A_10 = tpu.memref_slice %arg2[%mul3A_9] : memref<320000xi32, #tpu.memory_space<hbm>> -> memref<10000xi32, #tpu.memory_space<hbm>>
    tpu.enqueue_dma source(%dma_start3A_10 : memref<10000xi32, #tpu.memory_space<hbm>>) target(%arg4 : memref<10000xi32, #tpu.memory_space<vmem>>) target_semaphore(%arg6 : memref<!tpu.dma_semaphore, #tpu.memory_space<semaphore_mem>>)
    %dma_wait3A = tpu.memref_slice %arg2[%mul3A_9] : memref<320000xi32, #tpu.memory_space<hbm>> -> memref<10000xi32, #tpu.memory_space<hbm>>
    %dma_wait3A_11 = tpu.memref_slice %arg2[%mul3A_9] : memref<320000xi32, #tpu.memory_space<hbm>> -> memref<10000xi32, #tpu.memory_space<hbm>>
    tpu.wait_dma2 semaphore(%arg6 : memref<!tpu.dma_semaphore, #tpu.memory_space<semaphore_mem>>) src(%dma_wait3A_11 : memref<10000xi32, #tpu.memory_space<hbm>>) dst(%arg4 : memref<10000xi32, #tpu.memory_space<vmem>>)
    %broadcast_in_dim3A_12 = arith.constant 1.000000e+00 : f32
    %broadcast_in_dim3A_13 = vector.broadcast %broadcast_in_dim3A_12 : f32 to vector<16xf32>
    %scan3A_14 = arith.constant 0 : i32
    %scan3A_15 = arith.constant 0 : i32
    %scan3A_16 = arith.constant 625 : i32
    %scan3A_17 = arith.addi %scan3A_15, %scan3A_16 : i32
    %scan3A_18 = arith.constant 1 : i32
    %scan3A_19 = scf.for %scan3A_21 = %scan3A_15 to %scan3A_17 step %scan3A_18 iter_args(%scan3A_22 = %scan3A_14) -> (i32)  : i32 {
      %mul3A_23 = arith.constant 16 : i32
      %mul3A_24 = arith.muli %scan3A_21, %mul3A_23 : i32
      %get3A = arith.index_cast %mul3A_24 : i32 to index
      %get3A_25 = tpu.vector_load %arg4[%get3A] {strides = array<i32>} : memref<10000xi32, #tpu.memory_space<vmem>>, vector<16xi32>,
      tpu.vector_store_idx %arg5[%get3A_25], %broadcast_in_dim3A_13 {add = true} : memref<10000xf32, #tpu.memory_space<vmem>>[vector<16xi32>], vector<16xf32>,
      %scan3A_26 = arith.constant 0 : i32
      scf.yield %scan3A_26 : i32
    }
    %scan3A_20 = arith.constant 625 : i32
    "tpu.region"() ({
      %run_scoped3A = tpu.sem_alloc : memref<!tpu.dma_semaphore, #tpu.memory_space<semaphore_mem>>
      %dma_start3A_21 = arith.constant 0 : i32
      %dma_start3A_22 = tpu.memref_slice %arg3[%add3A, %dma_start3A_21] : memref<32x10000xf32, #tpu.memory_space<hbm>> -> memref<1x10000xf32, #tpu.memory_space<hbm>>
      %dma_start3A_23 = tpu.memref_squeeze %dma_start3A_22 : memref<1x10000xf32, #tpu.memory_space<hbm>> -> memref<10000xf32, #tpu.memory_space<hbm>>
      %dma_start3A_24 = arith.constant 0 : i32
      %dma_start3A_25 = tpu.memref_slice %arg3[%add3A, %dma_start3A_24] : memref<32x10000xf32, #tpu.memory_space<hbm>> -> memref<1x10000xf32, #tpu.memory_space<hbm>>
      %dma_start3A_26 = tpu.memref_squeeze %dma_start3A_25 : memref<1x10000xf32, #tpu.memory_space<hbm>> -> memref<10000xf32, #tpu.memory_space<hbm>>
      tpu.enqueue_dma source(%arg5 : memref<10000xf32, #tpu.memory_space<vmem>>) target(%dma_start3A_26 : memref<10000xf32, #tpu.memory_space<hbm>>) target_semaphore(%run_scoped3A : memref<!tpu.dma_semaphore, #tpu.memory_space<semaphore_mem>>)
      %dma_wait3A_27 = arith.constant 0 : i32
      %dma_wait3A_28 = tpu.memref_slice %arg3[%add3A, %dma_wait3A_27] : memref<32x10000xf32, #tpu.memory_space<hbm>> -> memref<1x10000xf32, #tpu.memory_space<hbm>>
      %dma_wait3A_29 = tpu.memref_squeeze %dma_wait3A_28 : memref<1x10000xf32, #tpu.memory_space<hbm>> -> memref<10000xf32, #tpu.memory_space<hbm>>
      %dma_wait3A_30 = arith.constant 0 : i32
      %dma_wait3A_31 = tpu.memref_slice %arg3[%add3A, %dma_wait3A_30] : memref<32x10000xf32, #tpu.memory_space<hbm>> -> memref<1x10000xf32, #tpu.memory_space<hbm>>
      %dma_wait3A_32 = tpu.memref_squeeze %dma_wait3A_31 : memref<1x10000xf32, #tpu.memory_space<hbm>> -> memref<10000xf32, #tpu.memory_space<hbm>>
      tpu.wait_dma2 semaphore(%run_scoped3A : memref<!tpu.dma_semaphore, #tpu.memory_space<semaphore_mem>>) src(%arg5 : memref<10000xf32, #tpu.memory_space<vmem>>) dst(%dma_wait3A_32 : memref<10000xf32, #tpu.memory_space<hbm>>)
      tpu.yield
    }) : () -> ()
    return
  }
}

#map = affine_map<(d0, d1) -> (0, 0)>
#map1 = affine_map<(d0, d1) -> (0)>
module attributes {stable_mosaic.version = 14 : i64} {
  func.func @_gather_body(%arg0: i32, %arg1: i32, %arg2: memref<10000x128xf32, #tpu.memory_space<hbm>>, %arg3: memref<641024xi32, #tpu.memory_space<hbm>>, %arg4: memref<641024x128xf32, #tpu.memory_space<hbm>>, %arg5: memref<20032xi32, #tpu.memory_space<vmem>>, %arg6: memref<128x128xf32, #tpu.memory_space<vmem>>, %arg7: memref<128x128xf32, #tpu.memory_space<vmem>>, %arg8: memref<128x128xf32, #tpu.memory_space<vmem>>, %arg9: memref<128x128xf32, #tpu.memory_space<vmem>>, %arg10: memref<!tpu.dma_semaphore, #tpu.memory_space<semaphore_mem>>, %arg11: memref<!tpu.dma_semaphore, #tpu.memory_space<semaphore_mem>>, %arg12: memref<!tpu.dma_semaphore, #tpu.memory_space<semaphore_mem>>, %arg13: memref<!tpu.dma_semaphore, #tpu.memory_space<semaphore_mem>>, %arg14: memref<!tpu.dma_semaphore, #tpu.memory_space<semaphore_mem>>, %arg15: memref<!tpu.dma_semaphore, #tpu.memory_space<semaphore_mem>>, %arg16: memref<!tpu.dma_semaphore, #tpu.memory_space<semaphore_mem>>, %arg17: memref<!tpu.dma_semaphore, #tpu.memory_space<semaphore_mem>>, %arg18: memref<!tpu.dma_semaphore, #tpu.memory_space<semaphore_mem>>) attributes {dimension_semantics = [#tpu.dimension_semantics<core_parallel>, #tpu.dimension_semantics<subcore_parallel>], iteration_bounds = array<i64: 2, 16>, scalar_prefetch = 0 : i64, scratch_operands = 14 : i64, tpu.core_type = #tpu.core_type<sc_vector_subcore>, window_params = [{transform_indices = #map}, {transform_indices = #map1}, {transform_indices = #map}]} {
    %mul3A = arith.constant 2 : i32
    %mul3A_0 = arith.muli %arg1, %mul3A : i32
    %add3A = arith.addi %mul3A_0, %arg0 : i32
    %mul3A_1 = arith.constant 313 : i32
    %mul3A_2 = arith.muli %add3A, %mul3A_1 : i32
    %mul3A_3 = arith.constant 64 : i32
    %mul3A_4 = arith.muli %mul3A_2, %mul3A_3 : i32
    %dma_start3A = tpu.memref_slice %arg3[%mul3A_4] : memref<641024xi32, #tpu.memory_space<hbm>> -> memref<20032xi32, #tpu.memory_space<hbm>>
    %dma_start3A_5 = tpu.memref_slice %arg3[%mul3A_4] : memref<641024xi32, #tpu.memory_space<hbm>> -> memref<20032xi32, #tpu.memory_space<hbm>>
    tpu.enqueue_dma source(%dma_start3A_5 : memref<20032xi32, #tpu.memory_space<hbm>>) target(%arg5 : memref<20032xi32, #tpu.memory_space<vmem>>) target_semaphore(%arg18 : memref<!tpu.dma_semaphore, #tpu.memory_space<semaphore_mem>>)
    %dma_wait3A = tpu.memref_slice %arg3[%mul3A_4] : memref<641024xi32, #tpu.memory_space<hbm>> -> memref<20032xi32, #tpu.memory_space<hbm>>
    %dma_wait3A_6 = tpu.memref_slice %arg3[%mul3A_4] : memref<641024xi32, #tpu.memory_space<hbm>> -> memref<20032xi32, #tpu.memory_space<hbm>>
    tpu.wait_dma2 semaphore(%arg18 : memref<!tpu.dma_semaphore, #tpu.memory_space<semaphore_mem>>) src(%dma_wait3A_6 : memref<20032xi32, #tpu.memory_space<hbm>>) dst(%arg5 : memref<20032xi32, #tpu.memory_space<vmem>>)
    %dma_start3A_7 = arith.constant 0 : i32
    %dma_start3A_8 = tpu.memref_slice %arg5[%dma_start3A_7] : memref<20032xi32, #tpu.memory_space<vmem>> -> memref<128xi32, #tpu.memory_space<vmem>>
    %dma_start3A_9 = arith.constant 0 : i32
    %dma_start3A_10 = arith.constant 0 : i32
    %dma_start3A_11 = tpu.memref_slice %arg2[%dma_start3A_9, %dma_start3A_10] : memref<10000x128xf32, #tpu.memory_space<hbm>> -> memref<10000x128xf32, #tpu.memory_space<hbm>>
    tpu.enqueue_indirect_dma source(%dma_start3A_11 : memref<10000x128xf32, #tpu.memory_space<hbm>>) target(%arg6 : memref<128x128xf32, #tpu.memory_space<vmem>>) offsets(%dma_start3A_8 : memref<128xi32, #tpu.memory_space<vmem>>) semaphore(%arg10 : memref<!tpu.dma_semaphore, #tpu.memory_space<semaphore_mem>>)
    %dma_start3A_12 = arith.constant 128 : i32
    %dma_start3A_13 = tpu.memref_slice %arg5[%dma_start3A_12] : memref<20032xi32, #tpu.memory_space<vmem>> -> memref<128xi32, #tpu.memory_space<vmem>>
    %dma_start3A_14 = arith.constant 0 : i32
    %dma_start3A_15 = arith.constant 0 : i32
    %dma_start3A_16 = tpu.memref_slice %arg2[%dma_start3A_14, %dma_start3A_15] : memref<10000x128xf32, #tpu.memory_space<hbm>> -> memref<10000x128xf32, #tpu.memory_space<hbm>>
    tpu.enqueue_indirect_dma source(%dma_start3A_16 : memref<10000x128xf32, #tpu.memory_space<hbm>>) target(%arg7 : memref<128x128xf32, #tpu.memory_space<vmem>>) offsets(%dma_start3A_13 : memref<128xi32, #tpu.memory_space<vmem>>) semaphore(%arg11 : memref<!tpu.dma_semaphore, #tpu.memory_space<semaphore_mem>>)
    %scan3A = arith.constant 0 : i32
    %scan3A_17 = arith.constant 0 : i32
    %scan3A_18 = arith.constant 39 : i32
    %scan3A_19 = arith.addi %scan3A_17, %scan3A_18 : i32
    %scan3A_20 = arith.constant 1 : i32
    %scan3A_21 = scf.for %scan3A_65 = %scan3A_17 to %scan3A_19 step %scan3A_20 iter_args(%scan3A_66 = %scan3A) -> (i32)  : i32 {
      %mul3A_67 = arith.constant 4 : i32
      %mul3A_68 = arith.muli %mul3A_67, %scan3A_65 : i32
      %mul3A_69 = arith.constant 128 : i32
      %mul3A_70 = arith.muli %mul3A_68, %mul3A_69 : i32
      %dma_wait3A_71 = tpu.memref_slice %arg5[%mul3A_70] : memref<20032xi32, #tpu.memory_space<vmem>> -> memref<128xi32, #tpu.memory_space<vmem>>
      %dma_wait3A_72 = arith.constant 0 : i32
      %dma_wait3A_73 = arith.constant 0 : i32
      %dma_wait3A_74 = tpu.memref_slice %arg2[%dma_wait3A_72, %dma_wait3A_73] : memref<10000x128xf32, #tpu.memory_space<hbm>> -> memref<10000x128xf32, #tpu.memory_space<hbm>>
      tpu.wait_indirect_dma semaphore(%arg10 : memref<!tpu.dma_semaphore, #tpu.memory_space<semaphore_mem>>) src(%dma_wait3A_74 : memref<10000x128xf32, #tpu.memory_space<hbm>>) dst(%arg6 : memref<128x128xf32, #tpu.memory_space<vmem>>)
      %mul3A_75 = arith.constant 128 : i32
      %mul3A_76 = arith.muli %mul3A_68, %mul3A_75 : i32
      %add3A_77 = arith.addi %mul3A_4, %mul3A_76 : i32
      %dma_start3A_78 = arith.constant 0 : i32
      %dma_start3A_79 = tpu.memref_slice %arg4[%add3A_77, %dma_start3A_78] : memref<641024x128xf32, #tpu.memory_space<hbm>> -> memref<128x128xf32, #tpu.memory_space<hbm>>
      %dma_start3A_80 = arith.constant 0 : i32
      %dma_start3A_81 = tpu.memref_slice %arg4[%add3A_77, %dma_start3A_80] : memref<641024x128xf32, #tpu.memory_space<hbm>> -> memref<128x128xf32, #tpu.memory_space<hbm>>
      tpu.enqueue_dma source(%arg6 : memref<128x128xf32, #tpu.memory_space<vmem>>) target(%dma_start3A_81 : memref<128x128xf32, #tpu.memory_space<hbm>>) target_semaphore(%arg14 : memref<!tpu.dma_semaphore, #tpu.memory_space<semaphore_mem>>)
      %add3A_82 = arith.constant 2 : i32
      %add3A_83 = arith.addi %mul3A_68, %add3A_82 : i32
      %lt3A = arith.constant 156 : i32
      %lt3A_84 = arith.cmpi slt, %add3A_83, %lt3A : i32
      %convert_element_type3A = arith.extui %lt3A_84 : i1 to i32
      %cond3A = arith.constant 0 : i32
      %cond3A_85 = arith.cmpi ne, %convert_element_type3A, %cond3A : i32
      scf.if %cond3A_85 {
        %ge3A = arith.constant 2 : i32
        %ge3A_153 = arith.cmpi sge, %mul3A_68, %ge3A : i32
        %convert_element_type3A_154 = arith.extui %ge3A_153 : i1 to i32
        %cond3A_155 = arith.constant 0 : i32
        %cond3A_156 = arith.cmpi ne, %convert_element_type3A_154, %cond3A_155 : i32
        scf.if %cond3A_156 {
          %sub3A = arith.constant 2 : i32
          %sub3A_165 = arith.subi %mul3A_68, %sub3A : i32
          %mul3A_166 = arith.constant 128 : i32
          %mul3A_167 = arith.muli %sub3A_165, %mul3A_166 : i32
          %add3A_168 = arith.addi %mul3A_4, %mul3A_167 : i32
          %dma_wait3A_169 = arith.constant 0 : i32
          %dma_wait3A_170 = tpu.memref_slice %arg4[%add3A_168, %dma_wait3A_169] : memref<641024x128xf32, #tpu.memory_space<hbm>> -> memref<128x128xf32, #tpu.memory_space<hbm>>
          %dma_wait3A_171 = arith.constant 0 : i32
          %dma_wait3A_172 = tpu.memref_slice %arg4[%add3A_168, %dma_wait3A_171] : memref<641024x128xf32, #tpu.memory_space<hbm>> -> memref<128x128xf32, #tpu.memory_space<hbm>>
          tpu.wait_dma2 semaphore(%arg16 : memref<!tpu.dma_semaphore, #tpu.memory_space<semaphore_mem>>) src(%arg8 : memref<128x128xf32, #tpu.memory_space<vmem>>) dst(%dma_wait3A_172 : memref<128x128xf32, #tpu.memory_space<hbm>>)
        } else {
        }
        %add3A_157 = arith.constant 2 : i32
        %add3A_158 = arith.addi %mul3A_68, %add3A_157 : i32
        %mul3A_159 = arith.constant 128 : i32
        %mul3A_160 = arith.muli %add3A_158, %mul3A_159 : i32
        %dma_start3A_161 = tpu.memref_slice %arg5[%mul3A_160] : memref<20032xi32, #tpu.memory_space<vmem>> -> memref<128xi32, #tpu.memory_space<vmem>>
        %dma_start3A_162 = arith.constant 0 : i32
        %dma_start3A_163 = arith.constant 0 : i32
        %dma_start3A_164 = tpu.memref_slice %arg2[%dma_start3A_162, %dma_start3A_163] : memref<10000x128xf32, #tpu.memory_space<hbm>> -> memref<10000x128xf32, #tpu.memory_space<hbm>>
        tpu.enqueue_indirect_dma source(%dma_start3A_164 : memref<10000x128xf32, #tpu.memory_space<hbm>>) target(%arg8 : memref<128x128xf32, #tpu.memory_space<vmem>>) offsets(%dma_start3A_161 : memref<128xi32, #tpu.memory_space<vmem>>) semaphore(%arg12 : memref<!tpu.dma_semaphore, #tpu.memory_space<semaphore_mem>>)
      } else {
      }
      %add3A_86 = arith.constant 1 : i32
      %add3A_87 = arith.addi %mul3A_68, %add3A_86 : i32
      %mul3A_88 = arith.constant 128 : i32
      %mul3A_89 = arith.muli %add3A_87, %mul3A_88 : i32
      %dma_wait3A_90 = tpu.memref_slice %arg5[%mul3A_89] : memref<20032xi32, #tpu.memory_space<vmem>> -> memref<128xi32, #tpu.memory_space<vmem>>
      %dma_wait3A_91 = arith.constant 0 : i32
      %dma_wait3A_92 = arith.constant 0 : i32
      %dma_wait3A_93 = tpu.memref_slice %arg2[%dma_wait3A_91, %dma_wait3A_92] : memref<10000x128xf32, #tpu.memory_space<hbm>> -> memref<10000x128xf32, #tpu.memory_space<hbm>>
      tpu.wait_indirect_dma semaphore(%arg11 : memref<!tpu.dma_semaphore, #tpu.memory_space<semaphore_mem>>) src(%dma_wait3A_93 : memref<10000x128xf32, #tpu.memory_space<hbm>>) dst(%arg7 : memref<128x128xf32, #tpu.memory_space<vmem>>)
      %mul3A_94 = arith.constant 128 : i32
      %mul3A_95 = arith.muli %add3A_87, %mul3A_94 : i32
      %add3A_96 = arith.addi %mul3A_4, %mul3A_95 : i32
      %dma_start3A_97 = arith.constant 0 : i32
      %dma_start3A_98 = tpu.memref_slice %arg4[%add3A_96, %dma_start3A_97] : memref<641024x128xf32, #tpu.memory_space<hbm>> -> memref<128x128xf32, #tpu.memory_space<hbm>>
      %dma_start3A_99 = arith.constant 0 : i32
      %dma_start3A_100 = tpu.memref_slice %arg4[%add3A_96, %dma_start3A_99] : memref<641024x128xf32, #tpu.memory_space<hbm>> -> memref<128x128xf32, #tpu.memory_space<hbm>>
      tpu.enqueue_dma source(%arg7 : memref<128x128xf32, #tpu.memory_space<vmem>>) target(%dma_start3A_100 : memref<128x128xf32, #tpu.memory_space<hbm>>) target_semaphore(%arg15 : memref<!tpu.dma_semaphore, #tpu.memory_space<semaphore_mem>>)
      %add3A_101 = arith.constant 2 : i32
      %add3A_102 = arith.addi %add3A_87, %add3A_101 : i32
      %lt3A_103 = arith.constant 156 : i32
      %lt3A_104 = arith.cmpi slt, %add3A_102, %lt3A_103 : i32
      %convert_element_type3A_105 = arith.extui %lt3A_104 : i1 to i32
      %cond3A_106 = arith.constant 0 : i32
      %cond3A_107 = arith.cmpi ne, %convert_element_type3A_105, %cond3A_106 : i32
      scf.if %cond3A_107 {
        %ge3A = arith.constant 2 : i32
        %ge3A_153 = arith.cmpi sge, %add3A_87, %ge3A : i32
        %convert_element_type3A_154 = arith.extui %ge3A_153 : i1 to i32
        %cond3A_155 = arith.constant 0 : i32
        %cond3A_156 = arith.cmpi ne, %convert_element_type3A_154, %cond3A_155 : i32
        scf.if %cond3A_156 {
          %sub3A = arith.constant 2 : i32
          %sub3A_165 = arith.subi %add3A_87, %sub3A : i32
          %mul3A_166 = arith.constant 128 : i32
          %mul3A_167 = arith.muli %sub3A_165, %mul3A_166 : i32
          %add3A_168 = arith.addi %mul3A_4, %mul3A_167 : i32
          %dma_wait3A_169 = arith.constant 0 : i32
          %dma_wait3A_170 = tpu.memref_slice %arg4[%add3A_168, %dma_wait3A_169] : memref<641024x128xf32, #tpu.memory_space<hbm>> -> memref<128x128xf32, #tpu.memory_space<hbm>>
          %dma_wait3A_171 = arith.constant 0 : i32
          %dma_wait3A_172 = tpu.memref_slice %arg4[%add3A_168, %dma_wait3A_171] : memref<641024x128xf32, #tpu.memory_space<hbm>> -> memref<128x128xf32, #tpu.memory_space<hbm>>
          tpu.wait_dma2 semaphore(%arg17 : memref<!tpu.dma_semaphore, #tpu.memory_space<semaphore_mem>>) src(%arg9 : memref<128x128xf32, #tpu.memory_space<vmem>>) dst(%dma_wait3A_172 : memref<128x128xf32, #tpu.memory_space<hbm>>)
        } else {
        }
        %add3A_157 = arith.constant 2 : i32
        %add3A_158 = arith.addi %add3A_87, %add3A_157 : i32
        %mul3A_159 = arith.constant 128 : i32
        %mul3A_160 = arith.muli %add3A_158, %mul3A_159 : i32
        %dma_start3A_161 = tpu.memref_slice %arg5[%mul3A_160] : memref<20032xi32, #tpu.memory_space<vmem>> -> memref<128xi32, #tpu.memory_space<vmem>>
        %dma_start3A_162 = arith.constant 0 : i32
        %dma_start3A_163 = arith.constant 0 : i32
        %dma_start3A_164 = tpu.memref_slice %arg2[%dma_start3A_162, %dma_start3A_163] : memref<10000x128xf32, #tpu.memory_space<hbm>> -> memref<10000x128xf32, #tpu.memory_space<hbm>>
        tpu.enqueue_indirect_dma source(%dma_start3A_164 : memref<10000x128xf32, #tpu.memory_space<hbm>>) target(%arg9 : memref<128x128xf32, #tpu.memory_space<vmem>>) offsets(%dma_start3A_161 : memref<128xi32, #tpu.memory_space<vmem>>) semaphore(%arg13 : memref<!tpu.dma_semaphore, #tpu.memory_space<semaphore_mem>>)
      } else {
      }
      %add3A_108 = arith.constant 2 : i32
      %add3A_109 = arith.addi %mul3A_68, %add3A_108 : i32
      %mul3A_110 = arith.constant 128 : i32
      %mul3A_111 = arith.muli %add3A_109, %mul3A_110 : i32
      %dma_wait3A_112 = tpu.memref_slice %arg5[%mul3A_111] : memref<20032xi32, #tpu.memory_space<vmem>> -> memref<128xi32, #tpu.memory_space<vmem>>
      %dma_wait3A_113 = arith.constant 0 : i32
      %dma_wait3A_114 = arith.constant 0 : i32
      %dma_wait3A_115 = tpu.memref_slice %arg2[%dma_wait3A_113, %dma_wait3A_114] : memref<10000x128xf32, #tpu.memory_space<hbm>> -> memref<10000x128xf32, #tpu.memory_space<hbm>>
      tpu.wait_indirect_dma semaphore(%arg12 : memref<!tpu.dma_semaphore, #tpu.memory_space<semaphore_mem>>) src(%dma_wait3A_115 : memref<10000x128xf32, #tpu.memory_space<hbm>>) dst(%arg8 : memref<128x128xf32, #tpu.memory_space<vmem>>)
      %mul3A_116 = arith.constant 128 : i32
      %mul3A_117 = arith.muli %add3A_109, %mul3A_116 : i32
      %add3A_118 = arith.addi %mul3A_4, %mul3A_117 : i32
      %dma_start3A_119 = arith.constant 0 : i32
      %dma_start3A_120 = tpu.memref_slice %arg4[%add3A_118, %dma_start3A_119] : memref<641024x128xf32, #tpu.memory_space<hbm>> -> memref<128x128xf32, #tpu.memory_space<hbm>>
      %dma_start3A_121 = arith.constant 0 : i32
      %dma_start3A_122 = tpu.memref_slice %arg4[%add3A_118, %dma_start3A_121] : memref<641024x128xf32, #tpu.memory_space<hbm>> -> memref<128x128xf32, #tpu.memory_space<hbm>>
      tpu.enqueue_dma source(%arg8 : memref<128x128xf32, #tpu.memory_space<vmem>>) target(%dma_start3A_122 : memref<128x128xf32, #tpu.memory_space<hbm>>) target_semaphore(%arg16 : memref<!tpu.dma_semaphore, #tpu.memory_space<semaphore_mem>>)
      %add3A_123 = arith.constant 2 : i32
      %add3A_124 = arith.addi %add3A_109, %add3A_123 : i32
      %lt3A_125 = arith.constant 156 : i32
      %lt3A_126 = arith.cmpi slt, %add3A_124, %lt3A_125 : i32
      %convert_element_type3A_127 = arith.extui %lt3A_126 : i1 to i32
      %cond3A_128 = arith.constant 0 : i32
      %cond3A_129 = arith.cmpi ne, %convert_element_type3A_127, %cond3A_128 : i32
      scf.if %cond3A_129 {
        %ge3A = arith.constant 2 : i32
        %ge3A_153 = arith.cmpi sge, %add3A_109, %ge3A : i32
        %convert_element_type3A_154 = arith.extui %ge3A_153 : i1 to i32
        %cond3A_155 = arith.constant 0 : i32
        %cond3A_156 = arith.cmpi ne, %convert_element_type3A_154, %cond3A_155 : i32
        scf.if %cond3A_156 {
          %sub3A = arith.constant 2 : i32
          %sub3A_165 = arith.subi %add3A_109, %sub3A : i32
          %mul3A_166 = arith.constant 128 : i32
          %mul3A_167 = arith.muli %sub3A_165, %mul3A_166 : i32
          %add3A_168 = arith.addi %mul3A_4, %mul3A_167 : i32
          %dma_wait3A_169 = arith.constant 0 : i32
          %dma_wait3A_170 = tpu.memref_slice %arg4[%add3A_168, %dma_wait3A_169] : memref<641024x128xf32, #tpu.memory_space<hbm>> -> memref<128x128xf32, #tpu.memory_space<hbm>>
          %dma_wait3A_171 = arith.constant 0 : i32
          %dma_wait3A_172 = tpu.memref_slice %arg4[%add3A_168, %dma_wait3A_171] : memref<641024x128xf32, #tpu.memory_space<hbm>> -> memref<128x128xf32, #tpu.memory_space<hbm>>
          tpu.wait_dma2 semaphore(%arg14 : memref<!tpu.dma_semaphore, #tpu.memory_space<semaphore_mem>>) src(%arg6 : memref<128x128xf32, #tpu.memory_space<vmem>>) dst(%dma_wait3A_172 : memref<128x128xf32, #tpu.memory_space<hbm>>)
        } else {
        }
        %add3A_157 = arith.constant 2 : i32
        %add3A_158 = arith.addi %add3A_109, %add3A_157 : i32
        %mul3A_159 = arith.constant 128 : i32
        %mul3A_160 = arith.muli %add3A_158, %mul3A_159 : i32
        %dma_start3A_161 = tpu.memref_slice %arg5[%mul3A_160] : memref<20032xi32, #tpu.memory_space<vmem>> -> memref<128xi32, #tpu.memory_space<vmem>>
        %dma_start3A_162 = arith.constant 0 : i32
        %dma_start3A_163 = arith.constant 0 : i32
        %dma_start3A_164 = tpu.memref_slice %arg2[%dma_start3A_162, %dma_start3A_163] : memref<10000x128xf32, #tpu.memory_space<hbm>> -> memref<10000x128xf32, #tpu.memory_space<hbm>>
        tpu.enqueue_indirect_dma source(%dma_start3A_164 : memref<10000x128xf32, #tpu.memory_space<hbm>>) target(%arg6 : memref<128x128xf32, #tpu.memory_space<vmem>>) offsets(%dma_start3A_161 : memref<128xi32, #tpu.memory_space<vmem>>) semaphore(%arg10 : memref<!tpu.dma_semaphore, #tpu.memory_space<semaphore_mem>>)
      } else {
      }
      %add3A_130 = arith.constant 3 : i32
      %add3A_131 = arith.addi %mul3A_68, %add3A_130 : i32
      %mul3A_132 = arith.constant 128 : i32
      %mul3A_133 = arith.muli %add3A_131, %mul3A_132 : i32
      %dma_wait3A_134 = tpu.memref_slice %arg5[%mul3A_133] : memref<20032xi32, #tpu.memory_space<vmem>> -> memref<128xi32, #tpu.memory_space<vmem>>
      %dma_wait3A_135 = arith.constant 0 : i32
      %dma_wait3A_136 = arith.constant 0 : i32
      %dma_wait3A_137 = tpu.memref_slice %arg2[%dma_wait3A_135, %dma_wait3A_136] : memref<10000x128xf32, #tpu.memory_space<hbm>> -> memref<10000x128xf32, #tpu.memory_space<hbm>>
      tpu.wait_indirect_dma semaphore(%arg13 : memref<!tpu.dma_semaphore, #tpu.memory_space<semaphore_mem>>) src(%dma_wait3A_137 : memref<10000x128xf32, #tpu.memory_space<hbm>>) dst(%arg9 : memref<128x128xf32, #tpu.memory_space<vmem>>)
      %mul3A_138 = arith.constant 128 : i32
      %mul3A_139 = arith.muli %add3A_131, %mul3A_138 : i32
      %add3A_140 = arith.addi %mul3A_4, %mul3A_139 : i32
      %dma_start3A_141 = arith.constant 0 : i32
      %dma_start3A_142 = tpu.memref_slice %arg4[%add3A_140, %dma_start3A_141] : memref<641024x128xf32, #tpu.memory_space<hbm>> -> memref<128x128xf32, #tpu.memory_space<hbm>>
      %dma_start3A_143 = arith.constant 0 : i32
      %dma_start3A_144 = tpu.memref_slice %arg4[%add3A_140, %dma_start3A_143] : memref<641024x128xf32, #tpu.memory_space<hbm>> -> memref<128x128xf32, #tpu.memory_space<hbm>>
      tpu.enqueue_dma source(%arg9 : memref<128x128xf32, #tpu.memory_space<vmem>>) target(%dma_start3A_144 : memref<128x128xf32, #tpu.memory_space<hbm>>) target_semaphore(%arg17 : memref<!tpu.dma_semaphore, #tpu.memory_space<semaphore_mem>>)
      %add3A_145 = arith.constant 2 : i32
      %add3A_146 = arith.addi %add3A_131, %add3A_145 : i32
      %lt3A_147 = arith.constant 156 : i32
      %lt3A_148 = arith.cmpi slt, %add3A_146, %lt3A_147 : i32
      %convert_element_type3A_149 = arith.extui %lt3A_148 : i1 to i32
      %cond3A_150 = arith.constant 0 : i32
      %cond3A_151 = arith.cmpi ne, %convert_element_type3A_149, %cond3A_150 : i32
      scf.if %cond3A_151 {
        %ge3A = arith.constant 2 : i32
        %ge3A_153 = arith.cmpi sge, %add3A_131, %ge3A : i32
        %convert_element_type3A_154 = arith.extui %ge3A_153 : i1 to i32
        %cond3A_155 = arith.constant 0 : i32
        %cond3A_156 = arith.cmpi ne, %convert_element_type3A_154, %cond3A_155 : i32
        scf.if %cond3A_156 {
          %sub3A = arith.constant 2 : i32
          %sub3A_165 = arith.subi %add3A_131, %sub3A : i32
          %mul3A_166 = arith.constant 128 : i32
          %mul3A_167 = arith.muli %sub3A_165, %mul3A_166 : i32
          %add3A_168 = arith.addi %mul3A_4, %mul3A_167 : i32
          %dma_wait3A_169 = arith.constant 0 : i32
          %dma_wait3A_170 = tpu.memref_slice %arg4[%add3A_168, %dma_wait3A_169] : memref<641024x128xf32, #tpu.memory_space<hbm>> -> memref<128x128xf32, #tpu.memory_space<hbm>>
          %dma_wait3A_171 = arith.constant 0 : i32
          %dma_wait3A_172 = tpu.memref_slice %arg4[%add3A_168, %dma_wait3A_171] : memref<641024x128xf32, #tpu.memory_space<hbm>> -> memref<128x128xf32, #tpu.memory_space<hbm>>
          tpu.wait_dma2 semaphore(%arg15 : memref<!tpu.dma_semaphore, #tpu.memory_space<semaphore_mem>>) src(%arg7 : memref<128x128xf32, #tpu.memory_space<vmem>>) dst(%dma_wait3A_172 : memref<128x128xf32, #tpu.memory_space<hbm>>)
        } else {
        }
        %add3A_157 = arith.constant 2 : i32
        %add3A_158 = arith.addi %add3A_131, %add3A_157 : i32
        %mul3A_159 = arith.constant 128 : i32
        %mul3A_160 = arith.muli %add3A_158, %mul3A_159 : i32
        %dma_start3A_161 = tpu.memref_slice %arg5[%mul3A_160] : memref<20032xi32, #tpu.memory_space<vmem>> -> memref<128xi32, #tpu.memory_space<vmem>>
        %dma_start3A_162 = arith.constant 0 : i32
        %dma_start3A_163 = arith.constant 0 : i32
        %dma_start3A_164 = tpu.memref_slice %arg2[%dma_start3A_162, %dma_start3A_163] : memref<10000x128xf32, #tpu.memory_space<hbm>> -> memref<10000x128xf32, #tpu.memory_space<hbm>>
        tpu.enqueue_indirect_dma source(%dma_start3A_164 : memref<10000x128xf32, #tpu.memory_space<hbm>>) target(%arg7 : memref<128x128xf32, #tpu.memory_space<vmem>>) offsets(%dma_start3A_161 : memref<128xi32, #tpu.memory_space<vmem>>) semaphore(%arg11 : memref<!tpu.dma_semaphore, #tpu.memory_space<semaphore_mem>>)
      } else {
      }
      %scan3A_152 = arith.constant 0 : i32
      scf.yield %scan3A_152 : i32
    }
    %scan3A_22 = arith.constant 39 : i32
    %add3A_23 = arith.constant 19456 : i32
    %add3A_24 = arith.addi %mul3A_4, %add3A_23 : i32
    %dma_wait3A_25 = arith.constant 0 : i32
    %dma_wait3A_26 = tpu.memref_slice %arg4[%add3A_24, %dma_wait3A_25] : memref<641024x128xf32, #tpu.memory_space<hbm>> -> memref<128x128xf32, #tpu.memory_space<hbm>>
    %dma_wait3A_27 = arith.constant 0 : i32
    %dma_wait3A_28 = tpu.memref_slice %arg4[%add3A_24, %dma_wait3A_27] : memref<641024x128xf32, #tpu.memory_space<hbm>> -> memref<128x128xf32, #tpu.memory_space<hbm>>
    tpu.wait_dma2 semaphore(%arg14 : memref<!tpu.dma_semaphore, #tpu.memory_space<semaphore_mem>>) src(%arg6 : memref<128x128xf32, #tpu.memory_space<vmem>>) dst(%dma_wait3A_28 : memref<128x128xf32, #tpu.memory_space<hbm>>)
    %add3A_29 = arith.constant 19584 : i32
    %add3A_30 = arith.addi %mul3A_4, %add3A_29 : i32
    %dma_wait3A_31 = arith.constant 0 : i32
    %dma_wait3A_32 = tpu.memref_slice %arg4[%add3A_30, %dma_wait3A_31] : memref<641024x128xf32, #tpu.memory_space<hbm>> -> memref<128x128xf32, #tpu.memory_space<hbm>>
    %dma_wait3A_33 = arith.constant 0 : i32
    %dma_wait3A_34 = tpu.memref_slice %arg4[%add3A_30, %dma_wait3A_33] : memref<641024x128xf32, #tpu.memory_space<hbm>> -> memref<128x128xf32, #tpu.memory_space<hbm>>
    tpu.wait_dma2 semaphore(%arg15 : memref<!tpu.dma_semaphore, #tpu.memory_space<semaphore_mem>>) src(%arg7 : memref<128x128xf32, #tpu.memory_space<vmem>>) dst(%dma_wait3A_34 : memref<128x128xf32, #tpu.memory_space<hbm>>)
    %add3A_35 = arith.constant 19712 : i32
    %add3A_36 = arith.addi %mul3A_4, %add3A_35 : i32
    %dma_wait3A_37 = arith.constant 0 : i32
    %dma_wait3A_38 = tpu.memref_slice %arg4[%add3A_36, %dma_wait3A_37] : memref<641024x128xf32, #tpu.memory_space<hbm>> -> memref<128x128xf32, #tpu.memory_space<hbm>>
    %dma_wait3A_39 = arith.constant 0 : i32
    %dma_wait3A_40 = tpu.memref_slice %arg4[%add3A_36, %dma_wait3A_39] : memref<641024x128xf32, #tpu.memory_space<hbm>> -> memref<128x128xf32, #tpu.memory_space<hbm>>
    tpu.wait_dma2 semaphore(%arg16 : memref<!tpu.dma_semaphore, #tpu.memory_space<semaphore_mem>>) src(%arg8 : memref<128x128xf32, #tpu.memory_space<vmem>>) dst(%dma_wait3A_40 : memref<128x128xf32, #tpu.memory_space<hbm>>)
    %add3A_41 = arith.constant 19840 : i32
    %add3A_42 = arith.addi %mul3A_4, %add3A_41 : i32
    %dma_wait3A_43 = arith.constant 0 : i32
    %dma_wait3A_44 = tpu.memref_slice %arg4[%add3A_42, %dma_wait3A_43] : memref<641024x128xf32, #tpu.memory_space<hbm>> -> memref<128x128xf32, #tpu.memory_space<hbm>>
    %dma_wait3A_45 = arith.constant 0 : i32
    %dma_wait3A_46 = tpu.memref_slice %arg4[%add3A_42, %dma_wait3A_45] : memref<641024x128xf32, #tpu.memory_space<hbm>> -> memref<128x128xf32, #tpu.memory_space<hbm>>
    tpu.wait_dma2 semaphore(%arg17 : memref<!tpu.dma_semaphore, #tpu.memory_space<semaphore_mem>>) src(%arg9 : memref<128x128xf32, #tpu.memory_space<vmem>>) dst(%dma_wait3A_46 : memref<128x128xf32, #tpu.memory_space<hbm>>)
    %add3A_47 = arith.constant 19968 : i32
    %add3A_48 = arith.addi %mul3A_4, %add3A_47 : i32
    %dma_start3A_49 = arith.constant 0 : i32
    %dma_start3A_50 = arith.constant 0 : i32
    %dma_start3A_51 = tpu.memref_slice %arg6[%dma_start3A_49, %dma_start3A_50] : memref<128x128xf32, #tpu.memory_space<vmem>> -> memref<64x128xf32, #tpu.memory_space<vmem>>
    %dma_start3A_52 = arith.constant 19968 : i32
    %dma_start3A_53 = tpu.memref_slice %arg5[%dma_start3A_52] : memref<20032xi32, #tpu.memory_space<vmem>> -> memref<64xi32, #tpu.memory_space<vmem>>
    %dma_start3A_54 = arith.constant 0 : i32
    %dma_start3A_55 = arith.constant 0 : i32
    %dma_start3A_56 = tpu.memref_slice %arg2[%dma_start3A_54, %dma_start3A_55] : memref<10000x128xf32, #tpu.memory_space<hbm>> -> memref<10000x128xf32, #tpu.memory_space<hbm>>
    tpu.enqueue_indirect_dma source(%dma_start3A_56 : memref<10000x128xf32, #tpu.memory_space<hbm>>) target(%dma_start3A_51 : memref<64x128xf32, #tpu.memory_space<vmem>>) offsets(%dma_start3A_53 : memref<64xi32, #tpu.memory_space<vmem>>) semaphore(%arg10 : memref<!tpu.dma_semaphore, #tpu.memory_space<semaphore_mem>>)
    %dma_wait3A_57 = arith.constant 0 : i32
    %dma_wait3A_58 = arith.constant 0 : i32
    %dma_wait3A_59 = tpu.memref_slice %arg6[%dma_wait3A_57, %dma_wait3A_58] : memref<128x128xf32, #tpu.memory_space<vmem>> -> memref<64x128xf32, #tpu.memory_space<vmem>>
    %dma_wait3A_60 = arith.constant 19968 : i32
    %dma_wait3A_61 = tpu.memref_slice %arg5[%dma_wait3A_60] : memref<20032xi32, #tpu.memory_space<vmem>> -> memref<64xi32, #tpu.memory_space<vmem>>
    %dma_wait3A_62 = arith.constant 0 : i32
    %dma_wait3A_63 = arith.constant 0 : i32
    %dma_wait3A_64 = tpu.memref_slice %arg2[%dma_wait3A_62, %dma_wait3A_63] : memref<10000x128xf32, #tpu.memory_space<hbm>> -> memref<10000x128xf32, #tpu.memory_space<hbm>>
    tpu.wait_indirect_dma semaphore(%arg10 : memref<!tpu.dma_semaphore, #tpu.memory_space<semaphore_mem>>) src(%dma_wait3A_64 : memref<10000x128xf32, #tpu.memory_space<hbm>>) dst(%dma_wait3A_59 : memref<64x128xf32, #tpu.memory_space<vmem>>)
    "tpu.region"() ({
      %run_scoped3A = tpu.sem_alloc : memref<!tpu.dma_semaphore, #tpu.memory_space<semaphore_mem>>
      %dma_start3A_65 = arith.constant 0 : i32
      %dma_start3A_66 = arith.constant 0 : i32
      %dma_start3A_67 = tpu.memref_slice %arg6[%dma_start3A_65, %dma_start3A_66] : memref<128x128xf32, #tpu.memory_space<vmem>> -> memref<64x128xf32, #tpu.memory_space<vmem>>
      %dma_start3A_68 = arith.constant 0 : i32
      %dma_start3A_69 = tpu.memref_slice %arg4[%add3A_48, %dma_start3A_68] : memref<641024x128xf32, #tpu.memory_space<hbm>> -> memref<64x128xf32, #tpu.memory_space<hbm>>
      %dma_start3A_70 = arith.constant 0 : i32
      %dma_start3A_71 = tpu.memref_slice %arg4[%add3A_48, %dma_start3A_70] : memref<641024x128xf32, #tpu.memory_space<hbm>> -> memref<64x128xf32, #tpu.memory_space<hbm>>
      %dma_start3A_72 = arith.constant 0 : i32
      %dma_start3A_73 = arith.constant 0 : i32
      %dma_start3A_74 = tpu.memref_slice %arg6[%dma_start3A_72, %dma_start3A_73] : memref<128x128xf32, #tpu.memory_space<vmem>> -> memref<64x128xf32, #tpu.memory_space<vmem>>
      tpu.enqueue_dma source(%dma_start3A_74 : memref<64x128xf32, #tpu.memory_space<vmem>>) target(%dma_start3A_71 : memref<64x128xf32, #tpu.memory_space<hbm>>) target_semaphore(%run_scoped3A : memref<!tpu.dma_semaphore, #tpu.memory_space<semaphore_mem>>)
      %dma_wait3A_75 = arith.constant 0 : i32
      %dma_wait3A_76 = arith.constant 0 : i32
      %dma_wait3A_77 = tpu.memref_slice %arg6[%dma_wait3A_75, %dma_wait3A_76] : memref<128x128xf32, #tpu.memory_space<vmem>> -> memref<64x128xf32, #tpu.memory_space<vmem>>
      %dma_wait3A_78 = arith.constant 0 : i32
      %dma_wait3A_79 = tpu.memref_slice %arg4[%add3A_48, %dma_wait3A_78] : memref<641024x128xf32, #tpu.memory_space<hbm>> -> memref<64x128xf32, #tpu.memory_space<hbm>>
      %dma_wait3A_80 = arith.constant 0 : i32
      %dma_wait3A_81 = tpu.memref_slice %arg4[%add3A_48, %dma_wait3A_80] : memref<641024x128xf32, #tpu.memory_space<hbm>> -> memref<64x128xf32, #tpu.memory_space<hbm>>
      %dma_wait3A_82 = arith.constant 0 : i32
      %dma_wait3A_83 = arith.constant 0 : i32
      %dma_wait3A_84 = tpu.memref_slice %arg6[%dma_wait3A_82, %dma_wait3A_83] : memref<128x128xf32, #tpu.memory_space<vmem>> -> memref<64x128xf32, #tpu.memory_space<vmem>>
      tpu.wait_dma2 semaphore(%run_scoped3A : memref<!tpu.dma_semaphore, #tpu.memory_space<semaphore_mem>>) src(%dma_wait3A_84 : memref<64x128xf32, #tpu.memory_space<vmem>>) dst(%dma_wait3A_81 : memref<64x128xf32, #tpu.memory_space<hbm>>)
      tpu.yield
    }) : () -> ()
    return
  }
}

module attributes {stable_mosaic.version = 14 : i64} {
  func.func @_h_body(%arg0: i32, %arg1: memref<2000x128xf32, #tpu.memory_space<vmem>>, %arg2: memref<128x128xf32, #tpu.memory_space<vmem>>, %arg3: memref<2000x128xf32, #tpu.memory_space<vmem>>) attributes {dimension_semantics = [#tpu.dimension_semantics<arbitrary>], iteration_bounds = array<i64: 5>, scalar_prefetch = 0 : i64, scratch_operands = 0 : i64, tpu.core_type = #tpu.core_type<tc>, window_params = [{transform_indices = @transform_0, window_bounds = array<i64: 2000, 128>}, {pipeline_mode = #tpu.pipeline_mode<synchronous>, transform_indices = @transform_1, window_bounds = array<i64: 128, 128>}, {transform_indices = @transform_2, window_bounds = array<i64: 2000, 128>}]} {
    %get3A = arith.constant 0 : index
    %get3A_0 = arith.constant 0 : index
    %get3A_1 = vector.load %arg1[%get3A, %get3A_0] : memref<2000x128xf32, #tpu.memory_space<vmem>>, vector<2000x128xf32>
    %get3A_2 = arith.constant 0 : index
    %get3A_3 = arith.constant 0 : index
    %get3A_4 = vector.load %arg2[%get3A_2, %get3A_3] : memref<128x128xf32, #tpu.memory_space<vmem>>, vector<128x128xf32>
    %dot_general3A = arith.constant dense<0.000000e+00> : vector<2000x128xf32>
    %dot_general3A_5 = tpu.matmul %get3A_1, %get3A_4, %dot_general3A {dimension_numbers = #tpu.dot_dimension_numbers<[1], [0], [0], [1], [0, 0, 1, 1], [], []>, transpose_lhs_hint = false} : vector<2000x128xf32>, vector<128x128xf32>, vector<2000x128xf32> -> vector<2000x128xf32>
    %swap3A = arith.constant 0 : index
    %swap3A_6 = arith.constant 0 : index
    %swap3A_7 = vector.load %arg3[%swap3A, %swap3A_6] : memref<2000x128xf32, #tpu.memory_space<vmem>>, vector<2000x128xf32>
    tpu.vector_store %arg3[%swap3A, %swap3A_6], %dot_general3A_5 {strides = array<i32>} : memref<2000x128xf32, #tpu.memory_space<vmem>>, vector<2000x128xf32>,
    return
  }
  func.func @transform_0(%arg0: i32) -> (i32, i32) {
    %c0_i32 = arith.constant 0 : i32
    %c0_i32_0 = arith.constant 0 : i32
    return %arg0, %c0_i32 : i32, i32
  }
  func.func @transform_1(%arg0: i32) -> (i32, i32) {
    %c0_i32 = arith.constant 0 : i32
    %c0_i32_0 = arith.constant 0 : i32
    %c0_i32_1 = arith.constant 0 : i32
    return %c0_i32, %c0_i32_0 : i32, i32
  }
  func.func @transform_2(%arg0: i32) -> (i32, i32) {
    %c0_i32 = arith.constant 0 : i32
    %c0_i32_0 = arith.constant 0 : i32
    return %arg0, %c0_i32 : i32, i32
  }
}

module attributes {stable_mosaic.version = 14 : i64} {
  func.func @_degnorm_body(%arg0: i32, %arg1: memref<32x10000xf32, #tpu.memory_space<vmem>>, %arg2: memref<1x10000xf32, #tpu.memory_space<vmem>>) attributes {dimension_semantics = [#tpu.dimension_semantics<arbitrary>], iteration_bounds = array<i64: 1>, scalar_prefetch = 0 : i64, scratch_operands = 0 : i64, tpu.core_type = #tpu.core_type<tc>, window_params = [{pipeline_mode = #tpu.pipeline_mode<synchronous>, transform_indices = @transform_0, window_bounds = array<i64: 32, 10000>}, {pipeline_mode = #tpu.pipeline_mode<synchronous>, transform_indices = @transform_1, window_bounds = array<i64: 1, 10000>}]} {
    %get3A = arith.constant 0 : index
    %get3A_0 = arith.constant 0 : index
    %get3A_1 = vector.load %arg1[%get3A, %get3A_0] : memref<32x10000xf32, #tpu.memory_space<vmem>>, vector<32x10000xf32>
    %reduce_sum3A = arith.constant dense<0.000000e+00> : vector<10000xf32>
    %reduce_sum3A_2 = vector.multi_reduction <add>, %get3A_1, %reduce_sum3A [0] : vector<32x10000xf32> to vector<10000xf32>
    %broadcast_in_dim3A = vector.shape_cast %reduce_sum3A_2 : vector<10000xf32> to vector<1x10000xf32>
    %add3A = arith.constant 1.000000e+00 : f32
    %add3A_3 = vector.broadcast %add3A : f32 to vector<1x10000xf32>
    %add3A_4 = arith.addf %broadcast_in_dim3A, %add3A_3 : vector<1x10000xf32>
    %rsqrt3A = math.rsqrt %add3A_4 : vector<1x10000xf32>
    %swap3A = arith.constant 0 : index
    %swap3A_5 = arith.constant 0 : index
    %swap3A_6 = vector.load %arg2[%swap3A, %swap3A_5] : memref<1x10000xf32, #tpu.memory_space<vmem>>, vector<1x10000xf32>
    tpu.vector_store %arg2[%swap3A, %swap3A_5], %rsqrt3A {strides = array<i32>} : memref<1x10000xf32, #tpu.memory_space<vmem>>, vector<1x10000xf32>,
    return
  }
  func.func @transform_0(%arg0: i32) -> (i32, i32) {
    %c0_i32 = arith.constant 0 : i32
    %c0_i32_0 = arith.constant 0 : i32
    %c0_i32_1 = arith.constant 0 : i32
    return %c0_i32, %c0_i32_0 : i32, i32
  }
  func.func @transform_1(%arg0: i32) -> (i32, i32) {
    %c0_i32 = arith.constant 0 : i32
    %c0_i32_0 = arith.constant 0 : i32
    %c0_i32_1 = arith.constant 0 : i32
    return %c0_i32, %c0_i32_0 : i32, i32
  }
}

module attributes {stable_mosaic.version = 14 : i64} {
  func.func @_medoid_body(%arg0: i32, %arg1: memref<2048x128xf32, #tpu.memory_space<vmem>>, %arg2: memref<32x64xf32, #tpu.memory_space<vmem>>, %arg3: memref<32x1xf32, #tpu.memory_space<vmem>>, %arg4: memref<1x128xf32, #tpu.memory_space<vmem>>, %arg5: memref<32x128xf32, #tpu.memory_space<vmem>>) attributes {dimension_semantics = [#tpu.dimension_semantics<arbitrary>], iteration_bounds = array<i64: 313>, scalar_prefetch = 0 : i64, scratch_operands = 0 : i64, tpu.core_type = #tpu.core_type<tc>, window_params = [{transform_indices = @transform_0, window_bounds = array<i64: 2048, 128>}, {transform_indices = @transform_1, window_bounds = array<i64: 32, 64>}, {transform_indices = @transform_2, window_bounds = array<i64: 32, 1>}, {pipeline_mode = #tpu.pipeline_mode<synchronous>, transform_indices = @transform_3, window_bounds = array<i64: 1, 128>}, {transform_indices = @transform_4, window_bounds = array<i64: 32, 128>}]} {
    %get3A = arith.constant 0 : index
    %get3A_0 = arith.constant 0 : index
    %get3A_1 = vector.load %arg1[%get3A, %get3A_0] : memref<2048x128xf32, #tpu.memory_space<vmem>>, vector<2048x128xf32>
    %slice3A = vector.extract_strided_slice %get3A_1 {offsets = [0, 0], sizes = [256, 128], strides = [1, 1]} : vector<2048x128xf32> to vector<256x128xf32>
    %slice3A_2 = vector.extract_strided_slice %get3A_1 {offsets = [0, 0], sizes = [256, 128], strides = [1, 1]} : vector<2048x128xf32> to vector<256x128xf32>
    %transpose3A = tpu.transpose %slice3A_2, [1, 0] : vector<256x128xf32> -> vector<128x256xf32>
    %dot_general3A = arith.constant dense<0.000000e+00> : vector<256x256xf32>
    %dot_general3A_3 = tpu.matmul %slice3A, %transpose3A, %dot_general3A {dimension_numbers = #tpu.dot_dimension_numbers<[1], [0], [0], [1], [0, 0, 1, 1], [], []>, transpose_lhs_hint = false} : vector<256x128xf32>, vector<128x256xf32>, vector<256x256xf32> -> vector<256x256xf32>
    %slice3A_4 = vector.extract_strided_slice %get3A_1 {offsets = [256, 0], sizes = [256, 128], strides = [1, 1]} : vector<2048x128xf32> to vector<256x128xf32>
    %slice3A_5 = vector.extract_strided_slice %get3A_1 {offsets = [256, 0], sizes = [256, 128], strides = [1, 1]} : vector<2048x128xf32> to vector<256x128xf32>
    %transpose3A_6 = tpu.transpose %slice3A_5, [1, 0] : vector<256x128xf32> -> vector<128x256xf32>
    %dot_general3A_7 = arith.constant dense<0.000000e+00> : vector<256x256xf32>
    %dot_general3A_8 = tpu.matmul %slice3A_4, %transpose3A_6, %dot_general3A_7 {dimension_numbers = #tpu.dot_dimension_numbers<[1], [0], [0], [1], [0, 0, 1, 1], [], []>, transpose_lhs_hint = false} : vector<256x128xf32>, vector<128x256xf32>, vector<256x256xf32> -> vector<256x256xf32>
    %slice3A_9 = vector.extract_strided_slice %get3A_1 {offsets = [512, 0], sizes = [256, 128], strides = [1, 1]} : vector<2048x128xf32> to vector<256x128xf32>
    %slice3A_10 = vector.extract_strided_slice %get3A_1 {offsets = [512, 0], sizes = [256, 128], strides = [1, 1]} : vector<2048x128xf32> to vector<256x128xf32>
    %transpose3A_11 = tpu.transpose %slice3A_10, [1, 0] : vector<256x128xf32> -> vector<128x256xf32>
    %dot_general3A_12 = arith.constant dense<0.000000e+00> : vector<256x256xf32>
    %dot_general3A_13 = tpu.matmul %slice3A_9, %transpose3A_11, %dot_general3A_12 {dimension_numbers = #tpu.dot_dimension_numbers<[1], [0], [0], [1], [0, 0, 1, 1], [], []>, transpose_lhs_hint = false} : vector<256x128xf32>, vector<128x256xf32>, vector<256x256xf32> -> vector<256x256xf32>
    %slice3A_14 = vector.extract_strided_slice %get3A_1 {offsets = [768, 0], sizes = [256, 128], strides = [1, 1]} : vector<2048x128xf32> to vector<256x128xf32>
    %slice3A_15 = vector.extract_strided_slice %get3A_1 {offsets = [768, 0], sizes = [256, 128], strides = [1, 1]} : vector<2048x128xf32> to vector<256x128xf32>
    %transpose3A_16 = tpu.transpose %slice3A_15, [1, 0] : vector<256x128xf32> -> vector<128x256xf32>
    %dot_general3A_17 = arith.constant dense<0.000000e+00> : vector<256x256xf32>
    %dot_general3A_18 = tpu.matmul %slice3A_14, %transpose3A_16, %dot_general3A_17 {dimension_numbers = #tpu.dot_dimension_numbers<[1], [0], [0], [1], [0, 0, 1, 1], [], []>, transpose_lhs_hint = false} : vector<256x128xf32>, vector<128x256xf32>, vector<256x256xf32> -> vector<256x256xf32>
    %slice3A_19 = vector.extract_strided_slice %get3A_1 {offsets = [1024, 0], sizes = [256, 128], strides = [1, 1]} : vector<2048x128xf32> to vector<256x128xf32>
    %slice3A_20 = vector.extract_strided_slice %get3A_1 {offsets = [1024, 0], sizes = [256, 128], strides = [1, 1]} : vector<2048x128xf32> to vector<256x128xf32>
    %transpose3A_21 = tpu.transpose %slice3A_20, [1, 0] : vector<256x128xf32> -> vector<128x256xf32>
    %dot_general3A_22 = arith.constant dense<0.000000e+00> : vector<256x256xf32>
    %dot_general3A_23 = tpu.matmul %slice3A_19, %transpose3A_21, %dot_general3A_22 {dimension_numbers = #tpu.dot_dimension_numbers<[1], [0], [0], [1], [0, 0, 1, 1], [], []>, transpose_lhs_hint = false} : vector<256x128xf32>, vector<128x256xf32>, vector<256x256xf32> -> vector<256x256xf32>
    %slice3A_24 = vector.extract_strided_slice %get3A_1 {offsets = [1280, 0], sizes = [256, 128], strides = [1, 1]} : vector<2048x128xf32> to vector<256x128xf32>
    %slice3A_25 = vector.extract_strided_slice %get3A_1 {offsets = [1280, 0], sizes = [256, 128], strides = [1, 1]} : vector<2048x128xf32> to vector<256x128xf32>
    %transpose3A_26 = tpu.transpose %slice3A_25, [1, 0] : vector<256x128xf32> -> vector<128x256xf32>
    %dot_general3A_27 = arith.constant dense<0.000000e+00> : vector<256x256xf32>
    %dot_general3A_28 = tpu.matmul %slice3A_24, %transpose3A_26, %dot_general3A_27 {dimension_numbers = #tpu.dot_dimension_numbers<[1], [0], [0], [1], [0, 0, 1, 1], [], []>, transpose_lhs_hint = false} : vector<256x128xf32>, vector<128x256xf32>, vector<256x256xf32> -> vector<256x256xf32>
    %slice3A_29 = vector.extract_strided_slice %get3A_1 {offsets = [1536, 0], sizes = [256, 128], strides = [1, 1]} : vector<2048x128xf32> to vector<256x128xf32>
    %slice3A_30 = vector.extract_strided_slice %get3A_1 {offsets = [1536, 0], sizes = [256, 128], strides = [1, 1]} : vector<2048x128xf32> to vector<256x128xf32>
    %transpose3A_31 = tpu.transpose %slice3A_30, [1, 0] : vector<256x128xf32> -> vector<128x256xf32>
    %dot_general3A_32 = arith.constant dense<0.000000e+00> : vector<256x256xf32>
    %dot_general3A_33 = tpu.matmul %slice3A_29, %transpose3A_31, %dot_general3A_32 {dimension_numbers = #tpu.dot_dimension_numbers<[1], [0], [0], [1], [0, 0, 1, 1], [], []>, transpose_lhs_hint = false} : vector<256x128xf32>, vector<128x256xf32>, vector<256x256xf32> -> vector<256x256xf32>
    %slice3A_34 = vector.extract_strided_slice %get3A_1 {offsets = [1792, 0], sizes = [256, 128], strides = [1, 1]} : vector<2048x128xf32> to vector<256x128xf32>
    %slice3A_35 = vector.extract_strided_slice %get3A_1 {offsets = [1792, 0], sizes = [256, 128], strides = [1, 1]} : vector<2048x128xf32> to vector<256x128xf32>
    %transpose3A_36 = tpu.transpose %slice3A_35, [1, 0] : vector<256x128xf32> -> vector<128x256xf32>
    %dot_general3A_37 = arith.constant dense<0.000000e+00> : vector<256x256xf32>
    %dot_general3A_38 = tpu.matmul %slice3A_34, %transpose3A_36, %dot_general3A_37 {dimension_numbers = #tpu.dot_dimension_numbers<[1], [0], [0], [1], [0, 0, 1, 1], [], []>, transpose_lhs_hint = false} : vector<256x128xf32>, vector<128x256xf32>, vector<256x256xf32> -> vector<256x256xf32>
    %slice3A_39 = vector.extract_strided_slice %dot_general3A_3 {offsets = [0, 0], sizes = [64, 64], strides = [1, 1]} : vector<256x256xf32> to vector<64x64xf32>
    %slice3A_40 = vector.extract_strided_slice %dot_general3A_3 {offsets = [64, 64], sizes = [64, 64], strides = [1, 1]} : vector<256x256xf32> to vector<64x64xf32>
    %slice3A_41 = vector.extract_strided_slice %dot_general3A_3 {offsets = [128, 128], sizes = [64, 64], strides = [1, 1]} : vector<256x256xf32> to vector<64x64xf32>
    %slice3A_42 = vector.extract_strided_slice %dot_general3A_3 {offsets = [192, 192], sizes = [64, 64], strides = [1, 1]} : vector<256x256xf32> to vector<64x64xf32>
    %slice3A_43 = vector.extract_strided_slice %dot_general3A_8 {offsets = [0, 0], sizes = [64, 64], strides = [1, 1]} : vector<256x256xf32> to vector<64x64xf32>
    %slice3A_44 = vector.extract_strided_slice %dot_general3A_8 {offsets = [64, 64], sizes = [64, 64], strides = [1, 1]} : vector<256x256xf32> to vector<64x64xf32>
    %slice3A_45 = vector.extract_strided_slice %dot_general3A_8 {offsets = [128, 128], sizes = [64, 64], strides = [1, 1]} : vector<256x256xf32> to vector<64x64xf32>
    %slice3A_46 = vector.extract_strided_slice %dot_general3A_8 {offsets = [192, 192], sizes = [64, 64], strides = [1, 1]} : vector<256x256xf32> to vector<64x64xf32>
    %slice3A_47 = vector.extract_strided_slice %dot_general3A_13 {offsets = [0, 0], sizes = [64, 64], strides = [1, 1]} : vector<256x256xf32> to vector<64x64xf32>
    %slice3A_48 = vector.extract_strided_slice %dot_general3A_13 {offsets = [64, 64], sizes = [64, 64], strides = [1, 1]} : vector<256x256xf32> to vector<64x64xf32>
    %slice3A_49 = vector.extract_strided_slice %dot_general3A_13 {offsets = [128, 128], sizes = [64, 64], strides = [1, 1]} : vector<256x256xf32> to vector<64x64xf32>
    %slice3A_50 = vector.extract_strided_slice %dot_general3A_13 {offsets = [192, 192], sizes = [64, 64], strides = [1, 1]} : vector<256x256xf32> to vector<64x64xf32>
    %slice3A_51 = vector.extract_strided_slice %dot_general3A_18 {offsets = [0, 0], sizes = [64, 64], strides = [1, 1]} : vector<256x256xf32> to vector<64x64xf32>
    %slice3A_52 = vector.extract_strided_slice %dot_general3A_18 {offsets = [64, 64], sizes = [64, 64], strides = [1, 1]} : vector<256x256xf32> to vector<64x64xf32>
    %slice3A_53 = vector.extract_strided_slice %dot_general3A_18 {offsets = [128, 128], sizes = [64, 64], strides = [1, 1]} : vector<256x256xf32> to vector<64x64xf32>
    %slice3A_54 = vector.extract_strided_slice %dot_general3A_18 {offsets = [192, 192], sizes = [64, 64], strides = [1, 1]} : vector<256x256xf32> to vector<64x64xf32>
    %slice3A_55 = vector.extract_strided_slice %dot_general3A_23 {offsets = [0, 0], sizes = [64, 64], strides = [1, 1]} : vector<256x256xf32> to vector<64x64xf32>
    %slice3A_56 = vector.extract_strided_slice %dot_general3A_23 {offsets = [64, 64], sizes = [64, 64], strides = [1, 1]} : vector<256x256xf32> to vector<64x64xf32>
    %slice3A_57 = vector.extract_strided_slice %dot_general3A_23 {offsets = [128, 128], sizes = [64, 64], strides = [1, 1]} : vector<256x256xf32> to vector<64x64xf32>
    %slice3A_58 = vector.extract_strided_slice %dot_general3A_23 {offsets = [192, 192], sizes = [64, 64], strides = [1, 1]} : vector<256x256xf32> to vector<64x64xf32>
    %slice3A_59 = vector.extract_strided_slice %dot_general3A_28 {offsets = [0, 0], sizes = [64, 64], strides = [1, 1]} : vector<256x256xf32> to vector<64x64xf32>
    %slice3A_60 = vector.extract_strided_slice %dot_general3A_28 {offsets = [64, 64], sizes = [64, 64], strides = [1, 1]} : vector<256x256xf32> to vector<64x64xf32>
    %slice3A_61 = vector.extract_strided_slice %dot_general3A_28 {offsets = [128, 128], sizes = [64, 64], strides = [1, 1]} : vector<256x256xf32> to vector<64x64xf32>
    %slice3A_62 = vector.extract_strided_slice %dot_general3A_28 {offsets = [192, 192], sizes = [64, 64], strides = [1, 1]} : vector<256x256xf32> to vector<64x64xf32>
    %slice3A_63 = vector.extract_strided_slice %dot_general3A_33 {offsets = [0, 0], sizes = [64, 64], strides = [1, 1]} : vector<256x256xf32> to vector<64x64xf32>
    %slice3A_64 = vector.extract_strided_slice %dot_general3A_33 {offsets = [64, 64], sizes = [64, 64], strides = [1, 1]} : vector<256x256xf32> to vector<64x64xf32>
    %slice3A_65 = vector.extract_strided_slice %dot_general3A_33 {offsets = [128, 128], sizes = [64, 64], strides = [1, 1]} : vector<256x256xf32> to vector<64x64xf32>
    %slice3A_66 = vector.extract_strided_slice %dot_general3A_33 {offsets = [192, 192], sizes = [64, 64], strides = [1, 1]} : vector<256x256xf32> to vector<64x64xf32>
    %slice3A_67 = vector.extract_strided_slice %dot_general3A_38 {offsets = [0, 0], sizes = [64, 64], strides = [1, 1]} : vector<256x256xf32> to vector<64x64xf32>
    %slice3A_68 = vector.extract_strided_slice %dot_general3A_38 {offsets = [64, 64], sizes = [64, 64], strides = [1, 1]} : vector<256x256xf32> to vector<64x64xf32>
    %slice3A_69 = vector.extract_strided_slice %dot_general3A_38 {offsets = [128, 128], sizes = [64, 64], strides = [1, 1]} : vector<256x256xf32> to vector<64x64xf32>
    %slice3A_70 = vector.extract_strided_slice %dot_general3A_38 {offsets = [192, 192], sizes = [64, 64], strides = [1, 1]} : vector<256x256xf32> to vector<64x64xf32>
    %concatenate3A = tpu.concatenate %slice3A_39, %slice3A_40, %slice3A_41, %slice3A_42, %slice3A_43, %slice3A_44, %slice3A_45, %slice3A_46, %slice3A_47, %slice3A_48, %slice3A_49, %slice3A_50, %slice3A_51, %slice3A_52, %slice3A_53, %slice3A_54, %slice3A_55, %slice3A_56, %slice3A_57, %slice3A_58, %slice3A_59, %slice3A_60, %slice3A_61, %slice3A_62, %slice3A_63, %slice3A_64, %slice3A_65, %slice3A_66, %slice3A_67, %slice3A_68, %slice3A_69, %slice3A_70 in 0 : vector<64x64xf32>, vector<64x64xf32>, vector<64x64xf32>, vector<64x64xf32>, vector<64x64xf32>, vector<64x64xf32>, vector<64x64xf32>, vector<64x64xf32>, vector<64x64xf32>, vector<64x64xf32>, vector<64x64xf32>, vector<64x64xf32>, vector<64x64xf32>, vector<64x64xf32>, vector<64x64xf32>, vector<64x64xf32>, vector<64x64xf32>, vector<64x64xf32>, vector<64x64xf32>, vector<64x64xf32>, vector<64x64xf32>, vector<64x64xf32>, vector<64x64xf32>, vector<64x64xf32>, vector<64x64xf32>, vector<64x64xf32>, vector<64x64xf32>, vector<64x64xf32>, vector<64x64xf32>, vector<64x64xf32>, vector<64x64xf32>, vector<64x64xf32> -> vector<2048x64xf32>
    %mul3A = arith.mulf %get3A_1, %get3A_1 : vector<2048x128xf32>
    %reduce_sum3A = arith.constant dense<0.000000e+00> : vector<2048xf32>
    %reduce_sum3A_71 = vector.multi_reduction <add>, %mul3A, %reduce_sum3A [1] : vector<2048x128xf32> to vector<2048xf32>
    %get3A_72 = arith.constant 0 : index
    %get3A_73 = arith.constant 0 : index
    %get3A_74 = vector.load %arg2[%get3A_72, %get3A_73] : memref<32x64xf32, #tpu.memory_space<vmem>>, vector<32x64xf32>
    %reshape3A = vector.shape_cast %reduce_sum3A_71 : vector<2048xf32> to vector<32x1x64xf32>
    %broadcast_in_dim3A = vector.shape_cast %reshape3A : vector<32x1x64xf32> to vector<32x1x64xf32>
    %broadcast_in_dim3A_75 = vector.broadcast %broadcast_in_dim3A : vector<32x1x64xf32> to vector<32x64x64xf32>
    %reshape3A_76 = vector.shape_cast %broadcast_in_dim3A_75 : vector<32x64x64xf32> to vector<2048x64xf32>
    %reshape3A_77 = vector.shape_cast %get3A_74 : vector<32x64xf32> to vector<32x1x64xf32>
    %broadcast_in_dim3A_78 = vector.shape_cast %reshape3A_77 : vector<32x1x64xf32> to vector<32x1x64xf32>
    %broadcast_in_dim3A_79 = vector.broadcast %broadcast_in_dim3A_78 : vector<32x1x64xf32> to vector<32x64x64xf32>
    %reshape3A_80 = vector.shape_cast %broadcast_in_dim3A_79 : vector<32x64x64xf32> to vector<2048x64xf32>
    %broadcast_in_dim3A_81 = vector.shape_cast %reduce_sum3A_71 : vector<2048xf32> to vector<2048x1xf32>
    %add3A = vector.broadcast %broadcast_in_dim3A_81 : vector<2048x1xf32> to vector<2048x64xf32>
    %add3A_82 = arith.addf %add3A, %reshape3A_76 : vector<2048x64xf32>
    %mul3A_83 = arith.constant 2.000000e+00 : f32
    %mul3A_84 = vector.broadcast %mul3A_83 : f32 to vector<2048x64xf32>
    %mul3A_85 = arith.mulf %mul3A_84, %concatenate3A : vector<2048x64xf32>
    %sub3A = arith.subf %add3A_82, %mul3A_85 : vector<2048x64xf32>
    %max3A = arith.constant 0.000000e+00 : f32
    %max3A_86 = vector.broadcast %max3A : f32 to vector<2048x64xf32>
    %max3A_87 = arith.maximumf %sub3A, %max3A_86 : vector<2048x64xf32>
    %add3A_88 = arith.constant 9.99999996E-13 : f32
    %add3A_89 = vector.broadcast %add3A_88 : f32 to vector<2048x64xf32>
    %add3A_90 = arith.addf %max3A_87, %add3A_89 : vector<2048x64xf32>
    %sqrt3A = math.sqrt %add3A_90 : vector<2048x64xf32>
    %mul3A_91 = arith.mulf %sqrt3A, %reshape3A_80 : vector<2048x64xf32>
    %reduce_sum3A_92 = arith.constant dense<0.000000e+00> : vector<2048xf32>
    %reduce_sum3A_93 = vector.multi_reduction <add>, %mul3A_91, %reduce_sum3A_92 [1] : vector<2048x64xf32> to vector<2048xf32>
    %reshape3A_94 = vector.shape_cast %reduce_sum3A_93 : vector<2048xf32> to vector<32x64xf32>
    %gt3A = arith.constant 0.000000e+00 : f32
    %gt3A_95 = vector.broadcast %gt3A : f32 to vector<32x64xf32>
    %gt3A_96 = arith.cmpf ogt, %get3A_74, %gt3A_95 : vector<32x64xf32>
    %jit3A = arith.constant 1.000000e+30 : f32
    %broadcast_in_dim3A_97 = vector.broadcast %jit3A : f32 to vector<32x64xf32>
    %select_n3A = arith.select %gt3A_96, %reshape3A_94, %broadcast_in_dim3A_97 : vector<32x64xi1>, vector<32x64xf32>
    %reduce_min3A = arith.constant dense<0x7F800000> : vector<32xf32>
    %reduce_min3A_98 = vector.multi_reduction <minimumf>, %select_n3A, %reduce_min3A [1] : vector<32x64xf32> to vector<32xf32>
    %broadcast_in_dim3A_99 = vector.shape_cast %reduce_min3A_98 : vector<32xf32> to vector<32x1xf32>
    %get3A_100 = arith.constant 0 : index
    %get3A_101 = arith.constant 0 : index
    %get3A_102 = vector.load %arg3[%get3A_100, %get3A_101] : memref<32x1xf32, #tpu.memory_space<vmem>>, vector<32x1xf32>
    %sub3A_103 = vector.broadcast %broadcast_in_dim3A_99 : vector<32x1xf32> to vector<32x64xf32>
    %sub3A_104 = arith.subf %reshape3A_94, %sub3A_103 : vector<32x64xf32>
    %neg3A = arith.constant 0.000000e+00 : f32
    %neg3A_105 = vector.broadcast %neg3A : f32 to vector<32x64xf32>
    %neg3A_106 = arith.subf %neg3A_105, %sub3A_104 : vector<32x64xf32>
    %mul3A_107 = arith.constant 1.000000e+00 : f32
    %mul3A_108 = vector.broadcast %mul3A_107 : f32 to vector<32x1xf32>
    %mul3A_109 = arith.mulf %mul3A_108, %get3A_102 : vector<32x1xf32>
    %div3A = vector.broadcast %mul3A_109 : vector<32x1xf32> to vector<32x64xf32>
    %div3A_110 = arith.divf %neg3A_106, %div3A : vector<32x64xf32>
    %exp3A = math.exp %div3A_110 : vector<32x64xf32>
    %mul3A_111 = arith.mulf %exp3A, %get3A_74 : vector<32x64xf32>
    %reduce_sum3A_112 = arith.constant dense<0.000000e+00> : vector<32xf32>
    %reduce_sum3A_113 = vector.multi_reduction <add>, %mul3A_111, %reduce_sum3A_112 [1] : vector<32x64xf32> to vector<32xf32>
    %broadcast_in_dim3A_114 = vector.shape_cast %reduce_sum3A_113 : vector<32xf32> to vector<32x1xf32>
    %max3A_115 = arith.constant 9.99999996E-13 : f32
    %max3A_116 = vector.broadcast %max3A_115 : f32 to vector<32x1xf32>
    %max3A_117 = arith.maximumf %broadcast_in_dim3A_114, %max3A_116 : vector<32x1xf32>
    %div3A_118 = vector.broadcast %max3A_117 : vector<32x1xf32> to vector<32x64xf32>
    %div3A_119 = arith.divf %mul3A_111, %div3A_118 : vector<32x64xf32>
    %iota3A = tpu.iota {dimensions = array<i32: 0>} : vector<32x2048xi32>
    %iota3A_120 = tpu.iota {dimensions = array<i32: 1>} : vector<32x2048xi32>
    %shift_right_logical3A = arith.constant 6 : i32
    %shift_right_logical3A_121 = vector.broadcast %shift_right_logical3A : i32 to vector<32x2048xi32>
    %shift_right_logical3A_122 = arith.shrui %iota3A_120, %shift_right_logical3A_121 : vector<32x2048xi32>
    %eq3A = arith.cmpi eq, %iota3A, %shift_right_logical3A_122 : vector<32x2048xi32>
    %reshape3A_123 = vector.shape_cast %div3A_119 : vector<32x64xf32> to vector<1x2048xf32>
    %broadcast_in_dim3A_124 = vector.shape_cast %reshape3A_123 : vector<1x2048xf32> to vector<1x2048xf32>
    %broadcast_in_dim3A_125 = vector.broadcast %broadcast_in_dim3A_124 : vector<1x2048xf32> to vector<32x2048xf32>
    %jit3A_126 = arith.constant 0.000000e+00 : f32
    %broadcast_in_dim3A_127 = vector.broadcast %jit3A_126 : f32 to vector<32x2048xf32>
    %select_n3A_128 = arith.select %eq3A, %broadcast_in_dim3A_125, %broadcast_in_dim3A_127 : vector<32x2048xi1>, vector<32x2048xf32>
    %dot_general3A_129 = arith.constant dense<0.000000e+00> : vector<32x128xf32>
    %dot_general3A_130 = tpu.matmul %select_n3A_128, %get3A_1, %dot_general3A_129 {dimension_numbers = #tpu.dot_dimension_numbers<[1], [0], [0], [1], [0, 0, 1, 1], [], []>, transpose_lhs_hint = false} : vector<32x2048xf32>, vector<2048x128xf32>, vector<32x128xf32> -> vector<32x128xf32>
    %mul3A_131 = vector.broadcast %get3A_102 : vector<32x1xf32> to vector<32x128xf32>
    %mul3A_132 = arith.mulf %mul3A_131, %dot_general3A_130 : vector<32x128xf32>
    %get3A_133 = arith.constant 0 : index
    %get3A_134 = arith.constant 0 : index
    %get3A_135 = vector.load %arg4[%get3A_133, %get3A_134] : memref<1x128xf32, #tpu.memory_space<vmem>>, vector<1x128xf32>
    %add3A_136 = vector.broadcast %get3A_135 : vector<1x128xf32> to vector<32x128xf32>
    %add3A_137 = arith.addf %mul3A_132, %add3A_136 : vector<32x128xf32>
    %max3A_138 = arith.constant 0.000000e+00 : f32
    %max3A_139 = vector.broadcast %max3A_138 : f32 to vector<32x128xf32>
    %max3A_140 = arith.maximumf %add3A_137, %max3A_139 : vector<32x128xf32>
    %swap3A = arith.constant 0 : index
    %swap3A_141 = arith.constant 0 : index
    %swap3A_142 = vector.load %arg5[%swap3A, %swap3A_141] : memref<32x128xf32, #tpu.memory_space<vmem>>, vector<32x128xf32>
    tpu.vector_store %arg5[%swap3A, %swap3A_141], %max3A_140 {strides = array<i32>} : memref<32x128xf32, #tpu.memory_space<vmem>>, vector<32x128xf32>,
    return
  }
  func.func @transform_0(%arg0: i32) -> (i32, i32) {
    %c0_i32 = arith.constant 0 : i32
    %c0_i32_0 = arith.constant 0 : i32
    return %arg0, %c0_i32 : i32, i32
  }
  func.func @transform_1(%arg0: i32) -> (i32, i32) {
    %c0_i32 = arith.constant 0 : i32
    %c0_i32_0 = arith.constant 0 : i32
    return %arg0, %c0_i32 : i32, i32
  }
  func.func @transform_2(%arg0: i32) -> (i32, i32) {
    %c0_i32 = arith.constant 0 : i32
    %c0_i32_0 = arith.constant 0 : i32
    return %arg0, %c0_i32 : i32, i32
  }
  func.func @transform_3(%arg0: i32) -> (i32, i32) {
    %c0_i32 = arith.constant 0 : i32
    %c0_i32_0 = arith.constant 0 : i32
    %c0_i32_1 = arith.constant 0 : i32
    return %c0_i32, %c0_i32_0 : i32, i32
  }
  func.func @transform_4(%arg0: i32) -> (i32, i32) {
    %c0_i32 = arith.constant 0 : i32
    %c0_i32_0 = arith.constant 0 : i32
    return %arg0, %c0_i32 : i32, i32
  }
}

module attributes {stable_mosaic.version = 14 : i64} {
  func.func @_gram_body(%arg0: i32, %arg1: memref<400x128xf32, #tpu.memory_space<vmem>>, %arg2: memref<10000x128xf32, #tpu.memory_space<vmem>>, %arg3: memref<400x10000xf32, #tpu.memory_space<vmem>>) attributes {dimension_semantics = [#tpu.dimension_semantics<arbitrary>], iteration_bounds = array<i64: 25>, scalar_prefetch = 0 : i64, scratch_operands = 0 : i64, tpu.core_type = #tpu.core_type<tc>, window_params = [{transform_indices = @transform_0, window_bounds = array<i64: 400, 128>}, {pipeline_mode = #tpu.pipeline_mode<synchronous>, transform_indices = @transform_1, window_bounds = array<i64: 10000, 128>}, {transform_indices = @transform_2, window_bounds = array<i64: 400, 10000>}]} {
    %get3A = arith.constant 0 : index
    %get3A_0 = arith.constant 0 : index
    %get3A_1 = vector.load %arg1[%get3A, %get3A_0] : memref<400x128xf32, #tpu.memory_space<vmem>>, vector<400x128xf32>
    %get3A_2 = arith.constant 0 : index
    %get3A_3 = arith.constant 0 : index
    %get3A_4 = vector.load %arg2[%get3A_2, %get3A_3] : memref<10000x128xf32, #tpu.memory_space<vmem>>, vector<10000x128xf32>
    %dot_general3A = arith.constant dense<0.000000e+00> : vector<400x10000xf32>
    %dot_general3A_5 = tpu.matmul %get3A_1, %get3A_4, %dot_general3A {dimension_numbers = #tpu.dot_dimension_numbers<[1], [1], [0], [0], [0, 0, 1, 0], [], []>, transpose_lhs_hint = false} : vector<400x128xf32>, vector<10000x128xf32>, vector<400x10000xf32> -> vector<400x10000xf32>
    %swap3A = arith.constant 0 : index
    %swap3A_6 = arith.constant 0 : index
    %swap3A_7 = vector.load %arg3[%swap3A, %swap3A_6] : memref<400x10000xf32, #tpu.memory_space<vmem>>, vector<400x10000xf32>
    tpu.vector_store %arg3[%swap3A, %swap3A_6], %dot_general3A_5 {strides = array<i32>} : memref<400x10000xf32, #tpu.memory_space<vmem>>, vector<400x10000xf32>,
    return
  }
  func.func @transform_0(%arg0: i32) -> (i32, i32) {
    %c0_i32 = arith.constant 0 : i32
    %c0_i32_0 = arith.constant 0 : i32
    return %arg0, %c0_i32 : i32, i32
  }
  func.func @transform_1(%arg0: i32) -> (i32, i32) {
    %c0_i32 = arith.constant 0 : i32
    %c0_i32_0 = arith.constant 0 : i32
    %c0_i32_1 = arith.constant 0 : i32
    return %c0_i32, %c0_i32_0 : i32, i32
  }
  func.func @transform_2(%arg0: i32) -> (i32, i32) {
    %c0_i32 = arith.constant 0 : i32
    %c0_i32_0 = arith.constant 0 : i32
    return %arg0, %c0_i32 : i32, i32
  }
}

</mosaic_0001>

<sc_bundles>
// kernel: kernel.12.cloned.1.call-start
scs
__scs_entry_jumppad:
0x0: {  	(pc) =	sbr.rel $0x88, $3  }
0x1: {  	(tag) =	ssettag $0x0;
	lr =	simm.s32 $0x1  }
0x2: {  	[smem:$0x3F9D] =	sst lr;
	_ =	strace $0xD0000000  }
0x3: {  	_ = 	snop  }
0x4: {  	_ = 	snop  }
0x5: {  	_ = 	snop  }
0x6: {  	_ = 	snop  }
0x7: {  	_ = 	snop  }
__scs_overlays_trampoline_lowered:
0x8: {  	[smem:$0x3FAC] =	sst s0  }
0x9: {  	[smem:$0x3FAD] =	sst s1  }
0xa: {  	[smem:$0x3FAE] =	sst s2  }
0xb: {  	[smem:$0x3FAF] =	sst s3  }
0xc: {  	[smem:$0x3FB0] =	sst s4  }
0xd: {  	[smem:$0x3FB1] =	sst s5  }
0xe: {  	[smem:$0x3FB2] =	sst s6  }
0xf: {  	[smem:$0x3FB3] =	sst s7  }
0x10: {  	[smem:$0x3FB4] =	sst s8  }
0x11: {  	[smem:$0x3FB5] =	sst s9;
	s0 =	simm.s32 @!p0 $0x0  }
0x12: {  	s1 =	sld [smem:$0x3F9B];
	s0 =	simm.s32 @p0 $0x1  }
0x13: {  	[smem:$0x3FB6] =	sst s0;
	s0 =	simm.s32 @!p1 $0x0  }
0x14: {  	s2 =	sld [smem:$0x3F9A];
	s0 =	simm.s32 @p1 $0x1  }
0x15: {  	[smem:$0x3FB7] =	sst s0;
	s0 =	simm.s32 @!p2 $0x0  }
0x16: {  	s3 =	sld [smem:$0x3FDB];
	s0 =	simm.s32 @p2 $0x1  }
0x17: {  	s4 =	simm.s32 $0x1BF5;
	[smem:$0x3FB9] =	sst s0  }
0x18: {  	s0 =	sld [smem:$0x3F9C];
	_ =	swait.ge [sflag:s4], $0x0  }
0x19: {  	s7 =	sld [smem:$0x3F9D]  }
0x1a: {  	s8 =	sadd.s32 $0xFFFFE003, lr  }
0x1b: {  	s9 =	sadd.s32 $0xFFFFFEF7, lr;
	s5 =	simm.s32 $0xFFFFFFFF;
	p2 =	slt.u32 s8, $0xFFFFF086  }
0x1c: {  	p1 =	slt.u32 s9, $0xF7A;
	s5 =	simm.s32 @!p2 $0x0  }
0x1d: {  	s5 =	simm.s32 @p1 $0x1;
	p0 =	seq.s32 s7, s2  }
0x1e: {  	s7 =	smul.u32 @!p0 $0xF7A, s2;
	p2 =	seq.s32 @!p0 s5, $0x0  }
0x1f: {  	s9 =	smul.u32 $0xF7A, s1;
	s8 =	simm.s32 @!p0 $0x1BF5;
	p2 =	por !p2, p0  }
0x20: {  	[sflag:s8] =	ssyncset.s32 @!p0 $0xFFFFF086;
	s6 =	sadd.s32 @!p0 s3, s7;
	s7 =	simm.s32 @!p0 $0x108  }
0x21: {  	s3 =	sadd.s32 s3, s9;
	s6 =	sadd.s32 @!p0 $0x88, s6;
	s7 =	simm.s32 @p2 $0x1082  }
0x22: {  	[simem:s7], [sflag:s8] =	dma.local @!p0 [hbm:s6], $0xF7A  }
0x23: {  	s9 =	sor.u32 $0xD0000000, s2;
	s6 =	simm.s32 $0x108;
	_ =	swait.ge @!p0 [sflag:s8], $0x0  }
0x24: {  	s3 =	sadd.s32 $0x88, s3;
	s6 =	simm.s32 @!p1 $0x1082;
	[sflag:s4] =	ssyncset.s32 $0xFFFFF086  }
0x25: {  	[simem:s6], [sflag:s4] =	dma.local [hbm:s3], $0xF7A  }
0x26: {  	[smem:$0x3F9D] =	sst s1;
	(tag) =	ssettag s2;
	_ =	strace s9  }
0x27: {  	s1 =	sld [smem:$0x3FAD]  }
0x28: {  	s2 =	sld [smem:$0x3FAE]  }
0x29: {  	s4 =	sld [smem:$0x3FB0]  }
0x2a: {  	p0 =	seq.s32 s5, $0x0;
	s5 =	sld [smem:$0x3FB1]  }
0x2b: {  	s6 =	sld [smem:$0x3FB2]  }
0x2c: {  	s7 =	sld [smem:$0x3FB3]  }
0x2d: {  	s3 =	simm.s32 $0x108;
	s8 =	sld [smem:$0x3FB4]  }
0x2e: {  	s3 =	simm.s32 @!p0 $0x1082;
	s9 =	sld [smem:$0x3FB5]  }
0x2f: {  	lr =	sadd.s32 s0, s3;
	s0 =	sld [smem:$0x3FAC]  }
0x30: {  	s3 =	sld [smem:$0x3FAF]  }
0x31: {  	[smem:$0x3FB8] =	sst s10  }
0x32: {  	s10 =	sld [smem:$0x3FB6];
	_ =	sdelay $0x3  }
0x33: {  	p0 =	seq.s32 s10, $0x1;
	s10 =	sld [smem:$0x3FB8];
	_ =	sdelay $0x3  }
0x34: {  	[smem:$0x3FB8] =	sst s10  }
0x35: {  	s10 =	sld [smem:$0x3FB7];
	_ =	sdelay $0x3  }
0x36: {  	p1 =	seq.s32 s10, $0x1;
	s10 =	sld [smem:$0x3FB8];
	_ =	sdelay $0x3  }
0x37: {  	[smem:$0x3FB8] =	sst s10  }
0x38: {  	s10 =	sld [smem:$0x3FB9]  }
0x39: {  	_ = 	snop;
	(pc) =	sbr.ind lr, $3  }
0x3a: {  	_ = 	snop  }
0x3b: {  	_ = 	snop  }
0x3c: {  	p2 =	seq.s32 s10, $0x1;
	s10 =	sld [smem:$0x3FB8]  }
0x3d: {  	_ =	shalt  }
0x3e: {  	_ =	shalt  }
0x3f: {  	_ =	shalt  }
0x40: {  	_ =	shalt  }
0x41: {  	_ =	shalt  }
0x42: {  	_ =	shalt  }
0x43: {  	_ =	shalt  }
0x44: {  	_ =	shalt  }
0x45: {  	_ =	shalt  }
0x46: {  	_ =	shalt  }
0x47: {  	_ =	shalt  }
0x48: {  	_ =	shalt  }
0x49: {  	_ =	shalt  }
0x4a: {  	_ =	shalt  }
0x4b: {  	_ =	shalt  }
0x4c: {  	_ =	shalt  }
0x4d: {  	_ =	shalt  }
0x4e: {  	_ =	shalt  }
0x4f: {  	_ =	shalt  }
0x50: {  	_ =	shalt  }
0x51: {  	_ =	shalt  }
0x52: {  	_ =	shalt  }
0x53: {  	_ =	shalt  }
0x54: {  	_ =	shalt  }
0x55: {  	_ =	shalt  }
0x56: {  	_ =	shalt  }
0x57: {  	_ =	shalt  }
0x58: {  	_ =	shalt  }
0x59: {  	_ =	shalt  }
0x5a: {  	_ =	shalt  }
0x5b: {  	_ =	shalt  }
0x5c: {  	_ =	shalt  }
0x5d: {  	_ =	shalt  }
0x5e: {  	_ =	shalt  }
0x5f: {  	_ =	shalt  }
0x60: {  	_ =	shalt  }
0x61: {  	_ =	shalt  }
0x62: {  	_ =	shalt  }
0x63: {  	_ =	shalt  }
0x64: {  	_ =	shalt  }
0x65: {  	_ =	shalt  }
0x66: {  	_ =	shalt  }
0x67: {  	_ =	shalt  }
0x68: {  	_ =	shalt  }
0x69: {  	_ =	shalt  }
0x6a: {  	_ =	shalt  }
0x6b: {  	_ =	shalt  }
0x6c: {  	_ =	shalt  }
0x6d: {  	_ =	shalt  }
0x6e: {  	_ =	shalt  }
0x6f: {  	_ =	shalt  }
0x70: {  	_ =	shalt  }
0x71: {  	_ =	shalt  }
0x72: {  	_ =	shalt  }
0x73: {  	_ =	shalt  }
0x74: {  	_ =	shalt  }
0x75: {  	_ =	shalt  }
0x76: {  	_ =	shalt  }
0x77: {  	_ =	shalt  }
0x78: {  	_ =	shalt  }
0x79: {  	_ =	shalt  }
0x7a: {  	_ =	shalt  }
0x7b: {  	_ =	shalt  }
0x7c: {  	_ =	shalt  }
0x7d: {  	_ =	shalt  }
0x7e: {  	_ =	shalt  }
0x7f: {  	_ =	shalt  }
0x80: {  	_ =	shalt  }
0x81: {  	_ =	shalt  }
0x82: {  	_ =	shalt  }
0x83: {  	_ =	shalt  }
0x84: {  	_ =	shalt  }
0x85: {  	_ =	shalt  }
0x86: {  	_ =	shalt  }
0x87: {  	_ =	shalt  }
.Lfunc_end0:
.L_simem_size_0:
called_computation.1_lowered:
.L_overlay_start_0:
0x88: {  	s2 =	sld [smem:$0x3FD9]  }
0x89: {  	s3 =	sld [smem:$0x3FFE];
	_ =	sdelay $0x1  }
0x8a: {  	s1 =	srdreg.scid  }
0x8b: {  	s0 =	sand.u32 $0x1, s1  }
0x8c: {  	s17 =	sshll.u32 s0, $0xA;
	s2 =	sadd.s32 s3, s2  }
0x8d: {  	s2 =	sadd.s32 s2, s17  }
0x8e: {  	[smem:$0x3FC4] =	sst s2  }
0x8f: {  	_ = 	snop  }
0x90: {  	s2 =	sld [smem:$0x3FD0];
	(tm) =	ssettm $0x1  }
0x91: {  	s18 =	sld [smem:$0x3FFB];
	_ =	sdelay $0x3  }
0x92: {  	_ =	strace s18  }
0x93: {  	s3 =	sld [smem:$0x3FFC];
	_ =	sdelay $0x3  }
0x94: {  	_ =	strace s3  }
0x95: {  	s3 =	sld [smem:$0x3FFD];
	_ =	sdelay $0x3  }
0x96: {  	_ =	strace s3  }
0x97: {  	_ =	strace $0x8FFFFFFF  }
0x98: {  	s19 =	sld [smem:$0x3FDB];
	_ =	sdelay $0x1  }
0x99: {  	s4 =	simm.s32 $_scs_section_size  }
0x9a: {  	s5 =	simm.s32 $_size__tile_overlayer_lowered;
	s6 =	simm.s32 $_tile_overlayer_lowered  }
0x9b: {  	s22 =	simm.s32 $0x1BFF;
	s21 =	sshll.u32 s6, $0x1;
	s3 =	sadd.s32 s4, s19  }
0x9c: {  	s7 =	simm.s32 $0x0;
	s20 =	sshll.u32 s5, $0x1;
	s5 =	sadd.s32 s21, s3  }
0x9d: {  	[timem:s7], [sflag:s22] =	dma.local [hbm:s5], s20  }
0x9e: {  	_ =	swait.ge [sflag:s22], s20  }
0x9f: {  	s4 =	ssub.s32 $0x0, s20;
	[sflag:s22] =	ssyncset.done $0x0  }
0xa0: {  	[sflag:s22] =	ssyncadd.s32 s4;
	_ =	sdelay $0x1  }
0xa1: {  	s23 =	simm.s32 $0x1B8B  }
0xa2: {  	_ =	swait.ge [sflag:s23], $0x1  }
0xa3: {  	[sflag:s23] =	ssyncset.done $0x0  }
0xa4: {  	s25 =	simm.s32 $0x1B8E;
	s24 =	sld [smem:$0x3FFE];
	[sflag:s23] =	ssyncadd.s32 $0xFFFFFFFF  }
0xa5: {  	s26 =	simm.s32 $execute0_lowered;
	[smem:$0x3FD2] =	sst s25  }
0xa6: {  	s5 =	sshll.u32 s26, $0x1;
	_ =	strace $0x80000049;
	[dreg:$0x1] =	wrdreg $0xFFFFFFFF  }
0xa7: {  	s28 =	simm.s32 $_size_execute0_lowered;
	s3 =	sadd.s32 s3, s5;
	[dreg:$0x0] =	wrdreg $0x0  }
0xa8: {  	s5 =	sshll.u32 s28, $0x1;
	[dreg:$0x2] =	wrdreg s3  }
0xa9: {  	[dreg:$0x3] =	wrdreg s5  }
0xaa: {  	[dreg:$0x4] =	wrdreg $0xC0  }
0xab: {  	_ =	task [dreg:s7], $0x5FFFF  }
0xac: {  	[dreg:$0x1] =	wrdreg $0xFFFFFFFF  }
0xad: {  	[dreg:$0x0] =	wrdreg $0x60  }
0xae: {  	[dreg:$0x2] =	wrdreg s24  }
0xaf: {  	[dreg:$0x3] =	wrdreg s2  }
0xb0: {  	[dreg:$0x4] =	wrdreg $0x9  }
0xb1: {  	_ =	task.clear_ibuf [dreg:s7], $0x5FFFF;
	_ =	strace $0x90000049  }
0xb2: {  	s29 =	simm.s32 $0x9;
	_ =	strace $0x8000004B  }
0xb3: {  	_ =	swait.ge [sflag:s29], $0x1  }
0xb4: {  	[sflag:s29] =	ssyncadd.s32 $0xFFFFFFFF  }
0xb5: {  	_ =	strace $0x9000004B  }
0xb6: {  	_ =	sfence  }
0xb7: {  	s30 =	sld [smem:$0x0];
	_ =	sdelay $0x2  }
0xb8: {  	s31 =	sshll.u32 s1, $0xD;
	s1 =	sshrl.u32 s1, $0x2  }
0xb9: {  	s3 =	sand.u32 $0x4000, s31;
	s1 =	sadd.s32 s1, s30  }
0xba: {  	s0 =	sor.u32 s3, s0;
	s1 =	sshll.u32 s1, $0x11  }
0xbb: {  	s0 =	sor.u32 s1, s0  }
0xbc: {  	s0 =	sadd.s32 $0x8F2B, s0  }
0xbd: {  	[sflag:s0] =	ssyncadd.remote.s32 $0x1  }
0xbe: {  	_ =	sfence.sel $0xFFFF  }
0xbf: {  	[dreg:$0x0] =	wrdreg $0xFFFFFFFF;
	(pc) =	sbr.abs _section_cstart, $3  }
0xc0: {  	[dreg:$0x1] =	wrdreg $0xFFFFFFFF  }
0xc1: {  	_ =	task.clear_ibuf [dreg:s7], $0x2FFFF;
	_ =	strace $0x9FFFFFFF  }
0xc2: {  	(tm) =	ssettm $0x7FFFFFFF  }
0xc3: {  	_ =	shalt  }
tec
execute0_lowered:
.L_overlay_start_1:
0x0: {  	(tag) =	ssettag $0x1  }
0x1: {  	s0 =	rddreg [dreg:$0x0]  }
0x2: {  	s1 =	srdreg.scid;
	s12 =	stileid.u32  }
0x3: {  	s3 =	simm.s32 $0x0;
	s13 =	simm.s32 $0x3;
	s16 =	simm.s32 $0x4780  }
0x4: {  	s17 =	simm.s32 $0x5780;
	s18 =	simm.s32 $0x1;
	s19 =	simm.s32 $0x6780  }
0x5: {  	s20 =	simm.s32 $0xA800;
	s21 =	simm.s32 $0x2;
	s22 =	simm.s32 $0x18880  }
0x6: {  	s23 =	simm.s32 $0xE880;
	s30 =	simm.s32 $0x0;
	s1 =	sand.u32 $0x1, s1  }
0x7: {  	s2 =	sshll.u32 s12, $0x1;
	[smem:$0x7FF] =	sst s3;
	s4 =	sshrl.u32 s12, $0x2  }
0x8: {  	s5 =	sadd.s32 $0x1600, s0;
	s12 =	smul.u32 $0x9C8, s12;
	s28 =	sadd.s32 $0xB5F4, s0  }
0x9: {  	s2 =	sor.u32 s1, s2;
	_ =	strace $0x8000004A;
	s7 =	smul.u32 $0xC00, s4  }
0xa: {  	s4 =	sadd.s32 $0xB400, s0;
	s25 =	ssub.s32 $0x2, s1;
	s1 =	smul.u32 $0x4E4, s1  }
0xb: {  	[dreg:$0x3] =	wrdreg s28;
	s6 =	smul.u32 $0x9C8, s2;
	s8 =	sshll.u32 s2, $0x7  }
0xc: {  	s26 =	sshrl.u32 s25, $0x1;
	s2 =	smul.u32 $0x139, s2;
	s8 =	sand.u32 $0x380, s8  }
0xd: {  	s11 =	ssub.s32 s25, s26;
	s31 =	sadd.s32 s1, s12;
	s25 =	simm.s32 $0x18A00  }
0xe: {  	s26 =	simm.s32 $0x4;
	s9 =	sadd.s32 s6, s0;
	s24 =	sor.u32 s7, s8  }
0xf: {  	s14 =	sadd.s32 $0x139, s2;
	s11 =	smax.u32 s11, $0x1;
	s12 =	sshrl.u32 s31, $0x2  }
0x10: {  	s6 =	sshrl.u32 s24, $0x3;
	s29 =	sadd.s32 $0x29200, s9;
	s9 =	sadd.s32 $0x15200, s9  }
0x11: {  	v2 =	vimm.f32 $0.0e+00;
	v3 =	vimm.s32 $0x0;
	v4 =	vlaneseq.u32;
	s10 =	sadd.s32 s6, s0;
	s0 =	sadd.s32 $0x17F4, s0;
	[dreg:$0x5] =	wrdreg s29  }
0x12: {  	v5 =	vimm.s32 $0x1;
	v0 =	vmov s2;
	v1 =	vmov s14;
	s24 =	simm.s32 $0x13880;
	[dreg:$0x4] =	wrdreg s0;
	s10 =	sadd.s32 $0x28C00, s10  }
.LBB2_1:
0x13: {  	s0 =	simm.s32 $0x70;
	s1 =	simm.s32 $0x10  }
0x14: {  	s2 =	simm.s32 $0x20;
	s14 =	simm.s32 $0x60;
	s6 =	simm.s32 $0x30;
	v6 =	vmov s0;
	v7 =	vmov s1  }
0x15: {  	s7 =	simm.s32 $0x40;
	s8 =	simm.s32 $0x0;
	v8 =	vmov s2;
	v9 =	vmov s14;
	v10 =	vmov s6  }
0x16: {  	v11 =	vmov s7;
	s14 =	simm.s32 $0x50;
	v12 =	vmov s8;
	v9 =	vshrl.u32 v9, $0x6  }
0x17: {  	s15 =	rddreg [dreg:$0x1];
	v13 =	vmov s14;
	v12 =	vshrl.u32 v12, $0x6;
	v7 =	vshrl.u32 v7, $0x6  }
0x18: {  	[tilespmem:s3], [sflag:$0x3] =	stream.linear.gather [hbm4b:s15+s3], $0x2710, $0x38;
	v8 =	vshrl.u32 v8, $0x6;
	v10 =	vshrl.u32 v10, $0x6;
	v11 =	vshrl.u32 v11, $0x6;
	[tilespmem:$0x18B80] =	vst v63  }
0x19: {  	[tilespmem:$0x2710] =	vst v2;
	v6 =	vshrl.u32 v6, $0x6;
	v9 =	vadd.s32 v0, v9;
	v13 =	vshrl.u32 v13, $0x6  }
0x1a: {  	_ =	swait.ge [sflag:s13], $0x2710;
	v12 =	vadd.s32 v0, v12;
	v7 =	vadd.s32 v0, v7;
	v9 =	vmin.u32 v9, $0x270F  }
0x1b: {  	v8 =	vadd.s32 v0, v8;
	[sflag:s13] =	ssyncset.done $0x0;
	v7 =	vmin.u32 v7, $0x270F;
	v9 =	vbroadcast v9, $0x0  }
0x1c: {  	s1 =	simm.s32 $0xE8C0;
	v10 =	vadd.s32 v0, v10;
	v11 =	vadd.s32 v0, v11;
	[sflag:s13] =	ssyncadd.s32 $0xFFFFD8F0;
	v14 =	vbroadcast v7, $0x0  }
0x1d: {  	v6 =	vadd.s32 v0, v6;
	v13 =	vadd.s32 v0, v13;
	v12 =	vmin.u32 v12, $0x270F;
	[tilespmem:s1+$0x20] =	vst v9  }
0x1e: {  	s2 =	simm.s32 $0x138C0;
	v8 =	vmin.u32 v8, $0x270F;
	v63 =	vmin.u32 v10, $0x270F;
	v9 =	vbroadcast v12, $0x0;
	[tilespmem:s1+$0xFFFFFFD0] =	vst v14  }
0x1f: {  	v11 =	vmin.u32 v11, $0x270F;
	v6 =	vmin.u32 v6, $0x270F;
	v10 =	vbroadcast v8, $0x0;
	[tilespmem:s2+$0x20] =	vst v2  }
0x20: {  	s31 =	simm.s32 $0x0;
	s29 =	simm.s32 $0xF0;
	s28 =	simm.s32 $0x138C0;
	v13 =	vmin.u32 v13, $0x270F;
	v8 =	vbroadcast v11, $0x0;
	v6 =	vbroadcast v6, $0x0;
	[tilespmem:s1+$0xFFFFFFC0] =	vst v9  }
0x21: {  	s0 =	simm.s32 $0x18A20;
	s15 =	simm.s32 $0xE8C0;
	s14 =	simm.s32 $0x188A0;
	v7 =	vbroadcast v13, $0x0;
	v9 =	vbroadcast v63, $0x0;
	[tilespmem:s2+$0xFFFFFFC0] =	vst v2  }
.LBB2_2:
0x22: {  	s6 =	sadd.s32 $0xFFFFFFA0, s29;
	s7 =	sadd.s32 $0xFFFFFFB0, s29;
	s8 =	sadd.s32 $0xFFFFFFF0, s29;
	v11 =	vmov s29;
	[tilespmem:s2+$0xFFFFFFD0] =	vst v2  }
0x23: {  	s31 =	sadd.s32 $0x8, s31;
	v12 =	vmov s6;
	v13 =	vmov s7;
	s6 =	sadd.s32 $0xFFFFFFC0, s29;
	s7 =	sadd.s32 $0xFFFFFFD0, s29;
	v14 =	vmov s8;
	[tilespmem:s1+$0xFFFFFFE0] =	vst v10  }
0x24: {  	s8 =	sadd.s32 $0xFFFFFF90, s29;
	p0 =	slt.u32 s31, $0x4F8;
	v10 =	vmov s6;
	v15 =	vmov s7;
	s6 =	sadd.s32 $0xFFFFFFE0, s29;
	v14 =	vshrl.u32 v14, $0x6;
	[tilespmem:s2+$0xFFFFFFE0] =	vst v2  }
0x25: {  	v16 =	vmov s8;
	v17 =	vmov s6;
	v14 =	vadd.s32 v0, v14;
	[tilespmem:s1+$0xFFFFFFF0] =	vst v9  }
0x26: {  	v12 =	vshrl.u32 v12, $0x6;
	v9 =	vshrl.u32 v16, $0x6;
	v14 =	vmin.u32 v14, $0x270F;
	[tilespmem:s2+$0xFFFFFFF0] =	vst v2  }
0x27: {  	v13 =	vshrl.u32 v13, $0x6;
	v10 =	vshrl.u32 v10, $0x6;
	v14 =	vbroadcast v14, $0x0;
	[tilespmem:s1+$0x0] =	vst v8  }
0x28: {  	v11 =	vshrl.u32 v11, $0x6;
	v8 =	vshrl.u32 v15, $0x6;
	v15 =	vshrl.u32 v17, $0x6;
	s1 =	sadd.s32 $0x80, s1;
	[tilespmem:s2+$0x0] =	vst v2  }
0x29: {  	v12 =	vadd.s32 v0, v12;
	v13 =	vadd.s32 v0, v13;
	v9 =	vadd.s32 v0, v9;
	s2 =	sadd.s32 $0x80, s2;
	[tilespmem:s1+$0x20] =	vst v14  }
0x2a: {  	v10 =	vadd.s32 v0, v10;
	v8 =	vadd.s32 v0, v8;
	v14 =	vadd.s32 v0, v15;
	[tilespmem:s2+$0x20] =	vst v2  }
0x2b: {  	v11 =	vadd.s32 v0, v11;
	v12 =	vmin.u32 v12, $0x270F;
	v9 =	vmin.u32 v9, $0x270F;
	[tilespmem:s15+$0x10] =	vst v7  }
0x2c: {  	v8 =	vmin.u32 v8, $0x270F;
	v7 =	vmin.u32 v13, $0x270F;
	v13 =	vmin.u32 v10, $0x270F;
	[tilespmem:s28+$0x10] =	vst v2  }
.Ltmp0:
0x2d: {  	v11 =	vmin.u32 v11, $0x270F;
	v9 =	vbroadcast v9, $0x0;
	v14 =	vmin.u32 v14, $0x270F;
	[tilespmem:s15+$0x30] =	vst v6;
	s15 =	smov.u32 s1;
	(pc) =	sbr.rel @p0 .LBB2_2-.Ltmp0, $4  }
0x2e: {  	v12 =	vbroadcast v12, $0x0;
	v10 =	vbroadcast v7, $0x0;
	[tilespmem:s28+$0x30] =	vst v2;
	s28 =	smov.u32 s2  }
0x2f: {  	v8 =	vbroadcast v8, $0x0;
	[tilespmem:s1+$0xFFFFFFC0] =	vst v9;
	v9 =	vbroadcast v13, $0x0  }
0x30: {  	v7 =	vbroadcast v14, $0x0;
	v6 =	vbroadcast v11, $0x0;
	[tilespmem:s2+$0xFFFFFFC0] =	vst v2  }
0x31: {  	s29 =	sadd.s32 $0x80, s29;
	[tilespmem:s1+$0xFFFFFFD0] =	vst v12  }
0x32: {  	[tilespmem:s2+$0xFFFFFFD0] =	vst v2  }
0x33: {  	[tilespmem:s1+$0xFFFFFFE0] =	vst v10  }
0x34: {  	[tilespmem:s1+$0xFFFFFFF0] =	vst v9  }
0x35: {  	[tilespmem:s1+$0x0] =	vst v8  }
0x36: {  	[tilespmem:s15+$0x10] =	vst v7  }
0x37: {  	[tilespmem:s15+$0x30] =	vst v6  }
0x38: {  	[tilespmem:s2+$0xFFFFFFE0] =	vst v2  }
0x39: {  	[tilespmem:s2+$0xFFFFFFF0] =	vst v2  }
0x3a: {  	[tilespmem:s2+$0x0] =	vst v2  }
0x3b: {  	[tilespmem:s28+$0x10] =	vst v2  }
0x3c: {  	[tilespmem:s28+$0x30] =	vst v2  }
0x3d: {  	[tilespmem:s14+$0xFFFFFFF0] =	vst v3  }
0x3e: {  	[tilespmem:s14+$0x0] =	vst v3  }
0x3f: {  	[tilespmem:s14+$0x10] =	vst v3  }
0x40: {  	[tilespmem:s14+$0xFFFFFFE0] =	vst v3  }
0x41: {  	[tilespmem:s0+$0xFFFFFFF0] =	vst v2  }
0x42: {  	[tilespmem:s0+$0x0] =	vst v2  }
0x43: {  	[tilespmem:s0+$0x10] =	vst v2  }
0x44: {  	s1 =	simm.s32 $0x0;
	s2 =	simm.s32 $0x188E0;
	[tilespmem:s0+$0xFFFFFFE0] =	vst v2  }
.LBB2_4:
0x45: {  	[tilespmem:s2+$0xFFFFFFF0] =	vst v3;
	s0 =	sadd.s32 $0x40, s0  }
0x46: {  	s1 =	sadd.s32 $0x4, s1;
	[tilespmem:s0+$0xFFFFFFF0] =	vst v2  }
0x47: {  	p0 =	slt.u32 s1, $0x10;
	[tilespmem:s2+$0x0] =	vst v3  }
.Ltmp1:
0x48: {  	[tilespmem:s0+$0x0] =	vst v2;
	(pc) =	sbr.rel @p0 .LBB2_4-.Ltmp1, $4  }
0x49: {  	[tilespmem:s2+$0x10] =	vst v3  }
0x4a: {  	[tilespmem:s0+$0x10] =	vst v2  }
0x4b: {  	[tilespmem:s2+$0xFFFFFFE0] =	vst v3  }
0x4c: {  	s2 =	sadd.s32 $0x40, s2;
	[tilespmem:s0+$0xFFFFFFE0] =	vst v2  }
0x4d: {  	s31 =	simm.s32 $0x0;
	s0 =	simm.s32 $0x2780  }
0x4e: {  	[tilespmem:s0], [sflag:$0x1] =	stream.linear.gather [hbm4b:s4+s31], $0xFA0, $0x38;
	[tilespmem:$0x18B80] =	vst v63  }
0x4f: {  	s15 =	simm.s32 $0x3780  }
0x50: {  	[tilespmem:s15], [sflag:$0x1] =	stream.linear.gather [hbm4b:s5+s31], $0xFA0, $0x38;
	[tilespmem:$0x18B80] =	vst v63  }
0x51: {  	s28 =	rddreg [dreg:$0x3]  }
0x52: {  	[tilespmem:s16], [sflag:$0x2] =	stream.linear.gather [hbm4b:s28+s31], $0xFA0, $0x38;
	[tilespmem:$0x18B80] =	vst v63  }
0x53: {  	s29 =	rddreg [dreg:$0x4]  }
0x54: {  	v6 =	vimm.s32 $0x0;
	[tilespmem:s17], [sflag:$0x2] =	stream.linear.gather [hbm4b:s29+s31], $0xFA0, $0x38;
	[tilespmem:$0x18B80] =	vst v63  }
.LBB2_6:
0x55: {  	_ =	swait.ge [sflag:s18], $0xFA0  }
0x56: {  	[sflag:s18] =	ssyncset.done $0x0  }
0x57: {  	[sflag:s18] =	ssyncadd.s32 $0xFFFFF060  }
0x58: {  	_ =	swait.ge [sflag:s18], $0xFA0  }
0x59: {  	[sflag:s18] =	ssyncset.done $0x0  }
0x5a: {  	s0 =	simm.s32 $0x27C0;
	[sflag:s18] =	ssyncadd.s32 $0xFFFFF060  }
0x5b: {  	v21 =	vld [tilespmem:s0+$0xFFFFFFE0]  }
0x5c: {  	v20 =	vld [tilespmem:s0+$0xFFFFFFF0]  }
0x5d: {  	v19 =	vld [tilespmem:s0+$0x0]  }
0x5e: {  	v17 =	vld [tilespmem:s0+$0x10]  }
0x5f: {  	v22 =	vld [tilespmem:s0+$0x20]  }
0x60: {  	v23 =	vld [tilespmem:s0+$0xFFFFFFC0]  }
0x61: {  	v16 =	vld [tilespmem:s0+$0xFFFFFFD0]  }
0x62: {  	vm0 =	vge.s32 v21, v0;
	vm1 =	vlt.s32 v21, v1  }
0x63: {  	vm2 =	vge.s32 v20, v0;
	vm4 =	vlt.s32 v20, v1;
	vm5 =	vge.s32 v19, v0  }
0x64: {  	vm8 =	vlt.s32 v19, v1;
	vm9 =	vge.s32 v17, v0;
	vm10 =	vlt.s32 v17, v1  }
0x65: {  	vm11 =	vge.s32 v22, v0;
	vm3 =	vge.s32 v23, v0;
	vm6 =	vlt.s32 v23, v1  }
0x66: {  	vm7 =	vlt.s32 v16, v1;
	vm6 =	vmand vm3, vm6;
	vm3 =	vge.s32 v16, v0  }
0x67: {  	vm12 =	vlt.s32 v22, v1;
	v7 =	vmpcnt.ones.xlane vm6;
	vm7 =	vmand vm3, vm7  }
0x68: {  	vm2 =	vmand vm2, vm4;
	vm3 =	vmand vm0, vm1;
	v8 =	vmpcnt.ones.xlane vm7  }
0x69: {  	vm4 =	vmand vm11, vm12;
	v9 =	vmpcnt.ones.xlane vm3;
	v7 =	vadd.s32 v6, v7  }
0x6a: {  	v14 =	vld [tilespmem:s0+$0x30];
	v10 =	vmpcnt.ones.xlane vm2;
	vm1 =	vmand vm5, vm8;
	v8 =	vadd.s32 v7, v8  }
0x6b: {  	vm0 =	vmand vm9, vm10;
	v11 =	vmpcnt.ones.xlane vm1;
	v9 =	vadd.s32 v8, v9  }
0x6c: {  	v15 =	vsel vm6, $0x1, v3;
	v12 =	vmpcnt.ones.xlane vm0;
	v10 =	vadd.s32 v9, v10  }
0x6d: {  	v13 =	vmpcnt.ones.xlane vm4;
	v18 =	vsel vm7, $0x1, v3;
	(xrf0) =	vadd.scan.msk.s32 $0xffff, v15;
	v11 =	vadd.s32 v10, v11  }
0x6e: {  	v25 =	vsel vm3, $0x1, v3;
	(xrf0) =	vadd.scan.msk.s32 $0xffff, v18;
	v12 =	vadd.s32 v11, v12  }
0x6f: {  	vm13 =	vge.s32 v14, v0;
	(xrf0) =	vadd.scan.msk.s32 $0xffff, v25;
	v26 =	vadd.s32 v12, v13;
	v13 =	vsel vm2, $0x1, v3  }
0x70: {  	vm5 =	vlt.s32 v14, v1;
	v15 =	vsel vm1, $0x1, v3;
	v32 =	vsel vm0, $0xFFFFFFFF, v3;
	(xrf0) =	vadd.scan.msk.s32 $0xffff, v13  }
0x71: {  	v27 =	vsel vm4, $0x1, v3;
	(xrf0) =	vadd.scan.msk.s32 $0xffff, v15;
	v15 =	vadd.s32 v32, v11;
	v11 =	vsel vm4, $0xFFFFFFFF, v3  }
0x72: {  	vm5 =	vmand vm13, vm5;
	v29 =	vsel vm7, $0xFFFFFFFF, v3;
	v30 =	vsel vm3, $0xFFFFFFFF, v3  }
0x73: {  	v31 =	vsel vm1, $0xFFFFFFFF, v3;
	v18 =	vsel vm0, $0x1, v3;
	v28 =	vsel vm5, $0x1, v3  }
0x74: {  	v25 =	vsel vm6, $0xFFFFFFFF, v3;
	v7 =	vadd.s32 v29, v7;
	(xrf0) =	vadd.scan.msk.s32 $0xffff, v18;
	v18 =	vadd.s32 v11, v12;
	v11, _, _ =	vpop (xrf0)  }
0x75: {  	v57 =	vsel vm5, $0xFFFFFFFF, v3;
	v8 =	vadd.s32 v30, v8;
	v6 =	vadd.s32 v25, v6;
	v12, _, _ =	vpop (xrf0)  }
0x76: {  	v10 =	vadd.s32 v31, v10;
	v13 =	vsel vm2, $0xFFFFFFFF, v3;
	(xrf0) =	vadd.scan.msk.s32 $0xffff, v27;
	v25 =	vadd.s32 v12, v7  }
0x77: {  	v31 =	vadd.s32 v57, v26;
	(xrf0) =	vadd.scan.msk.s32 $0xffff, v28;
	v6 =	vadd.s32 v11, v6;
	v7, _, _ =	vpop (xrf0);
	vm8 =	vlt.s32 v25, $0x4000  }
0x78: {  	v11 =	vadd.s32 v7, v8;
	v8 =	vimm.s32 $0x0;
	vm7 =	vmand vm7, vm8  }
0x79: {  	v9 =	vadd.s32 v13, v9;
	vm9 =	vlt.s32 v6, $0x4000;
	v7, _, _ =	vpop (xrf0);
	v8 =	vsel vm7, $0xFFFFFFFF, v8  }
0x7a: {  	vm13 =	vmand vm6, vm9;
	vm10 =	vlt.s32 v11, $0x4000;
	v13 =	vadd.s32 v7, v9;
	v7, _, _ =	vpop (xrf0)  }
0x7b: {  	s1 =	simm.s32 $0x2840;
	vm6 =	vlt.s32 v13, $0x4000;
	v12 =	vadd.s32 v7, v10;
	v7, _, _ =	vpop (xrf0);
	vm9 =	vmand vm3, vm10  }
0x7c: {  	v27 =	vld [tilespmem:s1+$0xFFFFFFE0];
	v10 =	vimm.s32 $0x0;
	[tilespmem:$0x1FFF0] =	vst v8;
	vm7 =	vlt.s32 v12, $0x4000;
	vm2 =	vmand vm2, vm6;
	v8, _, _ =	vpop (xrf0)  }
0x7d: {  	v9 =	vadd.s32 v7, v15;
	v28 =	vld [tilespmem:s1+$0xFFFFFFF0];
	v10 =	vsel vm2, $0xFFFFFFFF, v10;
	v29 =	vadd.s32 v8, v18;
	v8, _, _ =	vpop (xrf0)  }
0x7e: {  	s0 =	simm.s32 $0x37C0;
	v7 =	vld [tilespmem:s1+$0x0];
	vm8 =	vlt.s32 v9, $0x4000;
	[tilespmem:$0x1FFE0] =	vst v10;
	vm2 =	vlt.s32 v29, $0x4000;
	v30 =	vadd.s32 v8, v31  }
0x7f: {  	vm3 =	vmand vm1, vm7;
	v35 =	vld [tilespmem:s0+$0xFFFFFFC0];
	vm14 =	vmand vm4, vm2;
	vm1 =	vlt.s32 v30, $0x4000  }
0x80: {  	vm15 =	vmand vm0, vm8;
	v18 =	vld [tilespmem:s1+$0xFFFFFFC0];
	vm0 =	vmand vm5, vm1  }
0x81: {  	v10 =	vld [tilespmem:s1+$0xFFFFFFD0]  }
0x82: {  	v23 =	vsub.s32 v23, v0;
	v24 =	vmpcnt.ones.xlane vm5;
	v33 =	vld [tilespmem:s0+$0x20]  }
0x83: {  	v34 =	vsub.s32 v21, v0;
	v21 =	vsub.s32 v20, v0;
	v58 =	vld [tilespmem:s0+$0x30];
	[tilespmem:v6+s19+$0x0] =	vst.idx.msk vm13, v23  }
0x84: {  	v20 =	vsub.s32 v22, v0;
	v22 =	vadd.s32 v26, v24;
	[tilespmem:v6+s20+$0x0] =	vst.idx.msk vm13, v35  }
0x85: {  	v31 =	vsub.s32 v14, v0;
	vm2 =	vlt.s32 v27, v1;
	[tilespmem:v29+s19+$0x0] =	vst.idx.msk vm14, v20  }
0x86: {  	v8 =	vld [tilespmem:s1+$0x10];
	vm1 =	vge.s32 v27, v0;
	vm4 =	vge.s32 v28, v0;
	[tilespmem:v30+s19+$0x0] =	vst.idx.msk vm0, v31  }
0x87: {  	v15 =	vld [tilespmem:s1+$0x20];
	vm6 =	vge.s32 v18, v0;
	vm7 =	vlt.s32 v18, v1;
	[tilespmem:v29+s20+$0x0] =	vst.idx.msk vm14, v33  }
0x88: {  	v14 =	vld [tilespmem:s1+$0x30];
	vm5 =	vlt.s32 v28, v1;
	vm12 =	vmand vm6, vm7;
	vm6 =	vge.s32 v10, v0;
	[tilespmem:v30+s20+$0x0] =	vst.idx.msk vm0, v58  }
0x89: {  	vm7 =	vlt.s32 v10, v1;
	v20 =	vsub.s32 v19, v0;
	v19 =	vsub.s32 v17, v0;
	v17 =	vld [tilespmem:$0x1FFF0]  }
0x8a: {  	vm10 =	vge.s32 v7, v0;
	vm11 =	vlt.s32 v7, v1;
	vm8 =	vmand vm6, vm7  }
0x8b: {  	vm7 =	vmand vm1, vm2;
	vm1 =	vge.s32 v8, v0;
	vm6 =	vmand vm4, vm5  }
0x8c: {  	vm2 =	vlt.s32 v8, v1;
	vm5 =	vmand vm10, vm11;
	vm10 =	vge.s32 v15, v0  }
0x8d: {  	vm11 =	vlt.s32 v14, v1;
	vm4 =	vmand vm1, vm2;
	vm1 =	vlt.s32 v15, v1  }
0x8e: {  	vm2 =	vge.s32 v14, v0;
	v24 =	vmpcnt.ones.xlane vm8;
	vm0 =	vnez.u8 v17  }
0x8f: {  	v6 =	vmpcnt.ones.xlane vm5;
	v61 =	vsel vm5, $0x1, v3;
	v38 =	vsel vm8, $0xFFFFFFFF, v3  }
0x90: {  	v26 =	vld [tilespmem:s0+$0xFFFFFFD0];
	v39 =	vsel vm7, $0xFFFFFFFF, v3;
	v40 =	vsel vm6, $0xFFFFFFFF, v3;
	vm10 =	vmand vm10, vm1  }
0x91: {  	vm1 =	vmmov vm9;
	vm11 =	vmand vm2, vm11;
	v30 =	vmpcnt.ones.xlane vm12  }
0x92: {  	v29 =	vsub.s32 v16, v0;
	v16 =	vsub.s32 v27, v0;
	v23 =	vmpcnt.ones.xlane vm4  }
0x93: {  	v62 =	vsel vm10, $0x1, v3;
	v31 =	vadd.s32 v22, v30;
	v30 =	vmpcnt.ones.xlane vm7  }
0x94: {  	v37 =	vsel vm11, $0x1, v3;
	v36 =	vadd.s32 v31, v24;
	v24 =	vmpcnt.ones.xlane vm6;
	[tilespmem:v25+s19+$0x0] =	vst.idx.msk vm0, v29  }
0x95: {  	v63 =	vsel vm11, $0xFFFFFFFF, v3;
	v59 =	vadd.s32 v36, v30;
	[tilespmem:v25+s20+$0x0] =	vst.idx.msk vm0, v26;
	v26 =	vsel vm12, $0x1, v3  }
0x96: {  	v30 =	vsel vm7, $0x1, v3;
	v27 =	vadd.s32 v59, v24;
	v29 =	vsel vm8, $0x1, v3;
	(xrf0) =	vadd.scan.msk.s32 $0xffff, v26  }
0x97: {  	v17 =	vsub.s32 v28, v0;
	v24 =	vadd.s32 v27, v6;
	v6 =	vmpcnt.ones.xlane vm10;
	(xrf0) =	vadd.scan.msk.s32 $0xffff, v29  }
0x98: {  	v28 =	vadd.s32 v24, v23;
	v23 =	vmpcnt.ones.xlane vm11;
	v26 =	vsel vm6, $0x1, v3;
	(xrf0) =	vadd.scan.msk.s32 $0xffff, v30  }
0x99: {  	v33 =	vadd.s32 v38, v31;
	v31 =	vadd.s32 v39, v36;
	v60 =	vadd.s32 v28, v6;
	(xrf0) =	vadd.scan.msk.s32 $0xffff, v26  }
0x9a: {  	v6 =	vadd.s32 v60, v23;
	v23 =	vsel vm12, $0xFFFFFFFF, v3;
	v29 =	vsel vm4, $0x1, v3;
	(xrf0) =	vadd.scan.msk.s32 $0xffff, v61  }
0x9b: {  	v25 =	vld [tilespmem:s0+$0xFFFFFFE0];
	[tilespmem:v11+s19+$0x0] =	vst.idx.msk vm9, v34;
	v30 =	vsel vm4, $0xFFFFFFFF, v3;
	v26 =	vsel vm5, $0xFFFFFFFF, v3;
	(xrf0) =	vadd.scan.msk.s32 $0xffff, v29  }
0x9c: {  	v24 =	vadd.s32 v30, v24;
	v30 =	vsel vm10, $0xFFFFFFFF, v3;
	v26 =	vadd.s32 v26, v27;
	v32, _, _ =	vpop (xrf0);
	(xrf0) =	vadd.scan.msk.s32 $0xffff, v62  }
0x9d: {  	s2 =	simm.s32 $0x8;
	v27 =	vadd.s32 v30, v28;
	v28 =	vadd.s32 v63, v60;
	v30 =	vld [tilespmem:s0+$0xFFFFFFF0];
	v29 =	vadd.s32 v40, v59;
	v34, _, _ =	vpop (xrf0);
	(xrf0) =	vadd.scan.msk.s32 $0xffff, v37  }
.LBB2_7:
0x9e: {  	_ =	sdelay $0x1  }
0x9f: {  	[tilespmem:v11+s20+$0x0] =	vst.idx.msk vm1, v25;
	v25 =	vld [tilespmem:$0x1FFE0];
	_ =	sdelay $0x3  }
0xa0: {  	v36 =	vadd.s32 v23, v22;
	v35 =	vsub.s32 v18, v0;
	v23 =	vadd.s32 v34, v33  }
0xa1: {  	v18, _, _ =	vpop (xrf0);
	v51 =	vld [tilespmem:s0+$0x0];
	[tilespmem:v12+s19+$0x0] =	vst.idx.msk vm3, v20;
	v20 =	vimm.s32 $0x0;
	v52 =	vimm.s32 $0x0;
	vm9 =	vnez.u8 v25  }
0xa2: {  	v53 =	vsub.s32 v10, v0;
	v10 =	vimm.s32 $0x0;
	v11 =	vadd.s32 v18, v31  }
0xa3: {  	v32 =	vadd.s32 v32, v36;
	vm0 =	vlt.s32 v23, $0x4000;
	v22, _, _ =	vpop (xrf0);
	vm2 =	vlt.s32 v11, $0x4000  }
0xa4: {  	vm0 =	vmand vm8, vm0;
	v18 =	vadd.s32 v22, v29;
	v22, _, _ =	vpop (xrf0);
	vm2 =	vmand vm7, vm2  }
0xa5: {  	vm1 =	vlt.s32 v32, $0x4000;
	v22 =	vadd.s32 v22, v26;
	v26, _, _ =	vpop (xrf0);
	v20 =	vsel vm2, $0xFFFFFFFF, v20  }
0xa6: {  	vm13 =	vmand vm12, vm1;
	vm1 =	vlt.s32 v18, $0x4000;
	v24 =	vadd.s32 v26, v24;
	[tilespmem:$0x1FFB0] =	vst v20  }
0xa7: {  	v31 =	vimm.s32 $0x0;
	vm1 =	vmand vm6, vm1;
	vm2 =	vlt.s32 v24, $0x4000;
	[tilespmem:v13+s19+$0x0] =	vst.idx.msk vm9, v21;
	v21 =	vld [tilespmem:s0+$0x10]  }
0xa8: {  	s1 =	sadd.s32 $0x80, s1;
	v20 =	vsel vm1, $0xFFFFFFFF, v52;
	[tilespmem:v13+s20+$0x0] =	vst.idx.msk vm9, v30;
	v30 =	vsel vm0, $0xFFFFFFFF, v31;
	vm0 =	vlt.s32 v22, $0x4000;
	v13, _, _ =	vpop (xrf0)  }
0xa9: {  	[tilespmem:v9+s19+$0x0] =	vst.idx.msk vm15, v19;
	v19 =	vimm.s32 $0x0;
	v26 =	vld [tilespmem:s1+$0xFFFFFFF0];
	v27 =	vadd.s32 v13, v27;
	v13, _, _ =	vpop (xrf0);
	vm0 =	vmand vm5, vm0  }
0xaa: {  	v29 =	vld [tilespmem:s1+$0xFFFFFFE0];
	vm1 =	vlt.s32 v27, $0x4000;
	v28 =	vadd.s32 v13, v28;
	v13 =	vmovc v18;
	v18 =	vsel vm0, $0xFFFFFFFF, v19  }
0xab: {  	v31 =	vld [tilespmem:s1+$0x10];
	[tilespmem:$0x1FFD0] =	vst v18;
	vm5 =	vmand vm10, vm1;
	vm0 =	vlt.s32 v28, $0x4000;
	vm1 =	vmand vm4, vm2  }
0xac: {  	v18 =	vld [tilespmem:s1+$0xFFFFFFC0];
	[tilespmem:v9+s20+$0x0] =	vst.idx.msk vm15, v21;
	v10 =	vsel vm1, $0xFFFFFFFF, v10;
	vm4 =	vmand vm11, vm0  }
0xad: {  	s0 =	sadd.s32 $0x80, s0;
	[tilespmem:$0x1FFA0] =	vst v10;
	v10 =	vld [tilespmem:s1+$0xFFFFFFD0]  }
0xae: {  	v21 =	vmovc v17;
	v17 =	vsub.s32 v26, v0;
	vm6 =	vge.s32 v26, v0;
	vm2 =	vlt.s32 v26, v1;
	v26 =	vld [tilespmem:s0+$0x20]  }
0xaf: {  	v55 =	vsub.s32 v15, v0;
	v37 =	vsub.s32 v14, v0;
	v25 =	vld [tilespmem:s0+$0x30]  }
0xb0: {  	[tilespmem:v12+s20+$0x0] =	vst.idx.msk vm3, v51;
	v54 =	vsub.s32 v29, v0;
	vm7 =	vge.s32 v29, v0  }
0xb1: {  	v9 =	vmov v24;
	v24 =	vld [tilespmem:s1+$0x20];
	vm8 =	vge.s32 v18, v0;
	vm9 =	vlt.s32 v18, v1;
	[tilespmem:v27+s19+$0x0] =	vst.idx.msk vm5, v55  }
0xb2: {  	v14 =	vld [tilespmem:s1+$0x30];
	vm12 =	vmand vm8, vm9;
	vm8 =	vge.s32 v10, v0;
	vm9 =	vlt.s32 v10, v1;
	[tilespmem:v28+s19+$0x0] =	vst.idx.msk vm4, v37  }
0xb3: {  	vm3 =	vlt.s32 v29, v1;
	v29 =	vmpcnt.ones.xlane vm12;
	vm8 =	vmand vm8, vm9;
	[tilespmem:v27+s20+$0x0] =	vst.idx.msk vm5, v26;
	v26 =	vld [tilespmem:$0x1FFA0]  }
0xb4: {  	vm7 =	vmand vm7, vm3;
	[tilespmem:v28+s20+$0x0] =	vst.idx.msk vm4, v25;
	v25 =	vmpcnt.ones.xlane vm8  }
0xb5: {  	v12 =	vmovc v22;
	v22 =	vmovc v6;
	vm6 =	vmand vm6, vm2;
	v29 =	vadd.s32 v6, v29;
	v6 =	vmpcnt.ones.xlane vm7  }
0xb6: {  	v19 =	vsub.s32 v8, v0;
	v8 =	vmovc v31;
	v31 =	vadd.s32 v29, v25;
	v25 =	vmpcnt.ones.xlane vm6  }
0xb7: {  	vm11 =	vge.s32 v8, v0;
	vm15 =	vlt.s32 v8, v1;
	v56 =	vadd.s32 v31, v6  }
0xb8: {  	vm4 =	vmand vm11, vm15;
	vm15 =	vnez.u8 v26;
	v26 =	vadd.s32 v56, v25;
	v25 =	vld [tilespmem:$0x1FFB0];
	_ =	sdelay $0x2  }
0xb9: {  	[tilespmem:$0x1FFC0] =	vst v30;
	v30 =	vld [tilespmem:s1+$0x0];
	v15 =	vmov v24  }
0xba: {  	vm10 =	vge.s32 v24, v0;
	vm1 =	vlt.s32 v15, v1  }
0xbb: {  	vm10 =	vmand vm10, vm1;
	vm1 =	vnez.u8 v25;
	v25 =	vld [tilespmem:$0x1FFC0];
	_ =	sdelay $0x2  }
0xbc: {  	[tilespmem:$0x1FFE0] =	vst v20;
	v20 =	vsub.s32 v7, v0;
	v7 =	vmov v30  }
0xbd: {  	vm14 =	vge.s32 v7, v0;
	vm0 =	vlt.s32 v7, v1  }
0xbe: {  	vm5 =	vmand vm14, vm0;
	vm0 =	vnez.u8 v25;
	_ =	sdelay $0x1  }
0xbf: {  	v28 =	vld [tilespmem:s0+$0xFFFFFFD0]  }
0xc0: {  	vm3 =	vlt.s32 v14, v1;
	v57 =	vsel vm7, $0x1, v3  }
0xc1: {  	v40 =	vsel vm7, $0xFFFFFFFF, v3;
	v59 =	vsel vm6, $0x1, v3;
	v24 =	vld [tilespmem:s0+$0xFFFFFFC0];
	vm9 =	vge.s32 v14, v0  }
0xc2: {  	v62 =	vsel vm6, $0xFFFFFFFF, v3;
	[tilespmem:v32+s19+$0x0] =	vst.idx.msk vm13, v35;
	vm11 =	vmand vm9, vm3;
	v30 =	vsel vm8, $0x1, v3  }
0xc3: {  	v60 =	vsel vm5, $0x1, v3;
	v61 =	vsel vm10, $0x1, v3;
	v39 =	vsel vm8, $0xFFFFFFFF, v3;
	[tilespmem:v23+s19+$0x0] =	vst.idx.msk vm0, v53  }
0xc4: {  	v41 =	vsel vm5, $0xFFFFFFFF, v3;
	v38 =	vsel vm11, $0x1, v3;
	v25 =	vld [tilespmem:$0x1FFD0];
	[tilespmem:v23+s20+$0x0] =	vst.idx.msk vm0, v28;
	v23 =	vsel vm12, $0x1, v3  }
0xc5: {  	v63 =	vsel vm11, $0xFFFFFFFF, v3;
	v33 =	vadd.s32 v39, v29;
	v6 =	vmpcnt.ones.xlane vm5;
	(xrf0) =	vadd.scan.msk.s32 $0xffff, v23  }
0xc6: {  	s2 =	sadd.s32 $0x8, s2;
	[tilespmem:v32+s20+$0x0] =	vst.idx.msk vm13, v24;
	v24 =	vmpcnt.ones.xlane vm4;
	v31 =	vadd.s32 v40, v31;
	(xrf0) =	vadd.scan.msk.s32 $0xffff, v30  }
0xc7: {  	p0 =	slt.u32 s2, $0xF0;
	v29 =	vadd.s32 v62, v56;
	v27 =	vadd.s32 v26, v6;
	v6 =	vmpcnt.ones.xlane vm10;
	(xrf0) =	vadd.scan.msk.s32 $0xffff, v57  }
.Ltmp2:
0xc8: {  	v26 =	vadd.s32 v41, v26;
	v28 =	vadd.s32 v27, v24;
	v24 =	vmpcnt.ones.xlane vm11;
	(xrf0) =	vadd.scan.msk.s32 $0xffff, v59;
	(pc) =	sbr.rel @p0 .LBB2_7-.Ltmp2, $4  }
0xc9: {  	vm3 =	vnez.u8 v25;
	v58 =	vadd.s32 v28, v6;
	v30 =	vsel vm4, $0x1, v3;
	(xrf0) =	vadd.scan.msk.s32 $0xffff, v60  }
0xca: {  	v25 =	vld [tilespmem:s0+$0xFFFFFFE0];
	[tilespmem:v11+s19+$0x0] =	vst.idx.msk vm1, v16;
	v6 =	vadd.s32 v58, v24;
	v24 =	vsel vm4, $0xFFFFFFFF, v3;
	(xrf0) =	vadd.scan.msk.s32 $0xffff, v30  }
0xcb: {  	v16 =	vmov v54;
	v24 =	vadd.s32 v24, v27;
	v27 =	vsel vm10, $0xFFFFFFFF, v3;
	v32, _, _ =	vpop (xrf0);
	(xrf0) =	vadd.scan.msk.s32 $0xffff, v61  }
0xcc: {  	s14 =	simm.s32 $0x0;
	v23 =	vsel vm12, $0xFFFFFFFF, v3;
	v27 =	vadd.s32 v27, v28;
	v28 =	vadd.s32 v63, v58;
	v30 =	vld [tilespmem:s0+$0xFFFFFFF0];
	v34, _, _ =	vpop (xrf0);
	(xrf0) =	vadd.scan.msk.s32 $0xffff, v38  }
0xcd: {  	_ =	sdelay $0x2  }
0xce: {  	v35, _, _ =	vpop (xrf0);
	v44 =	vld [tilespmem:s0+$0x0]  }
0xcf: {  	v36, _, _ =	vpop (xrf0)  }
0xd0: {  	v37, _, _ =	vpop (xrf0);
	[tilespmem:v11+s20+$0x0] =	vst.idx.msk vm1, v25  }
0xd1: {  	v49 =	vadd.s32 v34, v33;
	v38, _, _ =	vpop (xrf0);
	v11 =	vld [tilespmem:$0x1FFE0]  }
0xd2: {  	vm14 =	vlt.s32 v49, $0x4000;
	[tilespmem:v12+s19+$0x0] =	vst.idx.msk vm3, v20;
	v39, _, _ =	vpop (xrf0)  }
0xd3: {  	v46 =	vld [tilespmem:s0+$0x10];
	v45 =	vadd.s32 v39, v27;
	[tilespmem:v12+s20+$0x0] =	vst.idx.msk vm3, v44;
	vm3 =	vmand vm8, vm14  }
0xd4: {  	s29 =	sadd.s32 $0x80, s0;
	vm13 =	vlt.s32 v45, $0x4000  }
0xd5: {  	v56 =	vld [tilespmem:s29+$0xFFFFFFD0];
	v40, _, _ =	vpop (xrf0);
	vm1 =	vmand vm10, vm13  }
0xd6: {  	v28 =	vadd.s32 v40, v28;
	vm9 =	vnez.u8 v11  }
0xd7: {  	[tilespmem:v9+s19+$0x0] =	vst.idx.msk vm15, v19;
	vm0 =	vlt.s32 v28, $0x4000  }
0xd8: {  	v10 =	vsub.s32 v10, v0;
	v55 =	vadd.s32 v36, v29;
	[tilespmem:v9+s20+$0x0] =	vst.idx.msk vm15, v46;
	vm0 =	vmand vm11, vm0  }
0xd9: {  	vm10 =	vlt.s32 v55, $0x4000;
	[tilespmem:v49+s19+$0x0] =	vst.idx.msk vm3, v10  }
0xda: {  	v54 =	vsub.s32 v15, v0;
	v50 =	vld [tilespmem:s29+$0x20];
	vm11 =	vmand vm6, vm10;
	[tilespmem:v49+s20+$0x0] =	vst.idx.msk vm3, v56  }
0xdb: {  	v52 =	vadd.s32 v35, v31;
	[tilespmem:v45+s19+$0x0] =	vst.idx.msk vm1, v54  }
0xdc: {  	v47 =	vadd.s32 v23, v22;
	v48 =	vld [tilespmem:s29+$0x30];
	vm15 =	vlt.s32 v52, $0x4000;
	[tilespmem:v13+s19+$0x0] =	vst.idx.msk vm9, v21  }
0xdd: {  	v51 =	vsub.s32 v14, v0;
	v61 =	vld [tilespmem:s29+$0xFFFFFFF0];
	[tilespmem:v13+s20+$0x0] =	vst.idx.msk vm9, v30;
	v13 =	vadd.s32 v32, v47;
	vm9 =	vmand vm7, vm15  }
0xde: {  	[tilespmem:v28+s19+$0x0] =	vst.idx.msk vm0, v51;
	vm2 =	vlt.s32 v13, $0x4000  }
0xdf: {  	v59 =	vld [tilespmem:s29+$0xFFFFFFE0];
	v58 =	vadd.s32 v37, v26;
	[tilespmem:v45+s20+$0x0] =	vst.idx.msk vm1, v50;
	vm2 =	vmand vm12, vm2  }
0xe0: {  	[tilespmem:v55+s19+$0x0] =	vst.idx.msk vm11, v17;
	vm12 =	vlt.s32 v58, $0x4000  }
0xe1: {  	v53 =	vld [tilespmem:s29+$0xFFFFFFC0];
	v60 =	vadd.s32 v38, v24;
	[tilespmem:v28+s20+$0x0] =	vst.idx.msk vm0, v48;
	vm13 =	vmand vm5, vm12  }
0xe2: {  	vm14 =	vlt.s32 v60, $0x4000;
	[tilespmem:v55+s20+$0x0] =	vst.idx.msk vm11, v61  }
0xe3: {  	v62 =	vld [tilespmem:s29+$0x0];
	vm15 =	vmand vm4, vm14;
	[tilespmem:v52+s19+$0x0] =	vst.idx.msk vm9, v16  }
0xe4: {  	v57 =	vsub.s32 v18, v0;
	[tilespmem:v52+s20+$0x0] =	vst.idx.msk vm9, v59  }
0xe5: {  	v63 =	vld [tilespmem:s29+$0x10];
	[tilespmem:v13+s19+$0x0] =	vst.idx.msk vm2, v57  }
0xe6: {  	v7 =	vsub.s32 v7, v0;
	[tilespmem:v13+s20+$0x0] =	vst.idx.msk vm2, v53  }
0xe7: {  	[tilespmem:v58+s19+$0x0] =	vst.idx.msk vm13, v7  }
0xe8: {  	v7 =	vsub.s32 v8, v0;
	[tilespmem:v58+s20+$0x0] =	vst.idx.msk vm13, v62  }
0xe9: {  	[tilespmem:v60+s19+$0x0] =	vst.idx.msk vm15, v7  }
0xea: {  	[tilespmem:v60+s20+$0x0] =	vst.idx.msk vm15, v63  }
.LBB2_9:
0xeb: {  	s0 =	sshra.s32 s14, $0x2  }
0xec: {  	v7 =	vld [tilespmem:s0+$0x3700];
	_ =	sdelay $0x4  }
0xed: {  	vm0 =	vge.s32 v7, v0;
	vm1 =	vlt.s32 v7, v1  }
0xee: {  	vm0 =	vmand vm0, vm1  }
0xef: {  	v8 =	vsel vm0, $0x1, v3  }
0xf0: {  	(xrf0) =	vadd.scan.msk.s32 $0xffff, v8;
	_ =	sdelay $0x4  }
0xf1: {  	v8 =	vsel vm0, $0xFFFFFFFF, v3  }
0xf2: {  	v8 =	vadd.s32 v8, v6;
	v9, _, _ =	vpop (xrf0)  }
0xf3: {  	v8 =	vadd.s32 v9, v8  }
0xf4: {  	vm15 =	vlt.s32 v8, $0x4000  }
0xf5: {  	vm1 =	vmand vm0, vm15;
	_ =	sdelay $0x1  }
0xf6: {  	p0 =	sne.s32 s14, $0x40;
	v63 =	vld [tilespmem:s0+$0x4700]  }
.Ltmp3:
0xf7: {  	_ = 	snop;
	(pc) =	sbr.rel @p0 .LBB2_9-.Ltmp3, $4  }
0xf8: {  	_ = 	snop  }
0xf9: {  	v7 =	vsub.s32 v7, v0;
	v10 =	vmpcnt.ones.xlane vm0  }
0xfa: {  	[tilespmem:v8+s19+$0x0] =	vst.idx.msk vm1, v7  }
0xfb: {  	s14 =	sadd.s32 $0x40, s14;
	v6 =	vadd.s32 v6, v10;
	[tilespmem:v8+s20+$0x0] =	vst.idx.msk vm1, v63  }
0xfc: {  	p0 =	seq.s32 s31, $0x27  }
0xfd: {  	s0 =	smul.u32 @!p0 $0x1F40, s31;
	_ =	sdelay $0x1  }
0xfe: {  	s0 =	sshrl.u32 @!p0 s0, $0x3  }
0xff: {  	s0 =	sadd.s32 @!p0 $0x3E8, s0  }
0x100: {  	s2 =	simm.s32 @!p0 $0x0;
	s6 =	simm.s32 @!p0 $0x2780;
	s1 =	sadd.s32 @!p0 s4, s0  }
0x101: {  	[tilespmem:s6], [sflag:$0x1] =	stream.linear.gather @!p0 [hbm4b:s1+s2], $0xFA0, $0x38;
	[tilespmem:$0x18B80] =	vst v63  }
0x102: {  	s0 =	sadd.s32 @!p0 s5, s0;
	s1 =	simm.s32 @!p0 $0x3780  }
0x103: {  	[tilespmem:s1], [sflag:$0x1] =	stream.linear.gather @!p0 [hbm4b:s0+s2], $0xFA0, $0x38;
	[tilespmem:$0x18B80] =	vst v63  }
0x104: {  	_ =	swait.ge [sflag:s21], $0xFA0  }
0x105: {  	[sflag:s21] =	ssyncset.done $0x0  }
0x106: {  	[sflag:s21] =	ssyncadd.s32 $0xFFFFF060  }
0x107: {  	_ =	swait.ge [sflag:s21], $0xFA0  }
0x108: {  	[sflag:s21] =	ssyncset.done $0x0  }
0x109: {  	s29 =	simm.s32 $0x47C0;
	[sflag:s21] =	ssyncadd.s32 $0xFFFFF060  }
0x10a: {  	v21 =	vld [tilespmem:s29+$0xFFFFFFE0]  }
0x10b: {  	v20 =	vld [tilespmem:s29+$0xFFFFFFF0]  }
0x10c: {  	v19 =	vld [tilespmem:s29+$0x0]  }
0x10d: {  	v17 =	vld [tilespmem:s29+$0x10]  }
0x10e: {  	v22 =	vld [tilespmem:s29+$0x20]  }
0x10f: {  	v23 =	vld [tilespmem:s29+$0xFFFFFFC0]  }
0x110: {  	v16 =	vld [tilespmem:s29+$0xFFFFFFD0]  }
0x111: {  	vm0 =	vge.s32 v21, v0;
	vm1 =	vlt.s32 v21, v1  }
0x112: {  	vm2 =	vge.s32 v20, v0;
	vm4 =	vlt.s32 v20, v1;
	vm5 =	vge.s32 v19, v0  }
0x113: {  	vm8 =	vlt.s32 v19, v1;
	vm9 =	vge.s32 v17, v0;
	vm10 =	vlt.s32 v17, v1  }
0x114: {  	vm11 =	vge.s32 v22, v0;
	vm3 =	vge.s32 v23, v0;
	vm6 =	vlt.s32 v23, v1  }
0x115: {  	vm7 =	vlt.s32 v16, v1;
	vm6 =	vmand vm3, vm6;
	vm3 =	vge.s32 v16, v0  }
0x116: {  	vm12 =	vlt.s32 v22, v1;
	v7 =	vmpcnt.ones.xlane vm6;
	vm7 =	vmand vm3, vm7  }
0x117: {  	vm2 =	vmand vm2, vm4;
	vm3 =	vmand vm0, vm1;
	v8 =	vmpcnt.ones.xlane vm7  }
0x118: {  	vm4 =	vmand vm11, vm12;
	v9 =	vmpcnt.ones.xlane vm3;
	v7 =	vadd.s32 v6, v7  }
0x119: {  	v14 =	vld [tilespmem:s29+$0x30];
	v10 =	vmpcnt.ones.xlane vm2;
	vm1 =	vmand vm5, vm8;
	v8 =	vadd.s32 v7, v8  }
0x11a: {  	vm0 =	vmand vm9, vm10;
	v11 =	vmpcnt.ones.xlane vm1;
	v9 =	vadd.s32 v8, v9  }
0x11b: {  	v15 =	vsel vm6, $0x1, v3;
	v12 =	vmpcnt.ones.xlane vm0;
	v10 =	vadd.s32 v9, v10  }
0x11c: {  	v13 =	vmpcnt.ones.xlane vm4;
	v18 =	vsel vm7, $0x1, v3;
	(xrf0) =	vadd.scan.msk.s32 $0xffff, v15;
	v11 =	vadd.s32 v10, v11  }
0x11d: {  	v25 =	vsel vm3, $0x1, v3;
	(xrf0) =	vadd.scan.msk.s32 $0xffff, v18;
	v12 =	vadd.s32 v11, v12  }
0x11e: {  	vm13 =	vge.s32 v14, v0;
	(xrf0) =	vadd.scan.msk.s32 $0xffff, v25;
	v26 =	vadd.s32 v12, v13;
	v13 =	vsel vm2, $0x1, v3  }
0x11f: {  	vm5 =	vlt.s32 v14, v1;
	v15 =	vsel vm1, $0x1, v3;
	v32 =	vsel vm0, $0xFFFFFFFF, v3;
	(xrf0) =	vadd.scan.msk.s32 $0xffff, v13  }
0x120: {  	v27 =	vsel vm4, $0x1, v3;
	(xrf0) =	vadd.scan.msk.s32 $0xffff, v15;
	v15 =	vadd.s32 v32, v11;
	v11 =	vsel vm4, $0xFFFFFFFF, v3  }
0x121: {  	vm5 =	vmand vm13, vm5;
	v29 =	vsel vm7, $0xFFFFFFFF, v3;
	v30 =	vsel vm3, $0xFFFFFFFF, v3  }
0x122: {  	v31 =	vsel vm1, $0xFFFFFFFF, v3;
	v18 =	vsel vm0, $0x1, v3;
	v28 =	vsel vm5, $0x1, v3  }
0x123: {  	v25 =	vsel vm6, $0xFFFFFFFF, v3;
	v7 =	vadd.s32 v29, v7;
	(xrf0) =	vadd.scan.msk.s32 $0xffff, v18;
	v18 =	vadd.s32 v11, v12;
	v11, _, _ =	vpop (xrf0)  }
0x124: {  	v57 =	vsel vm5, $0xFFFFFFFF, v3;
	v8 =	vadd.s32 v30, v8;
	v6 =	vadd.s32 v25, v6;
	v12, _, _ =	vpop (xrf0)  }
0x125: {  	v10 =	vadd.s32 v31, v10;
	v13 =	vsel vm2, $0xFFFFFFFF, v3;
	(xrf0) =	vadd.scan.msk.s32 $0xffff, v27;
	v25 =	vadd.s32 v12, v7  }
0x126: {  	v31 =	vadd.s32 v57, v26;
	(xrf0) =	vadd.scan.msk.s32 $0xffff, v28;
	v6 =	vadd.s32 v11, v6;
	v7, _, _ =	vpop (xrf0);
	vm8 =	vlt.s32 v25, $0x4000  }
0x127: {  	v11 =	vadd.s32 v7, v8;
	v8 =	vimm.s32 $0x0;
	vm7 =	vmand vm7, vm8  }
0x128: {  	v9 =	vadd.s32 v13, v9;
	vm9 =	vlt.s32 v6, $0x4000;
	v7, _, _ =	vpop (xrf0);
	v8 =	vsel vm7, $0xFFFFFFFF, v8  }
0x129: {  	vm13 =	vmand vm6, vm9;
	vm10 =	vlt.s32 v11, $0x4000;
	v13 =	vadd.s32 v7, v9;
	v7, _, _ =	vpop (xrf0)  }
0x12a: {  	s1 =	simm.s32 $0x4840;
	vm6 =	vlt.s32 v13, $0x4000;
	v12 =	vadd.s32 v7, v10;
	v7, _, _ =	vpop (xrf0);
	vm9 =	vmand vm3, vm10  }
0x12b: {  	v27 =	vld [tilespmem:s1+$0xFFFFFFE0];
	v10 =	vimm.s32 $0x0;
	[tilespmem:$0x1FF90] =	vst v8;
	vm7 =	vlt.s32 v12, $0x4000;
	vm2 =	vmand vm2, vm6;
	v8, _, _ =	vpop (xrf0)  }
0x12c: {  	v9 =	vadd.s32 v7, v15;
	v28 =	vld [tilespmem:s1+$0xFFFFFFF0];
	v10 =	vsel vm2, $0xFFFFFFFF, v10;
	v29 =	vadd.s32 v8, v18;
	v8, _, _ =	vpop (xrf0)  }
0x12d: {  	s0 =	simm.s32 $0x57C0;
	v7 =	vld [tilespmem:s1+$0x0];
	vm8 =	vlt.s32 v9, $0x4000;
	[tilespmem:$0x1FF80] =	vst v10;
	vm2 =	vlt.s32 v29, $0x4000;
	v30 =	vadd.s32 v8, v31  }
0x12e: {  	vm3 =	vmand vm1, vm7;
	v35 =	vld [tilespmem:s0+$0xFFFFFFC0];
	vm14 =	vmand vm4, vm2;
	vm1 =	vlt.s32 v30, $0x4000  }
0x12f: {  	vm15 =	vmand vm0, vm8;
	v18 =	vld [tilespmem:s1+$0xFFFFFFC0];
	vm0 =	vmand vm5, vm1  }
0x130: {  	v10 =	vld [tilespmem:s1+$0xFFFFFFD0]  }
0x131: {  	v23 =	vsub.s32 v23, v0;
	v24 =	vmpcnt.ones.xlane vm5;
	v33 =	vld [tilespmem:s0+$0x20]  }
0x132: {  	v34 =	vsub.s32 v21, v0;
	v21 =	vsub.s32 v20, v0;
	v58 =	vld [tilespmem:s0+$0x30];
	[tilespmem:v6+s19+$0x0] =	vst.idx.msk vm13, v23  }
0x133: {  	v20 =	vsub.s32 v22, v0;
	v22 =	vadd.s32 v26, v24;
	[tilespmem:v6+s20+$0x0] =	vst.idx.msk vm13, v35  }
0x134: {  	v31 =	vsub.s32 v14, v0;
	vm2 =	vlt.s32 v27, v1;
	[tilespmem:v29+s19+$0x0] =	vst.idx.msk vm14, v20  }
0x135: {  	v8 =	vld [tilespmem:s1+$0x10];
	vm1 =	vge.s32 v27, v0;
	vm4 =	vge.s32 v28, v0;
	[tilespmem:v30+s19+$0x0] =	vst.idx.msk vm0, v31  }
0x136: {  	v15 =	vld [tilespmem:s1+$0x20];
	vm6 =	vge.s32 v18, v0;
	vm7 =	vlt.s32 v18, v1;
	[tilespmem:v29+s20+$0x0] =	vst.idx.msk vm14, v33  }
0x137: {  	v14 =	vld [tilespmem:s1+$0x30];
	vm5 =	vlt.s32 v28, v1;
	vm12 =	vmand vm6, vm7;
	vm6 =	vge.s32 v10, v0;
	[tilespmem:v30+s20+$0x0] =	vst.idx.msk vm0, v58  }
0x138: {  	vm7 =	vlt.s32 v10, v1;
	v20 =	vsub.s32 v19, v0;
	v19 =	vsub.s32 v17, v0;
	v17 =	vld [tilespmem:$0x1FF90]  }
0x139: {  	vm10 =	vge.s32 v7, v0;
	vm11 =	vlt.s32 v7, v1;
	vm8 =	vmand vm6, vm7  }
0x13a: {  	vm7 =	vmand vm1, vm2;
	vm1 =	vge.s32 v8, v0;
	vm6 =	vmand vm4, vm5  }
0x13b: {  	vm2 =	vlt.s32 v8, v1;
	vm5 =	vmand vm10, vm11;
	vm10 =	vge.s32 v15, v0  }
0x13c: {  	vm11 =	vlt.s32 v14, v1;
	vm4 =	vmand vm1, vm2;
	vm1 =	vlt.s32 v15, v1  }
0x13d: {  	vm2 =	vge.s32 v14, v0;
	v24 =	vmpcnt.ones.xlane vm8;
	vm0 =	vnez.u8 v17  }
0x13e: {  	v6 =	vmpcnt.ones.xlane vm5;
	v61 =	vsel vm5, $0x1, v3;
	v38 =	vsel vm8, $0xFFFFFFFF, v3  }
0x13f: {  	v26 =	vld [tilespmem:s0+$0xFFFFFFD0];
	v39 =	vsel vm7, $0xFFFFFFFF, v3;
	v40 =	vsel vm6, $0xFFFFFFFF, v3;
	vm10 =	vmand vm10, vm1  }
0x140: {  	vm1 =	vmmov vm9;
	vm11 =	vmand vm2, vm11;
	v30 =	vmpcnt.ones.xlane vm12  }
0x141: {  	v29 =	vsub.s32 v16, v0;
	v16 =	vsub.s32 v27, v0;
	v23 =	vmpcnt.ones.xlane vm4  }
0x142: {  	v62 =	vsel vm10, $0x1, v3;
	v31 =	vadd.s32 v22, v30;
	v30 =	vmpcnt.ones.xlane vm7  }
0x143: {  	v37 =	vsel vm11, $0x1, v3;
	v36 =	vadd.s32 v31, v24;
	v24 =	vmpcnt.ones.xlane vm6;
	[tilespmem:v25+s19+$0x0] =	vst.idx.msk vm0, v29  }
0x144: {  	v63 =	vsel vm11, $0xFFFFFFFF, v3;
	v59 =	vadd.s32 v36, v30;
	[tilespmem:v25+s20+$0x0] =	vst.idx.msk vm0, v26;
	v26 =	vsel vm12, $0x1, v3  }
0x145: {  	v30 =	vsel vm7, $0x1, v3;
	v27 =	vadd.s32 v59, v24;
	v29 =	vsel vm8, $0x1, v3;
	(xrf0) =	vadd.scan.msk.s32 $0xffff, v26  }
0x146: {  	v17 =	vsub.s32 v28, v0;
	v24 =	vadd.s32 v27, v6;
	v6 =	vmpcnt.ones.xlane vm10;
	(xrf0) =	vadd.scan.msk.s32 $0xffff, v29  }
0x147: {  	v28 =	vadd.s32 v24, v23;
	v23 =	vmpcnt.ones.xlane vm11;
	v26 =	vsel vm6, $0x1, v3;
	(xrf0) =	vadd.scan.msk.s32 $0xffff, v30  }
0x148: {  	v33 =	vadd.s32 v38, v31;
	v31 =	vadd.s32 v39, v36;
	v60 =	vadd.s32 v28, v6;
	(xrf0) =	vadd.scan.msk.s32 $0xffff, v26  }
0x149: {  	v6 =	vadd.s32 v60, v23;
	v23 =	vsel vm12, $0xFFFFFFFF, v3;
	v29 =	vsel vm4, $0x1, v3;
	(xrf0) =	vadd.scan.msk.s32 $0xffff, v61  }
0x14a: {  	v25 =	vld [tilespmem:s0+$0xFFFFFFE0];
	[tilespmem:v11+s19+$0x0] =	vst.idx.msk vm9, v34;
	v30 =	vsel vm4, $0xFFFFFFFF, v3;
	v26 =	vsel vm5, $0xFFFFFFFF, v3;
	(xrf0) =	vadd.scan.msk.s32 $0xffff, v29  }
0x14b: {  	v24 =	vadd.s32 v30, v24;
	v30 =	vsel vm10, $0xFFFFFFFF, v3;
	v26 =	vadd.s32 v26, v27;
	v32, _, _ =	vpop (xrf0);
	(xrf0) =	vadd.scan.msk.s32 $0xffff, v62  }
0x14c: {  	s2 =	simm.s32 $0x8;
	v27 =	vadd.s32 v30, v28;
	v28 =	vadd.s32 v63, v60;
	v30 =	vld [tilespmem:s0+$0xFFFFFFF0];
	v29 =	vadd.s32 v40, v59;
	v34, _, _ =	vpop (xrf0);
	(xrf0) =	vadd.scan.msk.s32 $0xffff, v37  }
.LBB2_11:
0x14d: {  	_ =	sdelay $0x1  }
0x14e: {  	[tilespmem:v11+s20+$0x0] =	vst.idx.msk vm1, v25;
	v25 =	vld [tilespmem:$0x1FF80];
	_ =	sdelay $0x3  }
0x14f: {  	v36 =	vadd.s32 v23, v22;
	v35 =	vsub.s32 v18, v0;
	v23 =	vadd.s32 v34, v33  }
0x150: {  	v18, _, _ =	vpop (xrf0);
	v51 =	vld [tilespmem:s0+$0x0];
	[tilespmem:v12+s19+$0x0] =	vst.idx.msk vm3, v20;
	v20 =	vimm.s32 $0x0;
	v52 =	vimm.s32 $0x0;
	vm9 =	vnez.u8 v25  }
0x151: {  	v53 =	vsub.s32 v10, v0;
	v10 =	vimm.s32 $0x0;
	v11 =	vadd.s32 v18, v31  }
0x152: {  	v32 =	vadd.s32 v32, v36;
	vm0 =	vlt.s32 v23, $0x4000;
	v22, _, _ =	vpop (xrf0);
	vm2 =	vlt.s32 v11, $0x4000  }
0x153: {  	vm0 =	vmand vm8, vm0;
	v18 =	vadd.s32 v22, v29;
	v22, _, _ =	vpop (xrf0);
	vm2 =	vmand vm7, vm2  }
0x154: {  	vm1 =	vlt.s32 v32, $0x4000;
	v22 =	vadd.s32 v22, v26;
	v26, _, _ =	vpop (xrf0);
	v20 =	vsel vm2, $0xFFFFFFFF, v20  }
0x155: {  	vm13 =	vmand vm12, vm1;
	vm1 =	vlt.s32 v18, $0x4000;
	v24 =	vadd.s32 v26, v24;
	[tilespmem:$0x1FF50] =	vst v20  }
0x156: {  	v31 =	vimm.s32 $0x0;
	vm1 =	vmand vm6, vm1;
	vm2 =	vlt.s32 v24, $0x4000;
	[tilespmem:v13+s19+$0x0] =	vst.idx.msk vm9, v21;
	v21 =	vld [tilespmem:s0+$0x10]  }
0x157: {  	s1 =	sadd.s32 $0x80, s1;
	v20 =	vsel vm1, $0xFFFFFFFF, v52;
	[tilespmem:v13+s20+$0x0] =	vst.idx.msk vm9, v30;
	v30 =	vsel vm0, $0xFFFFFFFF, v31;
	vm0 =	vlt.s32 v22, $0x4000;
	v13, _, _ =	vpop (xrf0)  }
0x158: {  	[tilespmem:v9+s19+$0x0] =	vst.idx.msk vm15, v19;
	v19 =	vimm.s32 $0x0;
	v26 =	vld [tilespmem:s1+$0xFFFFFFF0];
	v27 =	vadd.s32 v13, v27;
	v13, _, _ =	vpop (xrf0);
	vm0 =	vmand vm5, vm0  }
0x159: {  	v29 =	vld [tilespmem:s1+$0xFFFFFFE0];
	vm1 =	vlt.s32 v27, $0x4000;
	v28 =	vadd.s32 v13, v28;
	v13 =	vmovc v18;
	v18 =	vsel vm0, $0xFFFFFFFF, v19  }
0x15a: {  	v31 =	vld [tilespmem:s1+$0x10];
	[tilespmem:$0x1FF70] =	vst v18;
	vm5 =	vmand vm10, vm1;
	vm0 =	vlt.s32 v28, $0x4000;
	vm1 =	vmand vm4, vm2  }
0x15b: {  	v18 =	vld [tilespmem:s1+$0xFFFFFFC0];
	[tilespmem:v9+s20+$0x0] =	vst.idx.msk vm15, v21;
	v10 =	vsel vm1, $0xFFFFFFFF, v10;
	vm4 =	vmand vm11, vm0  }
0x15c: {  	s0 =	sadd.s32 $0x80, s0;
	[tilespmem:$0x1FF40] =	vst v10;
	v10 =	vld [tilespmem:s1+$0xFFFFFFD0]  }
0x15d: {  	v21 =	vmovc v17;
	v17 =	vsub.s32 v26, v0;
	vm6 =	vge.s32 v26, v0;
	vm2 =	vlt.s32 v26, v1;
	v26 =	vld [tilespmem:s0+$0x20]  }
0x15e: {  	v55 =	vsub.s32 v15, v0;
	v37 =	vsub.s32 v14, v0;
	v25 =	vld [tilespmem:s0+$0x30]  }
0x15f: {  	[tilespmem:v12+s20+$0x0] =	vst.idx.msk vm3, v51;
	v54 =	vsub.s32 v29, v0;
	vm7 =	vge.s32 v29, v0  }
0x160: {  	v9 =	vmov v24;
	v24 =	vld [tilespmem:s1+$0x20];
	vm8 =	vge.s32 v18, v0;
	vm9 =	vlt.s32 v18, v1;
	[tilespmem:v27+s19+$0x0] =	vst.idx.msk vm5, v55  }
0x161: {  	v14 =	vld [tilespmem:s1+$0x30];
	vm12 =	vmand vm8, vm9;
	vm8 =	vge.s32 v10, v0;
	vm9 =	vlt.s32 v10, v1;
	[tilespmem:v28+s19+$0x0] =	vst.idx.msk vm4, v37  }
0x162: {  	vm3 =	vlt.s32 v29, v1;
	v29 =	vmpcnt.ones.xlane vm12;
	vm8 =	vmand vm8, vm9;
	[tilespmem:v27+s20+$0x0] =	vst.idx.msk vm5, v26;
	v26 =	vld [tilespmem:$0x1FF40]  }
0x163: {  	vm7 =	vmand vm7, vm3;
	[tilespmem:v28+s20+$0x0] =	vst.idx.msk vm4, v25;
	v25 =	vmpcnt.ones.xlane vm8  }
0x164: {  	v12 =	vmovc v22;
	v22 =	vmovc v6;
	vm6 =	vmand vm6, vm2;
	v29 =	vadd.s32 v6, v29;
	v6 =	vmpcnt.ones.xlane vm7  }
0x165: {  	v19 =	vsub.s32 v8, v0;
	v8 =	vmovc v31;
	v31 =	vadd.s32 v29, v25;
	v25 =	vmpcnt.ones.xlane vm6  }
0x166: {  	vm11 =	vge.s32 v8, v0;
	vm15 =	vlt.s32 v8, v1;
	v56 =	vadd.s32 v31, v6  }
0x167: {  	vm4 =	vmand vm11, vm15;
	vm15 =	vnez.u8 v26;
	v26 =	vadd.s32 v56, v25;
	v25 =	vld [tilespmem:$0x1FF50];
	_ =	sdelay $0x2  }
0x168: {  	[tilespmem:$0x1FF60] =	vst v30;
	v30 =	vld [tilespmem:s1+$0x0];
	v15 =	vmov v24  }
0x169: {  	vm10 =	vge.s32 v24, v0;
	vm1 =	vlt.s32 v15, v1  }
0x16a: {  	vm10 =	vmand vm10, vm1;
	vm1 =	vnez.u8 v25;
	v25 =	vld [tilespmem:$0x1FF60];
	_ =	sdelay $0x2  }
0x16b: {  	[tilespmem:$0x1FF80] =	vst v20;
	v20 =	vsub.s32 v7, v0;
	v7 =	vmov v30  }
0x16c: {  	vm14 =	vge.s32 v7, v0;
	vm0 =	vlt.s32 v7, v1  }
0x16d: {  	vm5 =	vmand vm14, vm0;
	vm0 =	vnez.u8 v25;
	_ =	sdelay $0x1  }
0x16e: {  	v28 =	vld [tilespmem:s0+$0xFFFFFFD0]  }
0x16f: {  	vm3 =	vlt.s32 v14, v1;
	v57 =	vsel vm7, $0x1, v3  }
0x170: {  	v40 =	vsel vm7, $0xFFFFFFFF, v3;
	v59 =	vsel vm6, $0x1, v3;
	v24 =	vld [tilespmem:s0+$0xFFFFFFC0];
	vm9 =	vge.s32 v14, v0  }
0x171: {  	v62 =	vsel vm6, $0xFFFFFFFF, v3;
	[tilespmem:v32+s19+$0x0] =	vst.idx.msk vm13, v35;
	vm11 =	vmand vm9, vm3;
	v30 =	vsel vm8, $0x1, v3  }
0x172: {  	v60 =	vsel vm5, $0x1, v3;
	v61 =	vsel vm10, $0x1, v3;
	v39 =	vsel vm8, $0xFFFFFFFF, v3;
	[tilespmem:v23+s19+$0x0] =	vst.idx.msk vm0, v53  }
0x173: {  	v41 =	vsel vm5, $0xFFFFFFFF, v3;
	v38 =	vsel vm11, $0x1, v3;
	v25 =	vld [tilespmem:$0x1FF70];
	[tilespmem:v23+s20+$0x0] =	vst.idx.msk vm0, v28;
	v23 =	vsel vm12, $0x1, v3  }
0x174: {  	v63 =	vsel vm11, $0xFFFFFFFF, v3;
	v33 =	vadd.s32 v39, v29;
	v6 =	vmpcnt.ones.xlane vm5;
	(xrf0) =	vadd.scan.msk.s32 $0xffff, v23  }
0x175: {  	s2 =	sadd.s32 $0x8, s2;
	[tilespmem:v32+s20+$0x0] =	vst.idx.msk vm13, v24;
	v24 =	vmpcnt.ones.xlane vm4;
	v31 =	vadd.s32 v40, v31;
	(xrf0) =	vadd.scan.msk.s32 $0xffff, v30  }
0x176: {  	p1 =	slt.u32 s2, $0xF0;
	v29 =	vadd.s32 v62, v56;
	v27 =	vadd.s32 v26, v6;
	v6 =	vmpcnt.ones.xlane vm10;
	(xrf0) =	vadd.scan.msk.s32 $0xffff, v57  }
.Ltmp4:
0x177: {  	v26 =	vadd.s32 v41, v26;
	v28 =	vadd.s32 v27, v24;
	v24 =	vmpcnt.ones.xlane vm11;
	(xrf0) =	vadd.scan.msk.s32 $0xffff, v59;
	(pc) =	sbr.rel @p1 .LBB2_11-.Ltmp4, $4  }
0x178: {  	vm3 =	vnez.u8 v25;
	v58 =	vadd.s32 v28, v6;
	v30 =	vsel vm4, $0x1, v3;
	(xrf0) =	vadd.scan.msk.s32 $0xffff, v60  }
0x179: {  	v25 =	vld [tilespmem:s0+$0xFFFFFFE0];
	[tilespmem:v11+s19+$0x0] =	vst.idx.msk vm1, v16;
	v6 =	vadd.s32 v58, v24;
	v24 =	vsel vm4, $0xFFFFFFFF, v3;
	(xrf0) =	vadd.scan.msk.s32 $0xffff, v30  }
0x17a: {  	v16 =	vmov v54;
	v24 =	vadd.s32 v24, v27;
	v27 =	vsel vm10, $0xFFFFFFFF, v3;
	v32, _, _ =	vpop (xrf0);
	(xrf0) =	vadd.scan.msk.s32 $0xffff, v61  }
0x17b: {  	s14 =	simm.s32 $0x0;
	v23 =	vsel vm12, $0xFFFFFFFF, v3;
	v27 =	vadd.s32 v27, v28;
	v28 =	vadd.s32 v63, v58;
	v30 =	vld [tilespmem:s0+$0xFFFFFFF0];
	v34, _, _ =	vpop (xrf0);
	(xrf0) =	vadd.scan.msk.s32 $0xffff, v38  }
0x17c: {  	_ =	sdelay $0x2  }
0x17d: {  	v35, _, _ =	vpop (xrf0);
	v44 =	vld [tilespmem:s0+$0x0]  }
0x17e: {  	v36, _, _ =	vpop (xrf0)  }
0x17f: {  	v37, _, _ =	vpop (xrf0);
	[tilespmem:v11+s20+$0x0] =	vst.idx.msk vm1, v25  }
0x180: {  	v49 =	vadd.s32 v34, v33;
	v38, _, _ =	vpop (xrf0);
	v11 =	vld [tilespmem:$0x1FF80]  }
0x181: {  	vm14 =	vlt.s32 v49, $0x4000;
	[tilespmem:v12+s19+$0x0] =	vst.idx.msk vm3, v20;
	v39, _, _ =	vpop (xrf0)  }
0x182: {  	v46 =	vld [tilespmem:s0+$0x10];
	v45 =	vadd.s32 v39, v27;
	[tilespmem:v12+s20+$0x0] =	vst.idx.msk vm3, v44;
	vm3 =	vmand vm8, vm14  }
0x183: {  	s29 =	sadd.s32 $0x80, s0;
	vm13 =	vlt.s32 v45, $0x4000  }
0x184: {  	v56 =	vld [tilespmem:s29+$0xFFFFFFD0];
	v40, _, _ =	vpop (xrf0);
	vm1 =	vmand vm10, vm13  }
0x185: {  	v28 =	vadd.s32 v40, v28;
	vm9 =	vnez.u8 v11  }
0x186: {  	[tilespmem:v9+s19+$0x0] =	vst.idx.msk vm15, v19;
	vm0 =	vlt.s32 v28, $0x4000  }
0x187: {  	v10 =	vsub.s32 v10, v0;
	v55 =	vadd.s32 v36, v29;
	[tilespmem:v9+s20+$0x0] =	vst.idx.msk vm15, v46;
	vm0 =	vmand vm11, vm0  }
0x188: {  	vm10 =	vlt.s32 v55, $0x4000;
	[tilespmem:v49+s19+$0x0] =	vst.idx.msk vm3, v10  }
0x189: {  	v54 =	vsub.s32 v15, v0;
	v50 =	vld [tilespmem:s29+$0x20];
	vm11 =	vmand vm6, vm10;
	[tilespmem:v49+s20+$0x0] =	vst.idx.msk vm3, v56  }
0x18a: {  	v52 =	vadd.s32 v35, v31;
	[tilespmem:v45+s19+$0x0] =	vst.idx.msk vm1, v54  }
0x18b: {  	v47 =	vadd.s32 v23, v22;
	v48 =	vld [tilespmem:s29+$0x30];
	vm15 =	vlt.s32 v52, $0x4000;
	[tilespmem:v13+s19+$0x0] =	vst.idx.msk vm9, v21  }
0x18c: {  	v51 =	vsub.s32 v14, v0;
	v61 =	vld [tilespmem:s29+$0xFFFFFFF0];
	[tilespmem:v13+s20+$0x0] =	vst.idx.msk vm9, v30;
	v13 =	vadd.s32 v32, v47;
	vm9 =	vmand vm7, vm15  }
0x18d: {  	[tilespmem:v28+s19+$0x0] =	vst.idx.msk vm0, v51;
	vm2 =	vlt.s32 v13, $0x4000  }
0x18e: {  	v59 =	vld [tilespmem:s29+$0xFFFFFFE0];
	v58 =	vadd.s32 v37, v26;
	[tilespmem:v45+s20+$0x0] =	vst.idx.msk vm1, v50;
	vm2 =	vmand vm12, vm2  }
0x18f: {  	[tilespmem:v55+s19+$0x0] =	vst.idx.msk vm11, v17;
	vm12 =	vlt.s32 v58, $0x4000  }
0x190: {  	v53 =	vld [tilespmem:s29+$0xFFFFFFC0];
	v60 =	vadd.s32 v38, v24;
	[tilespmem:v28+s20+$0x0] =	vst.idx.msk vm0, v48;
	vm13 =	vmand vm5, vm12  }
0x191: {  	vm14 =	vlt.s32 v60, $0x4000;
	[tilespmem:v55+s20+$0x0] =	vst.idx.msk vm11, v61  }
0x192: {  	v62 =	vld [tilespmem:s29+$0x0];
	vm15 =	vmand vm4, vm14;
	[tilespmem:v52+s19+$0x0] =	vst.idx.msk vm9, v16  }
0x193: {  	v57 =	vsub.s32 v18, v0;
	[tilespmem:v52+s20+$0x0] =	vst.idx.msk vm9, v59  }
0x194: {  	v63 =	vld [tilespmem:s29+$0x10];
	[tilespmem:v13+s19+$0x0] =	vst.idx.msk vm2, v57  }
0x195: {  	v7 =	vsub.s32 v7, v0;
	[tilespmem:v13+s20+$0x0] =	vst.idx.msk vm2, v53  }
0x196: {  	[tilespmem:v58+s19+$0x0] =	vst.idx.msk vm13, v7  }
0x197: {  	v7 =	vsub.s32 v8, v0;
	[tilespmem:v58+s20+$0x0] =	vst.idx.msk vm13, v62  }
0x198: {  	[tilespmem:v60+s19+$0x0] =	vst.idx.msk vm15, v7  }
0x199: {  	[tilespmem:v60+s20+$0x0] =	vst.idx.msk vm15, v63  }
.LBB2_13:
0x19a: {  	s0 =	sshra.s32 s14, $0x2  }
0x19b: {  	v7 =	vld [tilespmem:s0+$0x5700];
	_ =	sdelay $0x4  }
0x19c: {  	vm0 =	vge.s32 v7, v0;
	vm1 =	vlt.s32 v7, v1  }
0x19d: {  	vm0 =	vmand vm0, vm1  }
0x19e: {  	v8 =	vsel vm0, $0x1, v3  }
0x19f: {  	(xrf0) =	vadd.scan.msk.s32 $0xffff, v8;
	_ =	sdelay $0x4  }
0x1a0: {  	v8 =	vsel vm0, $0xFFFFFFFF, v3  }
0x1a1: {  	v8 =	vadd.s32 v8, v6;
	v9, _, _ =	vpop (xrf0)  }
0x1a2: {  	v8 =	vadd.s32 v9, v8  }
0x1a3: {  	vm15 =	vlt.s32 v8, $0x4000  }
0x1a4: {  	vm1 =	vmand vm0, vm15;
	_ =	sdelay $0x1  }
0x1a5: {  	p1 =	sne.s32 s14, $0x40;
	v63 =	vld [tilespmem:s0+$0x6700]  }
.Ltmp5:
0x1a6: {  	_ = 	snop;
	(pc) =	sbr.rel @p1 .LBB2_13-.Ltmp5, $4  }
0x1a7: {  	_ = 	snop  }
0x1a8: {  	v7 =	vsub.s32 v7, v0;
	v10 =	vmpcnt.ones.xlane vm0  }
0x1a9: {  	[tilespmem:v8+s19+$0x0] =	vst.idx.msk vm1, v7  }
0x1aa: {  	s14 =	sadd.s32 $0x40, s14;
	v6 =	vadd.s32 v6, v10;
	[tilespmem:v8+s20+$0x0] =	vst.idx.msk vm1, v63  }
.Ltmp6:
0x1ab: {  	(pc) =	sbr.rel @p0 .LBB2_16-.Ltmp6, $1  }
0x1ac: {  	_ =	sdelay $0x3  }
0x1ad: {  	s0 =	smul.u32 $0x1F40, s31;
	_ =	sdelay $0x1  }
0x1ae: {  	s0 =	sshrl.u32 s0, $0x3  }
.Ltmp7:
0x1af: {  	s0 =	sadd.s32 $0x5DC, s0;
	(pc) =	sbr.rel .LBB2_6-.Ltmp7, $4  }
0x1b0: {  	s1 =	sadd.s32 s4, s0  }
0x1b1: {  	[tilespmem:s16], [sflag:$0x2] =	stream.linear.gather [hbm4b:s1+s3], $0xFA0, $0x38;
	[tilespmem:$0x18B80] =	vst v63  }
0x1b2: {  	s31 =	sadd.s32 $0x1, s31;
	s0 =	sadd.s32 s5, s0  }
0x1b3: {  	[tilespmem:s17], [sflag:$0x2] =	stream.linear.gather [hbm4b:s0+s3], $0xFA0, $0x38;
	[tilespmem:$0x18B80] =	vst v63  }
.LBB2_16:
0x1b4: {  	vm0 =	vlt.s32 v6, $0x4000  }
0x1b5: {  	v6 =	vnsel vm0, $0x4000, v6  }
0x1b6: {  	(v2sf) =	vpush v6, $0x0;
	_ =	sdelay $0xe  }
0x1b7: {  	s0 =	spop (v2sf)  }
0x1b8: {  	s0 =	sadd.s32 $0xF, s0  }
0x1b9: {  	s1 =	sand.u32 $0xF, s0  }
0x1ba: {  	s31 =	sshra.s32 s0, $0x1F;
	p1 =	slt.s32 s0, $0x1;
	p0 =	sne.s32 s1, $0x0  }
0x1bb: {  	s1 =	sshrl.u32 s31, $0x1C;
	p0 =	por !p1, !p0  }
0x1bc: {  	s0 =	sadd.s32 s1, s0;
	s1 =	simm.s32 $0x1;
	p0 =	por !p0, !p0  }
0x1bd: {  	s0 =	sshra.s32 s0, $0x4;
	s1 =	simm.s32 @!p0 $0x0  }
0x1be: {  	s14 =	ssub.s32 s0, s1  }
0x1bf: {  	p0 =	slt.s32 s14, $0x1  }
.Ltmp8:
0x1c0: {  	_ = 	snop;
	(pc) =	sbr.rel @p0 .LBB2_20-.Ltmp8, $1  }
0x1c1: {  	_ =	sdelay $0x3  }
0x1c2: {  	s0 =	simm.s32 $0x6780  }
0x1c3: {  	v7 =	vld [tilespmem:s0+$0x0];
	_ =	sdelay $0x1  }
0x1c4: {  	v6 =	vbroadcast v6, $0x0;
	s1 =	simm.s32 $0x0  }
0x1c5: {  	v8 =	vor.u32 s1, v4  }
0x1c6: {  	vm0 =	vlt.s32 v8, v6  }
0x1c7: {  	(xrf1) =	vunique.msk.u32 vm0, v7;
	_ =	sdelay $0x9  }
0x1c8: {  	v8 =	vld.idx.msk [tilespmem:v7+s22+$0x0], vm0  }
0x1c9: {  	s2 =	simm.s32 $0xA800  }
0x1ca: {  	v9 =	vld [tilespmem:s2+$0x0];
	_ =	sdelay $0x1  }
0x1cb: {  	_, v10, _ =	vpop (xrf1)  }
0x1cc: {  	v8 =	vadd.s32 v8, v10  }
0x1cd: {  	v8 =	vadd.s32 $0xFFFFFFFF, v8  }
0x1ce: {  	vm1 =	vlt.s32 v8, $0x40  }
0x1cf: {  	v10 =	vshll.u32 v7, $0x6;
	vm1 =	vmand vm0, vm1  }
0x1d0: {  	v10 =	vadd.s32 v10, v8  }
0x1d1: {  	v8 =	vld.idx.msk [tilespmem:v9+s3+$0x0], vm0  }
0x1d2: {  	p0 =	sne.s32 s14, $0x1  }
.Ltmp9:
0x1d3: {  	_ = 	snop;
	(pc) =	sbr.rel @!p0 .LBB2_19-.Ltmp9, $4  }
0x1d4: {  	_ = 	snop  }
0x1d5: {  	[tilespmem:v10+s23+$0x0] =	vst.idx.msk vm1, v9  }
0x1d6: {  	[tilespmem:v10+s24+$0x0] =	vst.idx.msk vm1, v8  }
0x1d7: {  	s14 =	sadd.s32 $0xFFFFFFFF, s14;
	[tilespmem:v7+s22+$0x0] =	vst.idx.add.s32.msk vm0, v5  }
.LBB2_18:
0x1d8: {  	[tilespmem:v7+s25+$0x0] =	vst.idx.add.f32.msk vm0, v8;
	s0 =	sadd.s32 $0x10, s0;
	s2 =	sadd.s32 $0x10, s2;
	s1 =	sadd.s32 $0x10, s1  }
0x1d9: {  	p0 =	sne.s32 s14, $0x1;
	s14 =	sadd.s32 $0xFFFFFFFF, s14;
	v7 =	vld [tilespmem:s0+$0x0];
	_ =	sdelay $0x2  }
0x1da: {  	v8 =	vor.u32 s1, v4  }
0x1db: {  	vm0 =	vlt.s32 v8, v6  }
0x1dc: {  	(xrf1) =	vunique.msk.u32 vm0, v7;
	_ =	sdelay $0x8  }
0x1dd: {  	v8 =	vld.idx.msk [tilespmem:v7+s22+$0x0], vm0;
	_ =	sdelay $0x1  }
0x1de: {  	v9 =	vld [tilespmem:s2+$0x0];
	_ =	sdelay $0x2  }
0x1df: {  	_, v10, _ =	vpop (xrf1)  }
0x1e0: {  	v8 =	vadd.s32 v8, v10  }
0x1e1: {  	v10 =	vadd.s32 $0xFFFFFFFF, v8  }
0x1e2: {  	vm1 =	vlt.s32 v10, $0x40  }
0x1e3: {  	v11 =	vshll.u32 v7, $0x6;
	vm1 =	vmand vm0, vm1  }
0x1e4: {  	v10 =	vadd.s32 v11, v10;
	v8 =	vld.idx.msk [tilespmem:v9+s3+$0x0], vm0;
	_ =	sdelay $0x2  }
.Ltmp10:
0x1e5: {  	(pc) =	sbr.rel @p0 .LBB2_18-.Ltmp10, $4  }
0x1e6: {  	_ = 	snop  }
0x1e7: {  	[tilespmem:v10+s23+$0x0] =	vst.idx.msk vm1, v9  }
0x1e8: {  	[tilespmem:v10+s24+$0x0] =	vst.idx.msk vm1, v8  }
0x1e9: {  	[tilespmem:v7+s22+$0x0] =	vst.idx.add.s32.msk vm0, v5  }
.LBB2_19:
0x1ea: {  	_ =	sdelay $0x4  }
0x1eb: {  	[tilespmem:v7+s25+$0x0] =	vst.idx.add.f32.msk vm0, v8  }
.LBB2_20:
0x1ec: {  	s0 =	simm.s32 $0x0  }
0x1ed: {  	s1 =	simm.s32 $0x18880;
	s2 =	simm.s32 $0x18A00;
	s14 =	smov.u32 s12  }
.LBB2_21:
0x1ee: {  	v6 =	vld [tilespmem:s1+$0x0];
	_ =	sdelay $0x2  }
0x1ef: {  	v7 =	vor.u32 s0, v4  }
0x1f0: {  	v8 =	vadd.s32 v0, v7  }
0x1f1: {  	vm0 =	vlt.u32 v7, $0x139;
	vm1 =	vlt.u32 v8, $0x2710;
	vm2 =	vlt.s32 v6, $0x3F  }
0x1f2: {  	v7 =	vshll.u32 v7, $0x6;
	vm0 =	vmand vm0, vm1;
	v6 =	vnsel vm2, $0x3F, v6  }
0x1f3: {  	v6 =	vadd.s32 v7, v6  }
0x1f4: {  	v7 =	vld [tilespmem:s14+$0x0];
	_ =	sdelay $0x1  }
0x1f5: {  	vm15 =	vlt.s32 v8, $0x270F  }
0x1f6: {  	v8 =	vnsel vm15, $0x270F, v8  }
0x1f7: {  	[tilespmem:v6+s23+$0x0] =	vst.idx.msk vm0, v8  }
0x1f8: {  	[tilespmem:v6+s24+$0x0] =	vst.idx.msk vm0, v7  }
0x1f9: {  	v6 =	vld [tilespmem:s2+$0x0];
	_ =	sdelay $0x3  }
0x1fa: {  	p0 =	sne.s32 s0, $0x130  }
.Ltmp11:
0x1fb: {  	v6 =	vadd.f32 v6, v7;
	(pc) =	sbr.rel @p0 .LBB2_21-.Ltmp11, $4  }
0x1fc: {  	_ = 	snop  }
0x1fd: {  	v6 =	vmul.f32 v6, v7  }
0x1fe: {  	s1 =	sadd.s32 $0x10, s1  }
0x1ff: {  	s0 =	sadd.s32 $0x10, s0;
	s14 =	sadd.s32 $0x10, s14;
	[tilespmem:s2+$0x0] =	vst v6;
	s2 =	sadd.s32 $0x10, s2  }
0x200: {  	s0 =	simm.s32 $0x60  }
0x201: {  	s7 =	simm.s32 $0x0;
	v6 =	vmov s0  }
0x202: {  	v7 =	vmov s7;
	v6 =	vshrl.u32 v6, $0x6  }
0x203: {  	v7 =	vshrl.u32 v7, $0x6;
	v6 =	vadd.s32 v0, v6  }
0x204: {  	s0 =	simm.s32 $0x138C0;
	v7 =	vadd.s32 v0, v7;
	v6 =	vbroadcast v6, $0x0  }
0x205: {  	s8 =	simm.s32 $0x40;
	v11 =	vld [tilespmem:s0+$0x20];
	v7 =	vbroadcast v7, $0x0  }
0x206: {  	s1 =	simm.s32 $0x70;
	v8 =	vmov s8;
	v17 =	vld [tilespmem:s0+$0xFFFFFFC0]  }
0x207: {  	s14 =	simm.s32 $0x50;
	v10 =	vmov s1;
	v8 =	vshrl.u32 v8, $0x6;
	v18 =	vld [tilespmem:s0+$0xFFFFFFD0]  }
0x208: {  	v9 =	vmov s14;
	v10 =	vshrl.u32 v10, $0x6;
	v19 =	vld [tilespmem:s0+$0xFFFFFFE0];
	v8 =	vadd.s32 v0, v8  }
0x209: {  	v9 =	vshrl.u32 v9, $0x6;
	v21 =	vld [tilespmem:s0+$0xFFFFFFF0];
	v10 =	vadd.s32 v0, v10;
	v8 =	vbroadcast v8, $0x0  }
0x20a: {  	v9 =	vadd.s32 v0, v9;
	v10 =	vbroadcast v10, $0x0;
	v6 =	vld.idx.msk [tilespmem:v6+s3+$0x0], $0xffff  }
0x20b: {  	s15 =	simm.s32 $0xE0;
	v9 =	vbroadcast v9, $0x0;
	v12 =	vld.idx.msk [tilespmem:v7+s3+$0x0], $0xffff  }
0x20c: {  	v15 =	vmov s15;
	v13 =	vld.idx.msk [tilespmem:v7+s3+$0x0], $0xffff  }
0x20d: {  	v15 =	vshrl.u32 v15, $0x6;
	v14 =	vld.idx.msk [tilespmem:v7+s3+$0x0], $0xffff  }
0x20e: {  	v15 =	vadd.s32 v0, v15;
	v7 =	vld.idx.msk [tilespmem:v7+s3+$0x0], $0xffff  }
0x20f: {  	s28 =	simm.s32 $0x80;
	v15 =	vbroadcast v15, $0x0;
	v8 =	vld.idx.msk [tilespmem:v8+s3+$0x0], $0xffff  }
0x210: {  	v16 =	vld.idx.msk [tilespmem:v10+s3+$0x0], $0xffff;
	v10 =	vmov s28  }
0x211: {  	v9 =	vld.idx.msk [tilespmem:v9+s3+$0x0], $0xffff;
	v10 =	vshrl.u32 v10, $0x6;
	v6 =	vmul.f32 v11, v6  }
0x212: {  	v10 =	vadd.s32 v0, v10;
	v11 =	vld [tilespmem:s0+$0x0];
	v12 =	vmul.f32 v17, v12  }
0x213: {  	s2 =	simm.s32 $0xC0;
	s31 =	simm.s32 $0xD0;
	v20 =	vbroadcast v10, $0x0;
	v17 =	vld [tilespmem:s0+$0x10];
	[tilespmem:s0+$0x20] =	vst v6;
	v6 =	vmul.f32 v18, v13  }
0x214: {  	v13 =	vmov s2;
	[tilespmem:s0+$0xFFFFFFC0] =	vst v12;
	v12 =	vmul.f32 v19, v14;
	v14 =	vmov s31  }
0x215: {  	s29 =	simm.s32 $0xF0;
	v10 =	vld.idx.msk [tilespmem:v15+s3+$0x0], $0xffff;
	v63 =	vmul.f32 v21, v7;
	v15 =	vshrl.u32 v13, $0x6;
	v7 =	vshrl.u32 v14, $0x6  }
0x216: {  	v22 =	vmov s29;
	v62 =	vld [tilespmem:s0+$0x30];
	v14 =	vadd.s32 v0, v15;
	[tilespmem:s0+$0xFFFFFFE0] =	vst v12;
	v12 =	vadd.s32 v0, v7  }
0x217: {  	s1 =	simm.s32 $0x13940;
	v11 =	vmul.f32 v11, v8;
	v8 =	vshrl.u32 v22, $0x6;
	v14 =	vbroadcast v14, $0x0  }
0x218: {  	v13 =	vld [tilespmem:s1+$0x20];
	[tilespmem:s0+$0xFFFFFFD0] =	vst v6;
	v17 =	vmul.f32 v17, v9;
	v12 =	vbroadcast v12, $0x0;
	v9 =	vadd.s32 v0, v8  }
0x219: {  	v6 =	vld.idx.msk [tilespmem:v20+s3+$0x0], $0xffff;
	[tilespmem:s0+$0x0] =	vst v11;
	v11 =	vbroadcast v9, $0x0  }
0x21a: {  	v7 =	vld.idx.msk [tilespmem:v20+s3+$0x0], $0xffff  }
0x21b: {  	[tilespmem:s0+$0xFFFFFFF0] =	vst v63;
	v15 =	vmul.f32 v62, v16;
	v8 =	vld.idx.msk [tilespmem:v20+s3+$0x0], $0xffff  }
0x21c: {  	s14 =	simm.s32 $0x170;
	s2 =	simm.s32 $0x8;
	v9 =	vld.idx.msk [tilespmem:v20+s3+$0x0], $0xffff;
	[tilespmem:s0+$0x10] =	vst v17  }
.LBB2_23:
0x21d: {  	s6 =	sadd.s32 $0xFFFFFFD0, s14;
	s7 =	sadd.s32 $0xFFFFFFF0, s14;
	v16 =	vmov s14;
	s2 =	sadd.s32 $0x8, s2;
	v17 =	vld.idx.msk [tilespmem:v14+s3+$0x0], $0xffff;
	v10 =	vmul.f32 v13, v10;
	[tilespmem:s0+$0x30] =	vst v15  }
0x21e: {  	s0 =	sadd.s32 $0xFFFFFF90, s14;
	v13 =	vmov s6;
	s6 =	sadd.s32 $0xFFFFFFE0, s14;
	v14 =	vmov s7;
	v15 =	vshrl.u32 v16, $0x6;
	p0 =	slt.u32 s2, $0x4D8;
	v16 =	vld.idx.msk [tilespmem:v12+s3+$0x0], $0xffff  }
0x21f: {  	v12 =	vmov s0;
	s0 =	smov.u32 s1;
	v18 =	vmov s6;
	v14 =	vshrl.u32 v14, $0x6;
	[tilespmem:s1+$0x20] =	vst v10;
	v19 =	vld.idx.msk [tilespmem:v11+s3+$0x0], $0xffff  }
0x220: {  	v10 =	vshrl.u32 v12, $0x6;
	v11 =	vshrl.u32 v13, $0x6;
	v12 =	vadd.s32 v0, v14;
	v13 =	vld [tilespmem:s1+$0xFFFFFFC0]  }
0x221: {  	v10 =	vadd.s32 v0, v10;
	v14 =	vshrl.u32 v18, $0x6;
	v18 =	vbroadcast v12, $0x0;
	v20 =	vld [tilespmem:s1+$0xFFFFFFD0]  }
0x222: {  	v15 =	vadd.s32 v0, v15;
	v11 =	vadd.s32 v0, v11;
	v12 =	vadd.s32 v0, v14;
	v21 =	vld [tilespmem:s1+$0xFFFFFFE0]  }
0x223: {  	v22 =	vbroadcast v10, $0x0;
	v14 =	vbroadcast v11, $0x0;
	v23 =	vld [tilespmem:s1+$0xFFFFFFF0]  }
0x224: {  	v11 =	vbroadcast v15, $0x0;
	v12 =	vbroadcast v12, $0x0;
	v15 =	vld [tilespmem:s1+$0x0]  }
0x225: {  	v6 =	vmul.f32 v13, v6;
	v24 =	vld [tilespmem:s1+$0x10]  }
0x226: {  	v7 =	vmul.f32 v20, v7;
	v20 =	vld [tilespmem:s1+$0x30]  }
0x227: {  	s1 =	sadd.s32 $0x80, s1;
	v10 =	vld.idx.msk [tilespmem:v18+s3+$0x0], $0xffff;
	[tilespmem:s0+$0xFFFFFFC0] =	vst v6;
	v8 =	vmul.f32 v21, v8  }
.Ltmp12:
0x228: {  	v13 =	vld [tilespmem:s1+$0x20];
	[tilespmem:s0+$0xFFFFFFD0] =	vst v7;
	v9 =	vmul.f32 v23, v9;
	(pc) =	sbr.rel @p0 .LBB2_23-.Ltmp12, $4  }
0x229: {  	v6 =	vld.idx.msk [tilespmem:v22+s3+$0x0], $0xffff;
	[tilespmem:s0+$0xFFFFFFE0] =	vst v8;
	v15 =	vmul.f32 v15, v17  }
0x22a: {  	v7 =	vld.idx.msk [tilespmem:v22+s3+$0x0], $0xffff;
	[tilespmem:s0+$0xFFFFFFF0] =	vst v9;
	v16 =	vmul.f32 v24, v16  }
0x22b: {  	v8 =	vld.idx.msk [tilespmem:v22+s3+$0x0], $0xffff;
	[tilespmem:s0+$0x0] =	vst v15;
	v15 =	vmul.f32 v20, v19  }
0x22c: {  	s14 =	sadd.s32 $0x80, s14;
	v9 =	vld.idx.msk [tilespmem:v22+s3+$0x0], $0xffff;
	[tilespmem:s0+$0x10] =	vst v16  }
0x22d: {  	_ =	sdelay $0x3  }
0x22e: {  	v14 =	vld.idx.msk [tilespmem:v14+s3+$0x0], $0xffff  }
0x22f: {  	v12 =	vld.idx.msk [tilespmem:v12+s3+$0x0], $0xffff  }
0x230: {  	v11 =	vld.idx.msk [tilespmem:v11+s3+$0x0], $0xffff  }
0x231: {  	v16 =	vld [tilespmem:s1+$0xFFFFFFC0]  }
0x232: {  	v17 =	vld [tilespmem:s1+$0xFFFFFFD0]  }
0x233: {  	v18 =	vld [tilespmem:s1+$0xFFFFFFE0]  }
0x234: {  	v19 =	vld [tilespmem:s1+$0xFFFFFFF0]  }
0x235: {  	v10 =	vmul.f32 v13, v10;
	v61 =	vld [tilespmem:s1+$0x0]  }
0x236: {  	[tilespmem:s0+$0x30] =	vst v15;
	v62 =	vld [tilespmem:s1+$0x10];
	v6 =	vmul.f32 v16, v6  }
0x237: {  	v63 =	vld [tilespmem:s1+$0x30];
	[tilespmem:s1+$0x20] =	vst v10;
	v7 =	vmul.f32 v17, v7  }
0x238: {  	[tilespmem:s1+$0xFFFFFFC0] =	vst v6;
	v6 =	vmul.f32 v18, v8  }
0x239: {  	[tilespmem:s1+$0xFFFFFFD0] =	vst v7;
	v7 =	vmul.f32 v19, v9  }
0x23a: {  	[tilespmem:s1+$0xFFFFFFE0] =	vst v6;
	v6 =	vmul.f32 v61, v14  }
0x23b: {  	[tilespmem:s1+$0xFFFFFFF0] =	vst v7;
	v7 =	vmul.f32 v62, v12  }
0x23c: {  	[tilespmem:s1+$0x0] =	vst v6;
	v6 =	vmul.f32 v63, v11  }
0x23d: {  	[tilespmem:s1+$0x10] =	vst v7  }
0x23e: {  	s0 =	simm.s32 $0x4E00;
	s2 =	simm.s32 $0x18680;
	[tilespmem:s1+$0x30] =	vst v6  }
.LBB2_25:
0x23f: {  	v6 =	vmov s0  }
0x240: {  	v6 =	vshrl.u32 v6, $0x6  }
0x241: {  	v6 =	vadd.s32 v0, v6  }
0x242: {  	v6 =	vbroadcast v6, $0x0;
	_ =	sdelay $0x4  }
0x243: {  	v7 =	vld [tilespmem:s2+$0x0]  }
0x244: {  	v6 =	vld.idx.msk [tilespmem:v6+s3+$0x0], $0xffff;
	_ =	sdelay $0x1  }
0x245: {  	p0 =	sne.s32 s0, $0x4E30  }
.Ltmp13:
0x246: {  	_ = 	snop;
	(pc) =	sbr.rel @p0 .LBB2_25-.Ltmp13, $3  }
0x247: {  	_ = 	snop  }
0x248: {  	v6 =	vmul.f32 v7, v6;
	_ =	sdelay $0x1  }
0x249: {  	s0 =	sadd.s32 $0x10, s0;
	[tilespmem:s2+$0x0] =	vst v6;
	s2 =	sadd.s32 $0x10, s2  }
0x24a: {  	s0 =	rddreg [dreg:$0x5]  }
0x24b: {  	[hbm4b:s0+s3] =	stream.linear.scatter [tilespmem:s23], [sflag:$0x4], $0x4E40, $0x38;
	[tilespmem:$0x18B80] =	vst v63  }
0x24c: {  	_ =	swait.ge [sflag:s26], $0x4E40  }
0x24d: {  	[sflag:s26] =	ssyncset.done $0x0  }
0x24e: {  	[sflag:s26] =	ssyncadd.s32 $0xFFFFB1C0  }
0x24f: {  	[hbm4b:s9+s3] =	stream.linear.scatter [tilespmem:s24], [sflag:$0x4], $0x4E40, $0x38;
	[tilespmem:$0x18B80] =	vst v63  }
0x250: {  	s30 =	sadd.s32 $0x1, s30;
	_ =	swait.ge [sflag:s26], $0x4E40  }
0x251: {  	s31 =	simm.s32 $0x80;
	p0 =	sne.s32 s30, s11;
	[sflag:s26] =	ssyncset.done $0x0  }
.Ltmp14:
0x252: {  	s1 =	simm.s32 $0x400;
	[sflag:s26] =	ssyncadd.s32 $0xFFFFB1C0;
	(pc) =	sbr.rel @p0 .LBB2_1-.Ltmp14, $4  }
0x253: {  	[hbm4b:s10+s31] =	stream.strided.scatter [tilespmem:s25], [sflag:$0x4], $0x180, s1, s31, $0x38;
	[tilespmem:$0x18B80] =	vst v63  }
0x254: {  	_ =	swait.ge [sflag:s26], $0x180  }
0x255: {  	[sflag:s26] =	ssyncset.done $0x0  }
0x256: {  	[sflag:s26] =	ssyncadd.s32 $0xFFFFFE80  }
0x257: {  	_ =	sfence.sel $0x180000  }
0x258: {  	[bflag:$0x0] =	sbarrier.arrive $0xFFFF  }
0x259: {  	_ =	strace $0x9000004A  }
0x25a: {  	s0 =	stileid.u32;
	[bflag:$0x2] =	sbarrier.arrive $0xFFFF  }
0x25b: {  	p0 =	sne.s32 s0, $0x0;
	s0 =	rddreg [dreg:$0x2]  }
0x25c: {  	s0 =	sadd.s32 @!p0 $0x100000, s0  }
0x25d: {  	[sflag:s0] =	ssyncadd.tile.s32 @!p0 $0x1;
	_ =	shalt  }
.Lfunc_end2:
_tile_overlayer_lowered:
.L_overlay_start_2:
0x25e: {  	(tag) =	ssettag $0x2  }
0x25f: {  	s0 =	rddreg [dreg:$0x0];
	s2 =	stileid.u32  }
0x260: {  	s1 =	rddreg [dreg:$0x1];
	p0 =	sne.s32 s2, $0x0  }
0x261: {  	s3 =	rddreg [dreg:$0x2];
	[bflag:$0x3] =	sbarrier.arrive $0xFFFF;
	s2 =	simm.s32 @!p0 $0x1C04  }
0x262: {  	[timem:s3], [sflag:s2] =	dma.local @!p0 [hbm:s0], s1  }
0x263: {  	s0 =	simm.s32 @!p0 $0x4  }
0x264: {  	_ =	swait.ge @!p0 [sflag:s0], s1  }
0x265: {  	s1 =	ssub.s32 @!p0 $0x0, s1;
	[sflag:s0] =	ssyncset.done @!p0 $0x0  }
0x266: {  	[sflag:s0] =	ssyncadd.s32 @!p0 s1  }
0x267: {  	[bflag:$0x3] =	sbarrier.arrive $0xFFFF  }
0x268: {  	_ =	shalt  }

// kernel: kernel.15.cloned.1.call-start
scs
__scs_entry_jumppad:
0x0: {  	(pc) =	sbr.rel $0x88, $3  }
0x1: {  	(tag) =	ssettag $0x0;
	lr =	simm.s32 $0x1  }
0x2: {  	[smem:$0x3F9D] =	sst lr;
	_ =	strace $0xD0000000  }
0x3: {  	_ = 	snop  }
0x4: {  	_ = 	snop  }
0x5: {  	_ = 	snop  }
0x6: {  	_ = 	snop  }
0x7: {  	_ = 	snop  }
__scs_overlays_trampoline_lowered:
0x8: {  	[smem:$0x3FAC] =	sst s0  }
0x9: {  	[smem:$0x3FAD] =	sst s1  }
0xa: {  	[smem:$0x3FAE] =	sst s2  }
0xb: {  	[smem:$0x3FAF] =	sst s3  }
0xc: {  	[smem:$0x3FB0] =	sst s4  }
0xd: {  	[smem:$0x3FB1] =	sst s5  }
0xe: {  	[smem:$0x3FB2] =	sst s6  }
0xf: {  	[smem:$0x3FB3] =	sst s7  }
0x10: {  	[smem:$0x3FB4] =	sst s8  }
0x11: {  	[smem:$0x3FB5] =	sst s9;
	s0 =	simm.s32 @!p0 $0x0  }
0x12: {  	s1 =	sld [smem:$0x3F9B];
	s0 =	simm.s32 @p0 $0x1  }
0x13: {  	[smem:$0x3FB6] =	sst s0;
	s0 =	simm.s32 @!p1 $0x0  }
0x14: {  	s2 =	sld [smem:$0x3F9A];
	s0 =	simm.s32 @p1 $0x1  }
0x15: {  	[smem:$0x3FB7] =	sst s0;
	s0 =	simm.s32 @!p2 $0x0  }
0x16: {  	s3 =	sld [smem:$0x3FDB];
	s0 =	simm.s32 @p2 $0x1  }
0x17: {  	s4 =	simm.s32 $0x1BF5;
	[smem:$0x3FB9] =	sst s0  }
0x18: {  	s0 =	sld [smem:$0x3F9C];
	_ =	swait.ge [sflag:s4], $0x0  }
0x19: {  	s7 =	sld [smem:$0x3F9D]  }
0x1a: {  	s8 =	sadd.s32 $0xFFFFE003, lr  }
0x1b: {  	s9 =	sadd.s32 $0xFFFFFEF7, lr;
	s5 =	simm.s32 $0xFFFFFFFF;
	p2 =	slt.u32 s8, $0xFFFFF086  }
0x1c: {  	p1 =	slt.u32 s9, $0xF7A;
	s5 =	simm.s32 @!p2 $0x0  }
0x1d: {  	s5 =	simm.s32 @p1 $0x1;
	p0 =	seq.s32 s7, s2  }
0x1e: {  	s7 =	smul.u32 @!p0 $0xF7A, s2;
	p2 =	seq.s32 @!p0 s5, $0x0  }
0x1f: {  	s9 =	smul.u32 $0xF7A, s1;
	s8 =	simm.s32 @!p0 $0x1BF5;
	p2 =	por !p2, p0  }
0x20: {  	[sflag:s8] =	ssyncset.s32 @!p0 $0xFFFFF086;
	s6 =	sadd.s32 @!p0 s3, s7;
	s7 =	simm.s32 @!p0 $0x108  }
0x21: {  	s3 =	sadd.s32 s3, s9;
	s6 =	sadd.s32 @!p0 $0x88, s6;
	s7 =	simm.s32 @p2 $0x1082  }
0x22: {  	[simem:s7], [sflag:s8] =	dma.local @!p0 [hbm:s6], $0xF7A  }
0x23: {  	s9 =	sor.u32 $0xD0000000, s2;
	s6 =	simm.s32 $0x108;
	_ =	swait.ge @!p0 [sflag:s8], $0x0  }
0x24: {  	s3 =	sadd.s32 $0x88, s3;
	s6 =	simm.s32 @!p1 $0x1082;
	[sflag:s4] =	ssyncset.s32 $0xFFFFF086  }
0x25: {  	[simem:s6], [sflag:s4] =	dma.local [hbm:s3], $0xF7A  }
0x26: {  	[smem:$0x3F9D] =	sst s1;
	(tag) =	ssettag s2;
	_ =	strace s9  }
0x27: {  	s1 =	sld [smem:$0x3FAD]  }
0x28: {  	s2 =	sld [smem:$0x3FAE]  }
0x29: {  	s4 =	sld [smem:$0x3FB0]  }
0x2a: {  	p0 =	seq.s32 s5, $0x0;
	s5 =	sld [smem:$0x3FB1]  }
0x2b: {  	s6 =	sld [smem:$0x3FB2]  }
0x2c: {  	s7 =	sld [smem:$0x3FB3]  }
0x2d: {  	s3 =	simm.s32 $0x108;
	s8 =	sld [smem:$0x3FB4]  }
0x2e: {  	s3 =	simm.s32 @!p0 $0x1082;
	s9 =	sld [smem:$0x3FB5]  }
0x2f: {  	lr =	sadd.s32 s0, s3;
	s0 =	sld [smem:$0x3FAC]  }
0x30: {  	s3 =	sld [smem:$0x3FAF]  }
0x31: {  	[smem:$0x3FB8] =	sst s10  }
0x32: {  	s10 =	sld [smem:$0x3FB6];
	_ =	sdelay $0x3  }
0x33: {  	p0 =	seq.s32 s10, $0x1;
	s10 =	sld [smem:$0x3FB8];
	_ =	sdelay $0x3  }
0x34: {  	[smem:$0x3FB8] =	sst s10  }
0x35: {  	s10 =	sld [smem:$0x3FB7];
	_ =	sdelay $0x3  }
0x36: {  	p1 =	seq.s32 s10, $0x1;
	s10 =	sld [smem:$0x3FB8];
	_ =	sdelay $0x3  }
0x37: {  	[smem:$0x3FB8] =	sst s10  }
0x38: {  	s10 =	sld [smem:$0x3FB9]  }
0x39: {  	_ = 	snop;
	(pc) =	sbr.ind lr, $3  }
0x3a: {  	_ = 	snop  }
0x3b: {  	_ = 	snop  }
0x3c: {  	p2 =	seq.s32 s10, $0x1;
	s10 =	sld [smem:$0x3FB8]  }
0x3d: {  	_ =	shalt  }
0x3e: {  	_ =	shalt  }
0x3f: {  	_ =	shalt  }
0x40: {  	_ =	shalt  }
0x41: {  	_ =	shalt  }
0x42: {  	_ =	shalt  }
0x43: {  	_ =	shalt  }
0x44: {  	_ =	shalt  }
0x45: {  	_ =	shalt  }
0x46: {  	_ =	shalt  }
0x47: {  	_ =	shalt  }
0x48: {  	_ =	shalt  }
0x49: {  	_ =	shalt  }
0x4a: {  	_ =	shalt  }
0x4b: {  	_ =	shalt  }
0x4c: {  	_ =	shalt  }
0x4d: {  	_ =	shalt  }
0x4e: {  	_ =	shalt  }
0x4f: {  	_ =	shalt  }
0x50: {  	_ =	shalt  }
0x51: {  	_ =	shalt  }
0x52: {  	_ =	shalt  }
0x53: {  	_ =	shalt  }
0x54: {  	_ =	shalt  }
0x55: {  	_ =	shalt  }
0x56: {  	_ =	shalt  }
0x57: {  	_ =	shalt  }
0x58: {  	_ =	shalt  }
0x59: {  	_ =	shalt  }
0x5a: {  	_ =	shalt  }
0x5b: {  	_ =	shalt  }
0x5c: {  	_ =	shalt  }
0x5d: {  	_ =	shalt  }
0x5e: {  	_ =	shalt  }
0x5f: {  	_ =	shalt  }
0x60: {  	_ =	shalt  }
0x61: {  	_ =	shalt  }
0x62: {  	_ =	shalt  }
0x63: {  	_ =	shalt  }
0x64: {  	_ =	shalt  }
0x65: {  	_ =	shalt  }
0x66: {  	_ =	shalt  }
0x67: {  	_ =	shalt  }
0x68: {  	_ =	shalt  }
0x69: {  	_ =	shalt  }
0x6a: {  	_ =	shalt  }
0x6b: {  	_ =	shalt  }
0x6c: {  	_ =	shalt  }
0x6d: {  	_ =	shalt  }
0x6e: {  	_ =	shalt  }
0x6f: {  	_ =	shalt  }
0x70: {  	_ =	shalt  }
0x71: {  	_ =	shalt  }
0x72: {  	_ =	shalt  }
0x73: {  	_ =	shalt  }
0x74: {  	_ =	shalt  }
0x75: {  	_ =	shalt  }
0x76: {  	_ =	shalt  }
0x77: {  	_ =	shalt  }
0x78: {  	_ =	shalt  }
0x79: {  	_ =	shalt  }
0x7a: {  	_ =	shalt  }
0x7b: {  	_ =	shalt  }
0x7c: {  	_ =	shalt  }
0x7d: {  	_ =	shalt  }
0x7e: {  	_ =	shalt  }
0x7f: {  	_ =	shalt  }
0x80: {  	_ =	shalt  }
0x81: {  	_ =	shalt  }
0x82: {  	_ =	shalt  }
0x83: {  	_ =	shalt  }
0x84: {  	_ =	shalt  }
0x85: {  	_ =	shalt  }
0x86: {  	_ =	shalt  }
0x87: {  	_ =	shalt  }
.Lfunc_end0:
.L_simem_size_0:
called_computation.2_lowered:
.L_overlay_start_0:
0x88: {  	s2 =	sld [smem:$0x3FD9]  }
0x89: {  	s3 =	sld [smem:$0x3FFE];
	_ =	sdelay $0x1  }
0x8a: {  	s1 =	srdreg.scid  }
0x8b: {  	s0 =	sand.u32 $0x1, s1  }
0x8c: {  	s17 =	sshll.u32 s0, $0xA;
	s2 =	sadd.s32 s3, s2  }
0x8d: {  	s2 =	sadd.s32 s2, s17  }
0x8e: {  	[smem:$0x3FC4] =	sst s2  }
0x8f: {  	_ = 	snop  }
0x90: {  	s2 =	sld [smem:$0x3FD0];
	(tm) =	ssettm $0x1  }
0x91: {  	s18 =	sld [smem:$0x3FFB];
	_ =	sdelay $0x3  }
0x92: {  	_ =	strace s18  }
0x93: {  	s3 =	sld [smem:$0x3FFC];
	_ =	sdelay $0x3  }
0x94: {  	_ =	strace s3  }
0x95: {  	s3 =	sld [smem:$0x3FFD];
	_ =	sdelay $0x3  }
0x96: {  	_ =	strace s3  }
0x97: {  	_ =	strace $0x8FFFFFFF  }
0x98: {  	s19 =	sld [smem:$0x3FDB];
	_ =	sdelay $0x1  }
0x99: {  	s4 =	simm.s32 $_scs_section_size  }
0x9a: {  	s5 =	simm.s32 $_size__tile_overlayer_lowered;
	s6 =	simm.s32 $_tile_overlayer_lowered  }
0x9b: {  	s22 =	simm.s32 $0x1BFF;
	s21 =	sshll.u32 s6, $0x1;
	s3 =	sadd.s32 s4, s19  }
0x9c: {  	s7 =	simm.s32 $0x0;
	s20 =	sshll.u32 s5, $0x1;
	s5 =	sadd.s32 s21, s3  }
0x9d: {  	[timem:s7], [sflag:s22] =	dma.local [hbm:s5], s20  }
0x9e: {  	_ =	swait.ge [sflag:s22], s20  }
0x9f: {  	s4 =	ssub.s32 $0x0, s20;
	[sflag:s22] =	ssyncset.done $0x0  }
0xa0: {  	[sflag:s22] =	ssyncadd.s32 s4;
	_ =	sdelay $0x1  }
0xa1: {  	s23 =	simm.s32 $0x1B8B  }
0xa2: {  	_ =	swait.ge [sflag:s23], $0x1  }
0xa3: {  	[sflag:s23] =	ssyncset.done $0x0  }
0xa4: {  	s25 =	simm.s32 $0x1B8E;
	s24 =	sld [smem:$0x3FFE];
	[sflag:s23] =	ssyncadd.s32 $0xFFFFFFFF  }
0xa5: {  	s26 =	simm.s32 $execute0_lowered;
	[smem:$0x3FD2] =	sst s25  }
0xa6: {  	s5 =	sshll.u32 s26, $0x1;
	_ =	strace $0x8000004C;
	[dreg:$0x1] =	wrdreg $0xFFFFFFFF  }
0xa7: {  	s28 =	simm.s32 $_size_execute0_lowered;
	s3 =	sadd.s32 s3, s5;
	[dreg:$0x0] =	wrdreg $0x0  }
0xa8: {  	s5 =	sshll.u32 s28, $0x1;
	[dreg:$0x2] =	wrdreg s3  }
0xa9: {  	[dreg:$0x3] =	wrdreg s5  }
0xaa: {  	[dreg:$0x4] =	wrdreg $0xC0  }
0xab: {  	_ =	task [dreg:s7], $0x5FFFF  }
0xac: {  	[dreg:$0x1] =	wrdreg $0xFFFFFFFF  }
0xad: {  	[dreg:$0x0] =	wrdreg $0x60  }
0xae: {  	[dreg:$0x2] =	wrdreg s24  }
0xaf: {  	[dreg:$0x3] =	wrdreg s2  }
0xb0: {  	[dreg:$0x4] =	wrdreg $0x9  }
0xb1: {  	_ =	task.clear_ibuf [dreg:s7], $0x5FFFF;
	_ =	strace $0x9000004C  }
0xb2: {  	s29 =	simm.s32 $0x9;
	_ =	strace $0x8000004E  }
0xb3: {  	_ =	swait.ge [sflag:s29], $0x1  }
0xb4: {  	[sflag:s29] =	ssyncadd.s32 $0xFFFFFFFF  }
0xb5: {  	_ =	strace $0x9000004E  }
0xb6: {  	_ =	sfence  }
0xb7: {  	s30 =	sld [smem:$0x0];
	_ =	sdelay $0x2  }
0xb8: {  	s31 =	sshll.u32 s1, $0xD;
	s1 =	sshrl.u32 s1, $0x2  }
0xb9: {  	s3 =	sand.u32 $0x4000, s31;
	s1 =	sadd.s32 s1, s30  }
0xba: {  	s0 =	sor.u32 s3, s0;
	s1 =	sshll.u32 s1, $0x11  }
0xbb: {  	s0 =	sor.u32 s1, s0  }
0xbc: {  	s0 =	sadd.s32 $0x8F2B, s0  }
0xbd: {  	[sflag:s0] =	ssyncadd.remote.s32 $0x1  }
0xbe: {  	_ =	sfence.sel $0xFFFF  }
0xbf: {  	[dreg:$0x0] =	wrdreg $0xFFFFFFFF;
	(pc) =	sbr.abs _section_cstart, $3  }
0xc0: {  	[dreg:$0x1] =	wrdreg $0xFFFFFFFF  }
0xc1: {  	_ =	task.clear_ibuf [dreg:s7], $0x2FFFF;
	_ =	strace $0x9FFFFFFF  }
0xc2: {  	(tm) =	ssettm $0x7FFFFFFF  }
0xc3: {  	_ =	shalt  }
tec
execute0_lowered:
.L_overlay_start_1:
0x0: {  	(tag) =	ssettag $0x1  }
0x1: {  	s0 =	srdreg.scid;
	s4 =	rddreg [dreg:$0x0]  }
0x2: {  	s3 =	stileid.u32;
	s7 =	rddreg [dreg:$0x1];
	s2 =	simm.s32 $0x0  }
0x3: {  	s11 =	simm.s32 $0x9;
	s12 =	simm.s32 $0x80;
	s13 =	simm.s32 $0x4E80  }
0x4: {  	s14 =	simm.s32 $0x8E80;
	s15 =	simm.s32 $0x1;
	s16 =	simm.s32 $0xCE80  }
0x5: {  	s17 =	simm.s32 $0x2;
	s18 =	simm.s32 $0x10E80;
	s19 =	simm.s32 $0x3  }
0x6: {  	s20 =	simm.s32 $0x4;
	s28 =	simm.s32 $0xA;
	s29 =	simm.s32 $0x0  }
0x7: {  	s0 =	sand.u32 $0x1, s0;
	s1 =	sshll.u32 s3, $0x1;
	s6 =	smul.u32 $0x4E4000, s3  }
0x8: {  	s1 =	sor.u32 s0, s1;
	s8 =	ssub.s32 $0x2, s0;
	s0 =	smul.u32 $0x272000, s0  }
0x9: {  	[smem:$0x7FF] =	sst s2;
	s3 =	sadd.s32 $0x3CC00, s4;
	s5 =	smul.u32 $0x9C8, s1  }
0xa: {  	_ =	strace $0x8000004D;
	s1 =	smul.u32 $0x272000, s1;
	s21 =	sshrl.u32 s8, $0x1  }
0xb: {  	s8 =	ssub.s32 s8, s21;
	s9 =	sadd.s32 s0, s6;
	s21 =	simm.s32 $0x5  }
0xc: {  	s4 =	sadd.s32 s5, s4;
	s1 =	sshrl.u32 s1, $0x3;
	s24 =	sadd.s32 $0x4000, s9  }
0xd: {  	s25 =	smax.u32 s8, $0x1;
	s30 =	sadd.s32 $0xC000, s9;
	s31 =	sadd.s32 $0x8000, s9  }
0xe: {  	s9 =	sshrl.u32 s9, $0x3;
	s22 =	sadd.s32 $0x29200, s4;
	s23 =	sadd.s32 s7, s1  }
.Ltmp0:
0xf: {  	[dreg:$0x5] =	wrdreg s25;
	s26 =	sshrl.u32 s24, $0x3;
	(pc) =	sbr.rel .LBB2_1-.Ltmp0, $4  }
0x10: {  	s10 =	sshrl.u32 s30, $0x3;
	s8 =	sshrl.u32 s31, $0x3;
	s1 =	sadd.s32 s9, s7  }
0x11: {  	s24 =	simm.s32 $0x8;
	[dreg:$0x3] =	wrdreg s22;
	s0 =	sadd.s32 $0x4E000, s23  }
0x12: {  	s9 =	sadd.s32 s10, s7;
	s10 =	sadd.s32 s8, s7;
	s22 =	simm.s32 $0x6  }
0x13: {  	s23 =	simm.s32 $0x7;
	[dreg:$0x4] =	wrdreg s0;
	s0 =	sadd.s32 s26, s7  }
.LBB2_4:
0x14: {  	_ =	swait.ge [sflag:s21], $0x4000  }
0x15: {  	[sflag:s21] =	ssyncset.done $0x0  }
0x16: {  	[sflag:s21] =	ssyncadd.s32 $0xFFFFC000  }
0x17: {  	_ =	swait.ge [sflag:s22], $0x4000  }
0x18: {  	[sflag:s22] =	ssyncset.done $0x0  }
0x19: {  	[sflag:s22] =	ssyncadd.s32 $0xFFFFC000  }
0x1a: {  	_ =	swait.ge [sflag:s23], $0x4000  }
0x1b: {  	[sflag:s23] =	ssyncset.done $0x0  }
0x1c: {  	[sflag:s23] =	ssyncadd.s32 $0xFFFFC000  }
0x1d: {  	_ =	swait.ge [sflag:s24], $0x4000  }
0x1e: {  	[sflag:s24] =	ssyncset.done $0x0  }
0x1f: {  	s4 =	simm.s32 $0x40;
	s5 =	simm.s32 $0x4E00;
	[sflag:s24] =	ssyncadd.s32 $0xFFFFC000  }
0x20: {  	[tilespmem:s13], [sflag:$0x1] =	stream.indirect.gather [hbm4b:s3+s4], $0x80, s5, s4, $0xb8;
	[tilespmem:$0x14E80] =	vst v63  }
0x21: {  	_ =	swait.ge [sflag:s15], $0x2000  }
0x22: {  	[sflag:s15] =	ssyncset.done $0x0  }
0x23: {  	s30 =	rddreg [dreg:$0x4];
	[sflag:s15] =	ssyncadd.s32 $0xFFFFE000  }
0x24: {  	[hbm4b:s30+s2] =	stream.linear.scatter [tilespmem:s13], [sflag:$0xA], $0x2000, $0x38;
	[tilespmem:$0x14E80] =	vst v63  }
0x25: {  	_ =	swait.ge [sflag:s28], $0x2000  }
0x26: {  	s29 =	sadd.s32 $0x1, s29;
	s31 =	rddreg [dreg:$0x5]  }
0x27: {  	p0 =	sne.s32 s29, s31  }
.Ltmp1:
0x28: {  	_ = 	snop;
	(pc) =	sbr.rel @!p0 .LBB2_5-.Ltmp1, $3  }
0x29: {  	_ =	sdelay $0x1  }
0x2a: {  	[sflag:s28] =	ssyncset.done $0x0  }
0x2b: {  	[sflag:s28] =	ssyncadd.s32 $0xFFFFE000  }
.LBB2_1:
0x2c: {  	s4 =	rddreg [dreg:$0x3]  }
0x2d: {  	[tilespmem:s2], [sflag:$0x9] =	stream.linear.gather [hbm4b:s4+s2], $0x4E40, $0x38;
	[tilespmem:$0x14E80] =	vst v63  }
0x2e: {  	_ =	swait.ge [sflag:s11], $0x4E40  }
0x2f: {  	[sflag:s11] =	ssyncset.done $0x0  }
0x30: {  	s30 =	smov.u32 s10;
	s31 =	smov.u32 s9;
	[sflag:s11] =	ssyncadd.s32 $0xFFFFB1C0  }
0x31: {  	[tilespmem:s13], [sflag:$0x1] =	stream.indirect.gather [hbm4b:s3+s12], $0x80, s2, s12, $0xb8;
	[tilespmem:$0x14E80] =	vst v63  }
0x32: {  	s8 =	smov.u32 s1;
	s7 =	smov.u32 s0;
	s25 =	simm.s32 $0x0  }
0x33: {  	[tilespmem:s14], [sflag:$0x2] =	stream.indirect.gather [hbm4b:s3+s12], $0x80, s12, s12, $0xb8;
	[tilespmem:$0x14E80] =	vst v63  }
.LBB2_2:
0x34: {  	_ =	swait.ge [sflag:s15], $0x4000  }
0x35: {  	p0 =	seq.s32 s25, $0x0;
	[sflag:s15] =	ssyncset.done $0x0  }
0x36: {  	s4 =	simm.s32 @!p0 $0x7;
	[sflag:s15] =	ssyncadd.s32 $0xFFFFC000  }
0x37: {  	[hbm4b:s8+s2] =	stream.linear.scatter [tilespmem:s13], [sflag:$0x5], $0x4000, $0x38;
	[tilespmem:$0x14E80] =	vst v63  }
0x38: {  	_ =	swait.ge @!p0 [sflag:s4], $0x4000  }
0x39: {  	s26 =	sshra.s32 s25, $0x2;
	[sflag:s4] =	ssyncset.done @!p0 $0x0  }
0x3a: {  	s5 =	sadd.s32 $0x100, s26;
	[sflag:s4] =	ssyncadd.s32 @!p0 $0xFFFFC000  }
0x3b: {  	[tilespmem:s16], [sflag:$0x3] =	stream.indirect.gather [hbm4b:s3+s12], $0x80, s5, s12, $0xb8;
	[tilespmem:$0x14E80] =	vst v63  }
0x3c: {  	_ =	swait.ge [sflag:s17], $0x4000  }
0x3d: {  	[sflag:s17] =	ssyncset.done $0x0  }
0x3e: {  	s4 =	simm.s32 @!p0 $0x8;
	[sflag:s17] =	ssyncadd.s32 $0xFFFFC000  }
0x3f: {  	[hbm4b:s7+s2] =	stream.linear.scatter [tilespmem:s14], [sflag:$0x6], $0x4000, $0x38;
	[tilespmem:$0x14E80] =	vst v63  }
0x40: {  	_ =	swait.ge @!p0 [sflag:s4], $0x4000  }
0x41: {  	[sflag:s4] =	ssyncset.done @!p0 $0x0  }
0x42: {  	s6 =	sadd.s32 $0x180, s26;
	[sflag:s4] =	ssyncadd.s32 @!p0 $0xFFFFC000  }
0x43: {  	[tilespmem:s18], [sflag:$0x4] =	stream.indirect.gather [hbm4b:s3+s12], $0x80, s6, s12, $0xb8;
	[tilespmem:$0x14E80] =	vst v63  }
0x44: {  	_ =	swait.ge [sflag:s19], $0x4000  }
0x45: {  	p0 =	seq.s32 s25, $0x13000;
	[sflag:s19] =	ssyncset.done $0x0  }
0x46: {  	s4 =	simm.s32 @!p0 $0x5;
	[sflag:s19] =	ssyncadd.s32 $0xFFFFC000  }
0x47: {  	[hbm4b:s30+s2] =	stream.linear.scatter [tilespmem:s16], [sflag:$0x7], $0x4000, $0x38;
	[tilespmem:$0x14E80] =	vst v63  }
0x48: {  	_ =	swait.ge @!p0 [sflag:s4], $0x4000  }
0x49: {  	[sflag:s4] =	ssyncset.done @!p0 $0x0  }
0x4a: {  	[sflag:s4] =	ssyncadd.s32 @!p0 $0xFFFFC000;
	s4 =	sshra.s32 @!p0 s25, $0x2  }
0x4b: {  	s5 =	simm.s32 @!p0 $0x80;
	s6 =	simm.s32 @!p0 $0x4E80;
	s4 =	sadd.s32 @!p0 $0x200, s4  }
0x4c: {  	[tilespmem:s6], [sflag:$0x1] =	stream.indirect.gather @!p0 [hbm4b:s3+s5], $0x80, s4, s5, $0xb8;
	[tilespmem:$0x14E80] =	vst v63  }
.Ltmp2:
0x4d: {  	_ = 	snop;
	(pc) =	sbr.rel @p0 .LBB2_4-.Ltmp2, $4  }
0x4e: {  	_ =	swait.ge [sflag:s20], $0x4000  }
0x4f: {  	[sflag:s20] =	ssyncset.done $0x0  }
0x50: {  	[sflag:s20] =	ssyncadd.s32 $0xFFFFC000  }
0x51: {  	[hbm4b:s31+s2] =	stream.linear.scatter [tilespmem:s18], [sflag:$0x8], $0x4000, $0x38;
	[tilespmem:$0x14E80] =	vst v63  }
.Ltmp3:
0x52: {  	(pc) =	sbr.rel .LBB2_2-.Ltmp3, $4  }
0x53: {  	_ =	swait.ge [sflag:s22], $0x4000;
	s4 =	sadd.s32 $0x280, s26;
	s25 =	sadd.s32 $0x800, s25  }
0x54: {  	s7 =	sadd.s32 $0x2000, s7;
	s8 =	sadd.s32 $0x2000, s8;
	[sflag:s22] =	ssyncset.done $0x0  }
0x55: {  	s31 =	sadd.s32 $0x2000, s31;
	s30 =	sadd.s32 $0x2000, s30;
	[sflag:s22] =	ssyncadd.s32 $0xFFFFC000  }
0x56: {  	[tilespmem:s14], [sflag:$0x2] =	stream.indirect.gather [hbm4b:s3+s12], $0x80, s4, s12, $0xb8;
	[tilespmem:$0x14E80] =	vst v63  }
.LBB2_5:
0x57: {  	_ =	sfence.sel $0x180000  }
0x58: {  	[bflag:$0x0] =	sbarrier.arrive $0xFFFF  }
0x59: {  	_ =	strace $0x9000004D  }
0x5a: {  	s0 =	stileid.u32;
	[bflag:$0x2] =	sbarrier.arrive $0xFFFF  }
0x5b: {  	p0 =	sne.s32 s0, $0x0;
	s0 =	rddreg [dreg:$0x2]  }
0x5c: {  	s0 =	sadd.s32 @!p0 $0x100000, s0  }
0x5d: {  	[sflag:s0] =	ssyncadd.tile.s32 @!p0 $0x1;
	_ =	shalt  }
.Lfunc_end2:
_tile_overlayer_lowered:
.L_overlay_start_2:
0x5e: {  	(tag) =	ssettag $0x2  }
0x5f: {  	s0 =	rddreg [dreg:$0x0];
	s2 =	stileid.u32  }
0x60: {  	s1 =	rddreg [dreg:$0x1];
	p0 =	sne.s32 s2, $0x0  }
0x61: {  	s3 =	rddreg [dreg:$0x2];
	[bflag:$0x3] =	sbarrier.arrive $0xFFFF;
	s2 =	simm.s32 @!p0 $0x1C0A  }
0x62: {  	[timem:s3], [sflag:s2] =	dma.local @!p0 [hbm:s0], s1  }
0x63: {  	s0 =	simm.s32 @!p0 $0xA  }
0x64: {  	_ =	swait.ge @!p0 [sflag:s0], s1  }
0x65: {  	s1 =	ssub.s32 @!p0 $0x0, s1;
	[sflag:s0] =	ssyncset.done @!p0 $0x0  }
0x66: {  	[sflag:s0] =	ssyncadd.s32 @!p0 s1  }
0x67: {  	[bflag:$0x3] =	sbarrier.arrive $0xFFFF  }
0x68: {  	_ =	shalt  }

// kernel: kernel.9.cloned.1.call-start
scs
__scs_entry_jumppad:
0x0: {  	(pc) =	sbr.rel $0x88, $3  }
0x1: {  	(tag) =	ssettag $0x0;
	lr =	simm.s32 $0x1  }
0x2: {  	[smem:$0x3F9D] =	sst lr;
	_ =	strace $0xD0000000  }
0x3: {  	_ = 	snop  }
0x4: {  	_ = 	snop  }
0x5: {  	_ = 	snop  }
0x6: {  	_ = 	snop  }
0x7: {  	_ = 	snop  }
__scs_overlays_trampoline_lowered:
0x8: {  	[smem:$0x3FAC] =	sst s0  }
0x9: {  	[smem:$0x3FAD] =	sst s1  }
0xa: {  	[smem:$0x3FAE] =	sst s2  }
0xb: {  	[smem:$0x3FAF] =	sst s3  }
0xc: {  	[smem:$0x3FB0] =	sst s4  }
0xd: {  	[smem:$0x3FB1] =	sst s5  }
0xe: {  	[smem:$0x3FB2] =	sst s6  }
0xf: {  	[smem:$0x3FB3] =	sst s7  }
0x10: {  	[smem:$0x3FB4] =	sst s8  }
0x11: {  	[smem:$0x3FB5] =	sst s9;
	s0 =	simm.s32 @!p0 $0x0  }
0x12: {  	s1 =	sld [smem:$0x3F9B];
	s0 =	simm.s32 @p0 $0x1  }
0x13: {  	[smem:$0x3FB6] =	sst s0;
	s0 =	simm.s32 @!p1 $0x0  }
0x14: {  	s2 =	sld [smem:$0x3F9A];
	s0 =	simm.s32 @p1 $0x1  }
0x15: {  	[smem:$0x3FB7] =	sst s0;
	s0 =	simm.s32 @!p2 $0x0  }
0x16: {  	s3 =	sld [smem:$0x3FDB];
	s0 =	simm.s32 @p2 $0x1  }
0x17: {  	s4 =	simm.s32 $0x1BF5;
	[smem:$0x3FB9] =	sst s0  }
0x18: {  	s0 =	sld [smem:$0x3F9C];
	_ =	swait.ge [sflag:s4], $0x0  }
0x19: {  	s7 =	sld [smem:$0x3F9D]  }
0x1a: {  	s8 =	sadd.s32 $0xFFFFE003, lr  }
0x1b: {  	s9 =	sadd.s32 $0xFFFFFEF7, lr;
	s5 =	simm.s32 $0xFFFFFFFF;
	p2 =	slt.u32 s8, $0xFFFFF086  }
0x1c: {  	p1 =	slt.u32 s9, $0xF7A;
	s5 =	simm.s32 @!p2 $0x0  }
0x1d: {  	s5 =	simm.s32 @p1 $0x1;
	p0 =	seq.s32 s7, s2  }
0x1e: {  	s7 =	smul.u32 @!p0 $0xF7A, s2;
	p2 =	seq.s32 @!p0 s5, $0x0  }
0x1f: {  	s9 =	smul.u32 $0xF7A, s1;
	s8 =	simm.s32 @!p0 $0x1BF5;
	p2 =	por !p2, p0  }
0x20: {  	[sflag:s8] =	ssyncset.s32 @!p0 $0xFFFFF086;
	s6 =	sadd.s32 @!p0 s3, s7;
	s7 =	simm.s32 @!p0 $0x108  }
0x21: {  	s3 =	sadd.s32 s3, s9;
	s6 =	sadd.s32 @!p0 $0x88, s6;
	s7 =	simm.s32 @p2 $0x1082  }
0x22: {  	[simem:s7], [sflag:s8] =	dma.local @!p0 [hbm:s6], $0xF7A  }
0x23: {  	s9 =	sor.u32 $0xD0000000, s2;
	s6 =	simm.s32 $0x108;
	_ =	swait.ge @!p0 [sflag:s8], $0x0  }
0x24: {  	s3 =	sadd.s32 $0x88, s3;
	s6 =	simm.s32 @!p1 $0x1082;
	[sflag:s4] =	ssyncset.s32 $0xFFFFF086  }
0x25: {  	[simem:s6], [sflag:s4] =	dma.local [hbm:s3], $0xF7A  }
0x26: {  	[smem:$0x3F9D] =	sst s1;
	(tag) =	ssettag s2;
	_ =	strace s9  }
0x27: {  	s1 =	sld [smem:$0x3FAD]  }
0x28: {  	s2 =	sld [smem:$0x3FAE]  }
0x29: {  	s4 =	sld [smem:$0x3FB0]  }
0x2a: {  	p0 =	seq.s32 s5, $0x0;
	s5 =	sld [smem:$0x3FB1]  }
0x2b: {  	s6 =	sld [smem:$0x3FB2]  }
0x2c: {  	s7 =	sld [smem:$0x3FB3]  }
0x2d: {  	s3 =	simm.s32 $0x108;
	s8 =	sld [smem:$0x3FB4]  }
0x2e: {  	s3 =	simm.s32 @!p0 $0x1082;
	s9 =	sld [smem:$0x3FB5]  }
0x2f: {  	lr =	sadd.s32 s0, s3;
	s0 =	sld [smem:$0x3FAC]  }
0x30: {  	s3 =	sld [smem:$0x3FAF]  }
0x31: {  	[smem:$0x3FB8] =	sst s10  }
0x32: {  	s10 =	sld [smem:$0x3FB6];
	_ =	sdelay $0x3  }
0x33: {  	p0 =	seq.s32 s10, $0x1;
	s10 =	sld [smem:$0x3FB8];
	_ =	sdelay $0x3  }
0x34: {  	[smem:$0x3FB8] =	sst s10  }
0x35: {  	s10 =	sld [smem:$0x3FB7];
	_ =	sdelay $0x3  }
0x36: {  	p1 =	seq.s32 s10, $0x1;
	s10 =	sld [smem:$0x3FB8];
	_ =	sdelay $0x3  }
0x37: {  	[smem:$0x3FB8] =	sst s10  }
0x38: {  	s10 =	sld [smem:$0x3FB9]  }
0x39: {  	_ = 	snop;
	(pc) =	sbr.ind lr, $3  }
0x3a: {  	_ = 	snop  }
0x3b: {  	_ = 	snop  }
0x3c: {  	p2 =	seq.s32 s10, $0x1;
	s10 =	sld [smem:$0x3FB8]  }
0x3d: {  	_ =	shalt  }
0x3e: {  	_ =	shalt  }
0x3f: {  	_ =	shalt  }
0x40: {  	_ =	shalt  }
0x41: {  	_ =	shalt  }
0x42: {  	_ =	shalt  }
0x43: {  	_ =	shalt  }
0x44: {  	_ =	shalt  }
0x45: {  	_ =	shalt  }
0x46: {  	_ =	shalt  }
0x47: {  	_ =	shalt  }
0x48: {  	_ =	shalt  }
0x49: {  	_ =	shalt  }
0x4a: {  	_ =	shalt  }
0x4b: {  	_ =	shalt  }
0x4c: {  	_ =	shalt  }
0x4d: {  	_ =	shalt  }
0x4e: {  	_ =	shalt  }
0x4f: {  	_ =	shalt  }
0x50: {  	_ =	shalt  }
0x51: {  	_ =	shalt  }
0x52: {  	_ =	shalt  }
0x53: {  	_ =	shalt  }
0x54: {  	_ =	shalt  }
0x55: {  	_ =	shalt  }
0x56: {  	_ =	shalt  }
0x57: {  	_ =	shalt  }
0x58: {  	_ =	shalt  }
0x59: {  	_ =	shalt  }
0x5a: {  	_ =	shalt  }
0x5b: {  	_ =	shalt  }
0x5c: {  	_ =	shalt  }
0x5d: {  	_ =	shalt  }
0x5e: {  	_ =	shalt  }
0x5f: {  	_ =	shalt  }
0x60: {  	_ =	shalt  }
0x61: {  	_ =	shalt  }
0x62: {  	_ =	shalt  }
0x63: {  	_ =	shalt  }
0x64: {  	_ =	shalt  }
0x65: {  	_ =	shalt  }
0x66: {  	_ =	shalt  }
0x67: {  	_ =	shalt  }
0x68: {  	_ =	shalt  }
0x69: {  	_ =	shalt  }
0x6a: {  	_ =	shalt  }
0x6b: {  	_ =	shalt  }
0x6c: {  	_ =	shalt  }
0x6d: {  	_ =	shalt  }
0x6e: {  	_ =	shalt  }
0x6f: {  	_ =	shalt  }
0x70: {  	_ =	shalt  }
0x71: {  	_ =	shalt  }
0x72: {  	_ =	shalt  }
0x73: {  	_ =	shalt  }
0x74: {  	_ =	shalt  }
0x75: {  	_ =	shalt  }
0x76: {  	_ =	shalt  }
0x77: {  	_ =	shalt  }
0x78: {  	_ =	shalt  }
0x79: {  	_ =	shalt  }
0x7a: {  	_ =	shalt  }
0x7b: {  	_ =	shalt  }
0x7c: {  	_ =	shalt  }
0x7d: {  	_ =	shalt  }
0x7e: {  	_ =	shalt  }
0x7f: {  	_ =	shalt  }
0x80: {  	_ =	shalt  }
0x81: {  	_ =	shalt  }
0x82: {  	_ =	shalt  }
0x83: {  	_ =	shalt  }
0x84: {  	_ =	shalt  }
0x85: {  	_ =	shalt  }
0x86: {  	_ =	shalt  }
0x87: {  	_ =	shalt  }
.Lfunc_end0:
.L_simem_size_0:
called_computation_lowered:
.L_overlay_start_0:
0x88: {  	s2 =	sld [smem:$0x3FD9]  }
0x89: {  	s3 =	sld [smem:$0x3FFE];
	_ =	sdelay $0x1  }
0x8a: {  	s1 =	srdreg.scid  }
0x8b: {  	s0 =	sand.u32 $0x1, s1  }
0x8c: {  	s17 =	sshll.u32 s0, $0xA;
	s2 =	sadd.s32 s3, s2  }
0x8d: {  	s2 =	sadd.s32 s2, s17  }
0x8e: {  	[smem:$0x3FC4] =	sst s2  }
0x8f: {  	_ = 	snop  }
0x90: {  	s2 =	sld [smem:$0x3FD0];
	(tm) =	ssettm $0x1  }
0x91: {  	s18 =	sld [smem:$0x3FFB];
	_ =	sdelay $0x3  }
0x92: {  	_ =	strace s18  }
0x93: {  	s3 =	sld [smem:$0x3FFC];
	_ =	sdelay $0x3  }
0x94: {  	_ =	strace s3  }
0x95: {  	s3 =	sld [smem:$0x3FFD];
	_ =	sdelay $0x3  }
0x96: {  	_ =	strace s3  }
0x97: {  	_ =	strace $0x8FFFFFFF  }
0x98: {  	s19 =	sld [smem:$0x3FDB];
	_ =	sdelay $0x1  }
0x99: {  	s4 =	simm.s32 $_scs_section_size  }
0x9a: {  	s5 =	simm.s32 $_size__tile_overlayer_lowered;
	s6 =	simm.s32 $_tile_overlayer_lowered  }
0x9b: {  	s22 =	simm.s32 $0x1BFF;
	s21 =	sshll.u32 s6, $0x1;
	s3 =	sadd.s32 s4, s19  }
0x9c: {  	s7 =	simm.s32 $0x0;
	s20 =	sshll.u32 s5, $0x1;
	s5 =	sadd.s32 s21, s3  }
0x9d: {  	[timem:s7], [sflag:s22] =	dma.local [hbm:s5], s20  }
0x9e: {  	_ =	swait.ge [sflag:s22], s20  }
0x9f: {  	s4 =	ssub.s32 $0x0, s20;
	[sflag:s22] =	ssyncset.done $0x0  }
0xa0: {  	[sflag:s22] =	ssyncadd.s32 s4;
	_ =	sdelay $0x1  }
0xa1: {  	s23 =	simm.s32 $0x1B8B  }
0xa2: {  	_ =	swait.ge [sflag:s23], $0x1  }
0xa3: {  	[sflag:s23] =	ssyncset.done $0x0  }
0xa4: {  	s25 =	simm.s32 $0x1B8E;
	s24 =	sld [smem:$0x3FFE];
	[sflag:s23] =	ssyncadd.s32 $0xFFFFFFFF  }
0xa5: {  	s26 =	simm.s32 $execute0_lowered;
	[smem:$0x3FD2] =	sst s25  }
0xa6: {  	s5 =	sshll.u32 s26, $0x1;
	_ =	strace $0x80000046;
	[dreg:$0x1] =	wrdreg $0xFFFFFFFF  }
0xa7: {  	s28 =	simm.s32 $_size_execute0_lowered;
	s3 =	sadd.s32 s3, s5;
	[dreg:$0x0] =	wrdreg $0x0  }
0xa8: {  	s5 =	sshll.u32 s28, $0x1;
	[dreg:$0x2] =	wrdreg s3  }
0xa9: {  	[dreg:$0x3] =	wrdreg s5  }
0xaa: {  	[dreg:$0x4] =	wrdreg $0xC0  }
0xab: {  	_ =	task [dreg:s7], $0x5FFFF  }
0xac: {  	[dreg:$0x1] =	wrdreg $0xFFFFFFFF  }
0xad: {  	[dreg:$0x0] =	wrdreg $0x60  }
0xae: {  	[dreg:$0x2] =	wrdreg s24  }
0xaf: {  	[dreg:$0x3] =	wrdreg s2  }
0xb0: {  	[dreg:$0x4] =	wrdreg $0x9  }
0xb1: {  	_ =	task.clear_ibuf [dreg:s7], $0x5FFFF;
	_ =	strace $0x90000046  }
0xb2: {  	s29 =	simm.s32 $0x9;
	_ =	strace $0x80000048  }
0xb3: {  	_ =	swait.ge [sflag:s29], $0x1  }
0xb4: {  	[sflag:s29] =	ssyncadd.s32 $0xFFFFFFFF  }
0xb5: {  	_ =	strace $0x90000048  }
0xb6: {  	_ =	sfence  }
0xb7: {  	s30 =	sld [smem:$0x0];
	_ =	sdelay $0x2  }
0xb8: {  	s31 =	sshll.u32 s1, $0xD;
	s1 =	sshrl.u32 s1, $0x2  }
0xb9: {  	s3 =	sand.u32 $0x4000, s31;
	s1 =	sadd.s32 s1, s30  }
0xba: {  	s0 =	sor.u32 s3, s0;
	s1 =	sshll.u32 s1, $0x11  }
0xbb: {  	s0 =	sor.u32 s1, s0  }
0xbc: {  	s0 =	sadd.s32 $0x8F2B, s0  }
0xbd: {  	[sflag:s0] =	ssyncadd.remote.s32 $0x1  }
0xbe: {  	_ =	sfence.sel $0xFFFF  }
0xbf: {  	[dreg:$0x0] =	wrdreg $0xFFFFFFFF;
	(pc) =	sbr.abs _section_cstart, $3  }
0xc0: {  	[dreg:$0x1] =	wrdreg $0xFFFFFFFF  }
0xc1: {  	_ =	task.clear_ibuf [dreg:s7], $0x2FFFF;
	_ =	strace $0x9FFFFFFF  }
0xc2: {  	(tm) =	ssettm $0x7FFFFFFF  }
0xc3: {  	_ =	shalt  }
tec
execute0_lowered:
.L_overlay_start_1:
0x0: {  	(tag) =	ssettag $0x1  }
0x1: {  	s3 =	rddreg [dreg:$0x0]  }
0x2: {  	s1 =	srdreg.scid;
	s0 =	stileid.u32  }
0x3: {  	s4 =	rddreg [dreg:$0x1];
	s9 =	simm.s32 $0x400;
	s10 =	simm.s32 $0x2  }
0x4: {  	s5 =	sand.u32 $0x1, s1;
	s2 =	sshll.u32 s0, $0x1;
	s1 =	rddreg [dreg:$0x2]  }
0x5: {  	s7 =	sshrl.u32 s0, $0x2;
	s6 =	sor.u32 s5, s2;
	s2 =	simm.s32 $0x0  }
0x6: {  	s7 =	smul.u32 $0x13C00, s7;
	s5 =	ssub.s32 $0x2, s5;
	s8 =	sshll.u32 s6, $0x7  }
0x7: {  	[smem:$0x7FF] =	sst s2;
	s6 =	smul.u32 $0x4E2, s6;
	s31 =	sshrl.u32 s5, $0x1  }
0x8: {  	s8 =	sand.u32 $0x380, s8;
	_ =	strace $0x80000047;
	s5 =	ssub.s32 s5, s31  }
0x9: {  	s7 =	sor.u32 s7, s8;
	s3 =	sadd.s32 s6, s3;
	s5 =	smax.u32 s5, $0x1  }
0xa: {  	s6 =	simm.s32 $0x1;
	s8 =	simm.s32 $0x80;
	s7 =	sshrl.u32 s7, $0x3  }
0xb: {  	v0 =	vimm.f32 $0.0e+00;
	v1 =	vimm.f32 $1.000000000e+00;
	s3 =	sadd.s32 $0x1600, s3;
	s4 =	sadd.s32 s4, s7;
	s7 =	simm.s32 $0x2780  }
.LBB2_1:
0xc: {  	s11 =	simm.s32 $0x40;
	s12 =	simm.s32 $0x0  }
.LBB2_2:
0xd: {  	p0 =	sne.s32 s11, $0x9C00;
	[tilespmem:s12+$0x2780] =	vst v0;
	s12 =	smov.u32 s11;
	s11 =	sadd.s32 $0x40, s11  }
.Ltmp0:
0xe: {  	(pc) =	sbr.rel @p0 .LBB2_2-.Ltmp0, $2  }
0xf: {  	_ =	sdelay $0x2  }
0x10: {  	s12 =	sshra.s32 s12, $0x2  }
0x11: {  	[tilespmem:s12+$0x2780] =	vst v0;
	s11 =	simm.s32 $0x0  }
0x12: {  	[tilespmem:s11], [sflag:$0x1] =	stream.linear.gather [hbm4b:s3+s11], $0x2710, $0x38;
	[tilespmem:$0x4F00] =	vst v63  }
0x13: {  	_ =	swait.ge [sflag:s6], $0x2710  }
0x14: {  	[sflag:s6] =	ssyncset.done $0x0  }
0x15: {  	s12 =	simm.s32 $0x0;
	s11 =	simm.s32 $0x40;
	[sflag:s6] =	ssyncadd.s32 $0xFFFFD8F0  }
.LBB2_4:
0x16: {  	p0 =	sne.s32 s11, $0x9C00;
	v2 =	vld [tilespmem:s12+$0x0];
	_ =	sdelay $0x3  }
.Ltmp1:
0x17: {  	(pc) =	sbr.rel @p0 .LBB2_4-.Ltmp1, $2  }
0x18: {  	_ =	sdelay $0x2  }
0x19: {  	s12 =	sshra.s32 s11, $0x2;
	s11 =	sadd.s32 $0x40, s11;
	[tilespmem:v2+s7+$0x0] =	vst.idx.add.f32.msk $0xffff, v1  }
0x1a: {  	v2 =	vld [tilespmem:s12+$0x0];
	_ =	sdelay $0x5  }
0x1b: {  	s2 =	sadd.s32 $0x1, s2  }
0x1c: {  	p0 =	sne.s32 s2, s5  }
.Ltmp2:
0x1d: {  	[tilespmem:v2+s7+$0x0] =	vst.idx.add.f32.msk $0xffff, v1;
	(pc) =	sbr.rel @p0 .LBB2_1-.Ltmp2, $4  }
0x1e: {  	[hbm4b:s4+s8] =	stream.strided.scatter [tilespmem:s7], [sflag:$0x2], $0x2780, s9, s8, $0x38;
	[tilespmem:$0x4F00] =	vst v63  }
0x1f: {  	_ =	swait.ge [sflag:s10], $0x2780  }
0x20: {  	[sflag:s10] =	ssyncset.done $0x0  }
0x21: {  	[sflag:s10] =	ssyncadd.s32 $0xFFFFD880  }
0x22: {  	_ =	sfence.sel $0x180000  }
0x23: {  	[bflag:$0x0] =	sbarrier.arrive $0xFFFF  }
0x24: {  	p0 =	sne.s32 s0, $0x0;
	_ =	strace $0x90000047  }
0x25: {  	s0 =	sadd.s32 @!p0 $0x100000, s1;
	[bflag:$0x2] =	sbarrier.arrive $0xFFFF  }
0x26: {  	[sflag:s0] =	ssyncadd.tile.s32 @!p0 $0x1;
	_ =	shalt  }
.Lfunc_end2:
_tile_overlayer_lowered:
.L_overlay_start_2:
0x27: {  	(tag) =	ssettag $0x2  }
0x28: {  	s0 =	rddreg [dreg:$0x0];
	s2 =	stileid.u32  }
0x29: {  	s1 =	rddreg [dreg:$0x1];
	p0 =	sne.s32 s2, $0x0  }
0x2a: {  	s3 =	rddreg [dreg:$0x2];
	[bflag:$0x3] =	sbarrier.arrive $0xFFFF;
	s2 =	simm.s32 @!p0 $0x1C02  }
0x2b: {  	[timem:s3], [sflag:s2] =	dma.local @!p0 [hbm:s0], s1  }
0x2c: {  	s0 =	simm.s32 @!p0 $0x2  }
0x2d: {  	_ =	swait.ge @!p0 [sflag:s0], s1  }
0x2e: {  	s1 =	ssub.s32 @!p0 $0x0, s1;
	[sflag:s0] =	ssyncset.done @!p0 $0x0  }
0x2f: {  	[sflag:s0] =	ssyncadd.s32 @!p0 s1  }
0x30: {  	[bflag:$0x3] =	sbarrier.arrive $0xFFFF  }
0x31: {  	_ =	shalt  }

</sc_bundles>
